<compile_context>
chip_gen: v7x
topology: tpu7x:2x2x1
jax: 0.10.2.dev20260603
libtpu: 0.0.44.dev20260713+nightly
codegen_flags: <defaults>
</compile_context>

<pallas_src>
import functools

import jax
import jax.numpy as jnp
from jax import lax
from jax.experimental import pallas as pl
from jax.experimental.pallas import tpu as pltpu
from jax.experimental.pallas import tpu_sc as plsc

LANES = 16
NC, NS = 2, 16
NW = NC * NS
NBB = 8


def _tpe_body(x_hbm, tokT_hbm, posT_hbm, outT_hbm, row_v, posrow_v, xblk,
              oblk, x_sems, o_sems, ld_sem, *, batch, seq, dmodel):
    wid = lax.axis_index("s") * NC + lax.axis_index("c")
    nblk = batch // NBB
    npass = dmodel // NW

    def x_copy(blk, par):
        return pltpu.make_async_copy(x_hbm.at[pl.ds(blk * NBB, NBB)],
                                     xblk[par], x_sems[par])

    def o_copy_d(blk, par, d):
        return pltpu.make_async_copy(
            oblk[par], outT_hbm.at[pl.ds(blk * NBB, NBB), d],
            o_sems[par])

    for p in range(npass):
        d = wid + p * NW

        pltpu.async_copy(tokT_hbm.at[d], row_v, ld_sem)
        pltpu.async_copy(posT_hbm.at[d], posrow_v, ld_sem)
        if p > 0:
            for par in range(2):
                o_copy_d(nblk - 2 + par, par, wid + (p - 1) * NW).wait()
        x_copy(0, 0).start()
        pltpu.make_async_copy(tokT_hbm.at[d], row_v, ld_sem).wait()
        pltpu.make_async_copy(posT_hbm.at[d], posrow_v, ld_sem).wait()

        def o_copy(blk, par, d=d):
            return o_copy_d(blk, par, d)

        @pl.loop(0, nblk, step=2)
        def _pair(blk0, o_copy=o_copy):
            for par in range(2):
                blk = blk0 + par

                @pl.when(blk + 1 < nblk)
                def _prefetch(blk=blk, par=par):
                    x_copy(blk + 1, 1 - par).start()

                x_copy(blk, par).wait()

                @pl.when(blk - 2 >= 0)
                def _drain(blk=blk, par=par, o_copy=o_copy):
                    o_copy(blk - 2, par).wait()

                @plsc.parallel_loop(0, seq // LANES, unroll=4)
                def _sc(sc, par=par):
                    pv = posrow_v[pl.ds(sc * LANES, LANES)]
                    for bb in range(NBB):
                        idx = xblk[par][bb, pl.ds(sc * LANES, LANES)]
                        g = plsc.load_gather(row_v, [idx])
                        oblk[par][bb, pl.ds(sc * LANES, LANES)] = g + pv

                o_copy(blk, par).start()

    for par in range(2):
        o_copy_d(nblk - 2 + par, par, wid + (npass - 1) * NW).wait()


def kernel(x, token_table, pos_table):
    batch, seq = x.shape
    vocab, dmodel = token_table.shape

    idx = x.astype(jnp.int32)
    tokT = token_table.T
    posT = pos_table.T
    mesh = plsc.VectorSubcoreMesh(core_axis_name="c", subcore_axis_name="s")

    run = pl.kernel(
        functools.partial(_tpe_body, batch=batch, seq=seq, dmodel=dmodel),
        out_type=jax.ShapeDtypeStruct((batch, dmodel, seq), jnp.float32),
        mesh=mesh,
        scratch_types=[
            pltpu.VMEM((vocab,), jnp.float32),
            pltpu.VMEM((seq,), jnp.float32),
            [pltpu.VMEM((NBB, seq), jnp.int32) for _ in range(2)],
            [pltpu.VMEM((NBB, seq), jnp.float32) for _ in range(2)],
            [pltpu.SemaphoreType.DMA for _ in range(2)],
            [pltpu.SemaphoreType.DMA for _ in range(2)],
            pltpu.SemaphoreType.DMA,
        ],
        compiler_params=pltpu.CompilerParams(use_tc_tiling_on_sc=True,
                                             needs_layout_passes=False),
    )
    outT = run(idx, tokT, posT)
    return outT.transpose(0, 2, 1)

# --- scband reference (transcript-rebuilt; emitter-appended) ---
"""Pipeline reference for scband-token-and-position-embedding-4964982194570 (READ-ONLY COPY).

The authoritative reference and input builder live on the scoring server;
editing this copy changes nothing except your own understanding.
"""

import jax, jax.numpy as jnp
import numpy as np

MAXLEN = 512
VOCAB = 100000
EMBED_DIM = 64
BATCH = 1024

def setup_inputs(seed: int = 0) -> dict:
    key = jax.random.key(seed)
    k1, k2, k3 = jax.random.split(key, 3)
    x = jax.random.randint(k1, (BATCH, MAXLEN), 0, VOCAB, dtype=jnp.int64 if jax.config.jax_enable_x64 else jnp.int32)
    token_table = jax.random.normal(k2, (VOCAB, EMBED_DIM), dtype=jnp.float32) * 0.02
    pos_table = jax.random.normal(k3, (MAXLEN, EMBED_DIM), dtype=jnp.float32) * 0.02
    return {"x": x, "token_table": token_table, "pos_table": pos_table}

def reference(x, token_table, pos_table):
    # maxlen = tf.shape(x)[-1]; positions = tf.range(maxlen)
    seq_len = x.shape[-1]
    positions = jnp.arange(seq_len)
    pos_emb = jnp.take(pos_table, positions, axis=0)          # [S, D]
    tok_emb = jnp.take(token_table, x, axis=0)                 # [B, S, D]
    return tok_emb + pos_emb[None, :, :]

if __name__ == "__main__":
    import jax
    _d = setup_inputs()
    print(jax.jit(kernel)(*tuple(_d.values())))

</pallas_src>

<mosaic_0001>
#map = affine_map<(d0, d1) -> (0, 0)>
#map1 = affine_map<(d0, d1) -> (0, 0, 0)>
module attributes {stable_mosaic.version = 14 : i64} {
  func.func @_tpe_body(%arg0: i32, %arg1: i32, %arg2: memref<1024x512xi32, #tpu.memory_space<hbm>>, %arg3: memref<64x100000xf32, #tpu.memory_space<hbm>>, %arg4: memref<64x512xf32, #tpu.memory_space<hbm>>, %arg5: memref<1024x64x512xf32, #tpu.memory_space<hbm>>, %arg6: memref<100000xf32, #tpu.memory_space<vmem>>, %arg7: memref<512xf32, #tpu.memory_space<vmem>>, %arg8: memref<8x512xi32, #tpu.memory_space<vmem>>, %arg9: memref<8x512xi32, #tpu.memory_space<vmem>>, %arg10: memref<8x512xf32, #tpu.memory_space<vmem>>, %arg11: memref<8x512xf32, #tpu.memory_space<vmem>>, %arg12: memref<!tpu.dma_semaphore, #tpu.memory_space<semaphore_mem>>, %arg13: memref<!tpu.dma_semaphore, #tpu.memory_space<semaphore_mem>>, %arg14: memref<!tpu.dma_semaphore, #tpu.memory_space<semaphore_mem>>, %arg15: memref<!tpu.dma_semaphore, #tpu.memory_space<semaphore_mem>>, %arg16: memref<!tpu.dma_semaphore, #tpu.memory_space<semaphore_mem>>) attributes {dimension_semantics = [#tpu.dimension_semantics<core_parallel>, #tpu.dimension_semantics<subcore_parallel>], iteration_bounds = array<i64: 2, 16>, scalar_prefetch = 0 : i64, scratch_operands = 11 : i64, tpu.core_type = #tpu.core_type<sc_vector_subcore>, window_params = [{transform_indices = #map}, {transform_indices = #map}, {transform_indices = #map}, {transform_indices = #map1}]} {
    %mul3A = arith.constant 2 : i32
    %mul3A_0 = arith.muli %arg1, %mul3A : i32
    %add3A = arith.addi %mul3A_0, %arg0 : i32
    %add3A_1 = arith.constant 0 : i32
    %add3A_2 = arith.addi %add3A, %add3A_1 : i32
    %dma_start3A = arith.constant 0 : i32
    %dma_start3A_3 = tpu.memref_slice %arg3[%add3A_2, %dma_start3A] : memref<64x100000xf32, #tpu.memory_space<hbm>> -> memref<1x100000xf32, #tpu.memory_space<hbm>>
    %dma_start3A_4 = tpu.memref_squeeze %dma_start3A_3 : memref<1x100000xf32, #tpu.memory_space<hbm>> -> memref<100000xf32, #tpu.memory_space<hbm>>
    %dma_start3A_5 = arith.constant 0 : i32
    %dma_start3A_6 = tpu.memref_slice %arg3[%add3A_2, %dma_start3A_5] : memref<64x100000xf32, #tpu.memory_space<hbm>> -> memref<1x100000xf32, #tpu.memory_space<hbm>>
    %dma_start3A_7 = tpu.memref_squeeze %dma_start3A_6 : memref<1x100000xf32, #tpu.memory_space<hbm>> -> memref<100000xf32, #tpu.memory_space<hbm>>
    tpu.enqueue_dma source(%dma_start3A_7 : memref<100000xf32, #tpu.memory_space<hbm>>) target(%arg6 : memref<100000xf32, #tpu.memory_space<vmem>>) target_semaphore(%arg16 : memref<!tpu.dma_semaphore, #tpu.memory_space<semaphore_mem>>)
    %dma_start3A_8 = arith.constant 0 : i32
    %dma_start3A_9 = tpu.memref_slice %arg4[%add3A_2, %dma_start3A_8] : memref<64x512xf32, #tpu.memory_space<hbm>> -> memref<1x512xf32, #tpu.memory_space<hbm>>
    %dma_start3A_10 = tpu.memref_squeeze %dma_start3A_9 : memref<1x512xf32, #tpu.memory_space<hbm>> -> memref<512xf32, #tpu.memory_space<hbm>>
    %dma_start3A_11 = arith.constant 0 : i32
    %dma_start3A_12 = tpu.memref_slice %arg4[%add3A_2, %dma_start3A_11] : memref<64x512xf32, #tpu.memory_space<hbm>> -> memref<1x512xf32, #tpu.memory_space<hbm>>
    %dma_start3A_13 = tpu.memref_squeeze %dma_start3A_12 : memref<1x512xf32, #tpu.memory_space<hbm>> -> memref<512xf32, #tpu.memory_space<hbm>>
    tpu.enqueue_dma source(%dma_start3A_13 : memref<512xf32, #tpu.memory_space<hbm>>) target(%arg7 : memref<512xf32, #tpu.memory_space<vmem>>) target_semaphore(%arg16 : memref<!tpu.dma_semaphore, #tpu.memory_space<semaphore_mem>>)
    %dma_start3A_14 = arith.constant 0 : i32
    %dma_start3A_15 = arith.constant 0 : i32
    %dma_start3A_16 = tpu.memref_slice %arg2[%dma_start3A_14, %dma_start3A_15] : memref<1024x512xi32, #tpu.memory_space<hbm>> -> memref<8x512xi32, #tpu.memory_space<hbm>>
    %dma_start3A_17 = arith.constant 0 : i32
    %dma_start3A_18 = arith.constant 0 : i32
    %dma_start3A_19 = tpu.memref_slice %arg2[%dma_start3A_17, %dma_start3A_18] : memref<1024x512xi32, #tpu.memory_space<hbm>> -> memref<8x512xi32, #tpu.memory_space<hbm>>
    tpu.enqueue_dma source(%dma_start3A_19 : memref<8x512xi32, #tpu.memory_space<hbm>>) target(%arg8 : memref<8x512xi32, #tpu.memory_space<vmem>>) target_semaphore(%arg12 : memref<!tpu.dma_semaphore, #tpu.memory_space<semaphore_mem>>)
    %dma_wait3A = arith.constant 0 : i32
    %dma_wait3A_20 = tpu.memref_slice %arg3[%add3A_2, %dma_wait3A] : memref<64x100000xf32, #tpu.memory_space<hbm>> -> memref<1x100000xf32, #tpu.memory_space<hbm>>
    %dma_wait3A_21 = tpu.memref_squeeze %dma_wait3A_20 : memref<1x100000xf32, #tpu.memory_space<hbm>> -> memref<100000xf32, #tpu.memory_space<hbm>>
    %dma_wait3A_22 = arith.constant 0 : i32
    %dma_wait3A_23 = tpu.memref_slice %arg3[%add3A_2, %dma_wait3A_22] : memref<64x100000xf32, #tpu.memory_space<hbm>> -> memref<1x100000xf32, #tpu.memory_space<hbm>>
    %dma_wait3A_24 = tpu.memref_squeeze %dma_wait3A_23 : memref<1x100000xf32, #tpu.memory_space<hbm>> -> memref<100000xf32, #tpu.memory_space<hbm>>
    tpu.wait_dma2 semaphore(%arg16 : memref<!tpu.dma_semaphore, #tpu.memory_space<semaphore_mem>>) src(%dma_wait3A_24 : memref<100000xf32, #tpu.memory_space<hbm>>) dst(%arg6 : memref<100000xf32, #tpu.memory_space<vmem>>)
    %dma_wait3A_25 = arith.constant 0 : i32
    %dma_wait3A_26 = tpu.memref_slice %arg4[%add3A_2, %dma_wait3A_25] : memref<64x512xf32, #tpu.memory_space<hbm>> -> memref<1x512xf32, #tpu.memory_space<hbm>>
    %dma_wait3A_27 = tpu.memref_squeeze %dma_wait3A_26 : memref<1x512xf32, #tpu.memory_space<hbm>> -> memref<512xf32, #tpu.memory_space<hbm>>
    %dma_wait3A_28 = arith.constant 0 : i32
    %dma_wait3A_29 = tpu.memref_slice %arg4[%add3A_2, %dma_wait3A_28] : memref<64x512xf32, #tpu.memory_space<hbm>> -> memref<1x512xf32, #tpu.memory_space<hbm>>
    %dma_wait3A_30 = tpu.memref_squeeze %dma_wait3A_29 : memref<1x512xf32, #tpu.memory_space<hbm>> -> memref<512xf32, #tpu.memory_space<hbm>>
    tpu.wait_dma2 semaphore(%arg16 : memref<!tpu.dma_semaphore, #tpu.memory_space<semaphore_mem>>) src(%dma_wait3A_30 : memref<512xf32, #tpu.memory_space<hbm>>) dst(%arg7 : memref<512xf32, #tpu.memory_space<vmem>>)
    %scan3A = arith.constant 0 : i32
    %scan3A_31 = arith.constant 64 : i32
    %scan3A_32 = arith.addi %scan3A, %scan3A_31 : i32
    %scan3A_33 = arith.constant 1 : i32
    scf.for %scan3A_112 = %scan3A to %scan3A_32 step %scan3A_33  : i32 {
      %mul3A_113 = arith.constant 2 : i32
      %mul3A_114 = arith.muli %scan3A_112, %mul3A_113 : i32
      %add3A_115 = arith.constant 0 : i32
      %add3A_116 = arith.addi %add3A_115, %mul3A_114 : i32
      %add3A_117 = arith.constant 0 : i32
      %add3A_118 = arith.addi %add3A_116, %add3A_117 : i32
      %add3A_119 = arith.constant 1 : i32
      %add3A_120 = arith.addi %add3A_118, %add3A_119 : i32
      %lt3A = arith.constant 128 : i32
      %lt3A_121 = arith.cmpi slt, %add3A_120, %lt3A : i32
      %convert_element_type3A = arith.extui %lt3A_121 : i1 to i32
      %cond3A = arith.constant 0 : i32
      %cond3A_122 = arith.cmpi ne, %convert_element_type3A, %cond3A : i32
      scf.if %cond3A_122 {
        %add3A_177 = arith.constant 1 : i32
        %add3A_178 = arith.addi %add3A_118, %add3A_177 : i32
        %mul3A_179 = arith.constant 8 : i32
        %mul3A_180 = arith.muli %add3A_178, %mul3A_179 : i32
        %dma_start3A_181 = arith.constant 0 : i32
        %dma_start3A_182 = tpu.memref_slice %arg2[%mul3A_180, %dma_start3A_181] : memref<1024x512xi32, #tpu.memory_space<hbm>> -> memref<8x512xi32, #tpu.memory_space<hbm>>
        %dma_start3A_183 = arith.constant 0 : i32
        %dma_start3A_184 = tpu.memref_slice %arg2[%mul3A_180, %dma_start3A_183] : memref<1024x512xi32, #tpu.memory_space<hbm>> -> memref<8x512xi32, #tpu.memory_space<hbm>>
        tpu.enqueue_dma source(%dma_start3A_184 : memref<8x512xi32, #tpu.memory_space<hbm>>) target(%arg9 : memref<8x512xi32, #tpu.memory_space<vmem>>) target_semaphore(%arg13 : memref<!tpu.dma_semaphore, #tpu.memory_space<semaphore_mem>>)
      } else {
      }
      %mul3A_123 = arith.constant 8 : i32
      %mul3A_124 = arith.muli %add3A_118, %mul3A_123 : i32
      %dma_wait3A_125 = arith.constant 0 : i32
      %dma_wait3A_126 = tpu.memref_slice %arg2[%mul3A_124, %dma_wait3A_125] : memref<1024x512xi32, #tpu.memory_space<hbm>> -> memref<8x512xi32, #tpu.memory_space<hbm>>
      %dma_wait3A_127 = arith.constant 0 : i32
      %dma_wait3A_128 = tpu.memref_slice %arg2[%mul3A_124, %dma_wait3A_127] : memref<1024x512xi32, #tpu.memory_space<hbm>> -> memref<8x512xi32, #tpu.memory_space<hbm>>
      tpu.wait_dma2 semaphore(%arg12 : memref<!tpu.dma_semaphore, #tpu.memory_space<semaphore_mem>>) src(%dma_wait3A_128 : memref<8x512xi32, #tpu.memory_space<hbm>>) dst(%arg8 : memref<8x512xi32, #tpu.memory_space<vmem>>)
      %sub3A = arith.constant 2 : i32
      %sub3A_129 = arith.subi %add3A_118, %sub3A : i32
      %ge3A = arith.constant 0 : i32
      %ge3A_130 = arith.cmpi sge, %sub3A_129, %ge3A : i32
      %convert_element_type3A_131 = arith.extui %ge3A_130 : i1 to i32
      %cond3A_132 = arith.constant 0 : i32
      %cond3A_133 = arith.cmpi ne, %convert_element_type3A_131, %cond3A_132 : i32
      scf.if %cond3A_133 {
        %sub3A_177 = arith.constant 2 : i32
        %sub3A_178 = arith.subi %add3A_118, %sub3A_177 : i32
        %mul3A_179 = arith.constant 8 : i32
        %mul3A_180 = arith.muli %sub3A_178, %mul3A_179 : i32
        %dma_wait3A_181 = arith.constant 0 : i32
        %dma_wait3A_182 = tpu.memref_slice %arg5[%mul3A_180, %add3A_2, %dma_wait3A_181] : memref<1024x64x512xf32, #tpu.memory_space<hbm>> -> memref<8x1x512xf32, #tpu.memory_space<hbm>>
        %dma_wait3A_183 = tpu.memref_squeeze %dma_wait3A_182 : memref<8x1x512xf32, #tpu.memory_space<hbm>> -> memref<8x512xf32, #tpu.memory_space<hbm>>
        %dma_wait3A_184 = arith.constant 0 : i32
        %dma_wait3A_185 = tpu.memref_slice %arg5[%mul3A_180, %add3A_2, %dma_wait3A_184] : memref<1024x64x512xf32, #tpu.memory_space<hbm>> -> memref<8x1x512xf32, #tpu.memory_space<hbm>>
        %dma_wait3A_186 = tpu.memref_squeeze %dma_wait3A_185 : memref<8x1x512xf32, #tpu.memory_space<hbm>> -> memref<8x512xf32, #tpu.memory_space<hbm>>
        tpu.wait_dma2 semaphore(%arg14 : memref<!tpu.dma_semaphore, #tpu.memory_space<semaphore_mem>>) src(%arg10 : memref<8x512xf32, #tpu.memory_space<vmem>>) dst(%dma_wait3A_186 : memref<8x512xf32, #tpu.memory_space<hbm>>)
      } else {
      }
      %parallel_loop3A = arith.constant 0 : i32
      %parallel_loop3A_134 = arith.constant 32 : i32
      %parallel_loop3A_135 = arith.constant 1 : i32
      scf.for %parallel_loop3A_177 = %parallel_loop3A to %parallel_loop3A_134 step %parallel_loop3A_135  : i32 {
        %parallel_loop3A_178 = arith.constant 16 : i32
        %parallel_loop3A_179 = arith.muli %parallel_loop3A_177, %parallel_loop3A_178 : i32
        %parallel_loop3A_180 = arith.index_cast %parallel_loop3A_179 : i32 to index
        %parallel_loop3A_181 = tpu.vector_load %arg7[%parallel_loop3A_180] {strides = array<i32>} : memref<512xf32, #tpu.memory_space<vmem>>, vector<16xf32>,
        %parallel_loop3A_182 = arith.constant 16 : i32
        %parallel_loop3A_183 = arith.muli %parallel_loop3A_177, %parallel_loop3A_182 : i32
        %parallel_loop3A_184 = arith.constant 0 : i32
        %parallel_loop3A_185 = arith.index_cast %parallel_loop3A_184 : i32 to index
        %parallel_loop3A_186 = arith.index_cast %parallel_loop3A_183 : i32 to index
        %parallel_loop3A_187 = tpu.vector_load %arg8[%parallel_loop3A_185, %parallel_loop3A_186] {strides = array<i32>} : memref<8x512xi32, #tpu.memory_space<vmem>>, vector<16xi32>,
        %parallel_loop3A_188 = tpu.vector_load_idx %arg6[%parallel_loop3A_187] : memref<100000xf32, #tpu.memory_space<vmem>>[vector<16xi32>], vector<16xf32>,
        %parallel_loop3A_189 = arith.addf %parallel_loop3A_188, %parallel_loop3A_181 : vector<16xf32>
        %parallel_loop3A_190 = arith.constant 16 : i32
        %parallel_loop3A_191 = arith.muli %parallel_loop3A_177, %parallel_loop3A_190 : i32
        %parallel_loop3A_192 = arith.constant 0 : i32
        %parallel_loop3A_193 = arith.index_cast %parallel_loop3A_192 : i32 to index
        %parallel_loop3A_194 = arith.index_cast %parallel_loop3A_191 : i32 to index
        %parallel_loop3A_195 = tpu.vector_load %arg10[%parallel_loop3A_193, %parallel_loop3A_194] {strides = array<i32>} : memref<8x512xf32, #tpu.memory_space<vmem>>, vector<16xf32>,
        tpu.vector_store %arg10[%parallel_loop3A_193, %parallel_loop3A_194], %parallel_loop3A_189 {strides = array<i32>} : memref<8x512xf32, #tpu.memory_space<vmem>>, vector<16xf32>,
        %parallel_loop3A_196 = arith.constant 16 : i32
        %parallel_loop3A_197 = arith.muli %parallel_loop3A_177, %parallel_loop3A_196 : i32
        %parallel_loop3A_198 = arith.constant 1 : i32
        %parallel_loop3A_199 = arith.index_cast %parallel_loop3A_198 : i32 to index
        %parallel_loop3A_200 = arith.index_cast %parallel_loop3A_197 : i32 to index
        %parallel_loop3A_201 = tpu.vector_load %arg8[%parallel_loop3A_199, %parallel_loop3A_200] {strides = array<i32>} : memref<8x512xi32, #tpu.memory_space<vmem>>, vector<16xi32>,
        %parallel_loop3A_202 = tpu.vector_load_idx %arg6[%parallel_loop3A_201] : memref<100000xf32, #tpu.memory_space<vmem>>[vector<16xi32>], vector<16xf32>,
        %parallel_loop3A_203 = arith.addf %parallel_loop3A_202, %parallel_loop3A_181 : vector<16xf32>
        %parallel_loop3A_204 = arith.constant 16 : i32
        %parallel_loop3A_205 = arith.muli %parallel_loop3A_177, %parallel_loop3A_204 : i32
        %parallel_loop3A_206 = arith.constant 1 : i32
        %parallel_loop3A_207 = arith.index_cast %parallel_loop3A_206 : i32 to index
        %parallel_loop3A_208 = arith.index_cast %parallel_loop3A_205 : i32 to index
        %parallel_loop3A_209 = tpu.vector_load %arg10[%parallel_loop3A_207, %parallel_loop3A_208] {strides = array<i32>} : memref<8x512xf32, #tpu.memory_space<vmem>>, vector<16xf32>,
        tpu.vector_store %arg10[%parallel_loop3A_207, %parallel_loop3A_208], %parallel_loop3A_203 {strides = array<i32>} : memref<8x512xf32, #tpu.memory_space<vmem>>, vector<16xf32>,
        %parallel_loop3A_210 = arith.constant 16 : i32
        %parallel_loop3A_211 = arith.muli %parallel_loop3A_177, %parallel_loop3A_210 : i32
        %parallel_loop3A_212 = arith.constant 2 : i32
        %parallel_loop3A_213 = arith.index_cast %parallel_loop3A_212 : i32 to index
        %parallel_loop3A_214 = arith.index_cast %parallel_loop3A_211 : i32 to index
        %parallel_loop3A_215 = tpu.vector_load %arg8[%parallel_loop3A_213, %parallel_loop3A_214] {strides = array<i32>} : memref<8x512xi32, #tpu.memory_space<vmem>>, vector<16xi32>,
        %parallel_loop3A_216 = tpu.vector_load_idx %arg6[%parallel_loop3A_215] : memref<100000xf32, #tpu.memory_space<vmem>>[vector<16xi32>], vector<16xf32>,
        %parallel_loop3A_217 = arith.addf %parallel_loop3A_216, %parallel_loop3A_181 : vector<16xf32>
        %parallel_loop3A_218 = arith.constant 16 : i32
        %parallel_loop3A_219 = arith.muli %parallel_loop3A_177, %parallel_loop3A_218 : i32
        %parallel_loop3A_220 = arith.constant 2 : i32
        %parallel_loop3A_221 = arith.index_cast %parallel_loop3A_220 : i32 to index
        %parallel_loop3A_222 = arith.index_cast %parallel_loop3A_219 : i32 to index
        %parallel_loop3A_223 = tpu.vector_load %arg10[%parallel_loop3A_221, %parallel_loop3A_222] {strides = array<i32>} : memref<8x512xf32, #tpu.memory_space<vmem>>, vector<16xf32>,
        tpu.vector_store %arg10[%parallel_loop3A_221, %parallel_loop3A_222], %parallel_loop3A_217 {strides = array<i32>} : memref<8x512xf32, #tpu.memory_space<vmem>>, vector<16xf32>,
        %parallel_loop3A_224 = arith.constant 16 : i32
        %parallel_loop3A_225 = arith.muli %parallel_loop3A_177, %parallel_loop3A_224 : i32
        %parallel_loop3A_226 = arith.constant 3 : i32
        %parallel_loop3A_227 = arith.index_cast %parallel_loop3A_226 : i32 to index
        %parallel_loop3A_228 = arith.index_cast %parallel_loop3A_225 : i32 to index
        %parallel_loop3A_229 = tpu.vector_load %arg8[%parallel_loop3A_227, %parallel_loop3A_228] {strides = array<i32>} : memref<8x512xi32, #tpu.memory_space<vmem>>, vector<16xi32>,
        %parallel_loop3A_230 = tpu.vector_load_idx %arg6[%parallel_loop3A_229] : memref<100000xf32, #tpu.memory_space<vmem>>[vector<16xi32>], vector<16xf32>,
        %parallel_loop3A_231 = arith.addf %parallel_loop3A_230, %parallel_loop3A_181 : vector<16xf32>
        %parallel_loop3A_232 = arith.constant 16 : i32
        %parallel_loop3A_233 = arith.muli %parallel_loop3A_177, %parallel_loop3A_232 : i32
        %parallel_loop3A_234 = arith.constant 3 : i32
        %parallel_loop3A_235 = arith.index_cast %parallel_loop3A_234 : i32 to index
        %parallel_loop3A_236 = arith.index_cast %parallel_loop3A_233 : i32 to index
        %parallel_loop3A_237 = tpu.vector_load %arg10[%parallel_loop3A_235, %parallel_loop3A_236] {strides = array<i32>} : memref<8x512xf32, #tpu.memory_space<vmem>>, vector<16xf32>,
        tpu.vector_store %arg10[%parallel_loop3A_235, %parallel_loop3A_236], %parallel_loop3A_231 {strides = array<i32>} : memref<8x512xf32, #tpu.memory_space<vmem>>, vector<16xf32>,
        %parallel_loop3A_238 = arith.constant 16 : i32
        %parallel_loop3A_239 = arith.muli %parallel_loop3A_177, %parallel_loop3A_238 : i32
        %parallel_loop3A_240 = arith.constant 4 : i32
        %parallel_loop3A_241 = arith.index_cast %parallel_loop3A_240 : i32 to index
        %parallel_loop3A_242 = arith.index_cast %parallel_loop3A_239 : i32 to index
        %parallel_loop3A_243 = tpu.vector_load %arg8[%parallel_loop3A_241, %parallel_loop3A_242] {strides = array<i32>} : memref<8x512xi32, #tpu.memory_space<vmem>>, vector<16xi32>,
        %parallel_loop3A_244 = tpu.vector_load_idx %arg6[%parallel_loop3A_243] : memref<100000xf32, #tpu.memory_space<vmem>>[vector<16xi32>], vector<16xf32>,
        %parallel_loop3A_245 = arith.addf %parallel_loop3A_244, %parallel_loop3A_181 : vector<16xf32>
        %parallel_loop3A_246 = arith.constant 16 : i32
        %parallel_loop3A_247 = arith.muli %parallel_loop3A_177, %parallel_loop3A_246 : i32
        %parallel_loop3A_248 = arith.constant 4 : i32
        %parallel_loop3A_249 = arith.index_cast %parallel_loop3A_248 : i32 to index
        %parallel_loop3A_250 = arith.index_cast %parallel_loop3A_247 : i32 to index
        %parallel_loop3A_251 = tpu.vector_load %arg10[%parallel_loop3A_249, %parallel_loop3A_250] {strides = array<i32>} : memref<8x512xf32, #tpu.memory_space<vmem>>, vector<16xf32>,
        tpu.vector_store %arg10[%parallel_loop3A_249, %parallel_loop3A_250], %parallel_loop3A_245 {strides = array<i32>} : memref<8x512xf32, #tpu.memory_space<vmem>>, vector<16xf32>,
        %parallel_loop3A_252 = arith.constant 16 : i32
        %parallel_loop3A_253 = arith.muli %parallel_loop3A_177, %parallel_loop3A_252 : i32
        %parallel_loop3A_254 = arith.constant 5 : i32
        %parallel_loop3A_255 = arith.index_cast %parallel_loop3A_254 : i32 to index
        %parallel_loop3A_256 = arith.index_cast %parallel_loop3A_253 : i32 to index
        %parallel_loop3A_257 = tpu.vector_load %arg8[%parallel_loop3A_255, %parallel_loop3A_256] {strides = array<i32>} : memref<8x512xi32, #tpu.memory_space<vmem>>, vector<16xi32>,
        %parallel_loop3A_258 = tpu.vector_load_idx %arg6[%parallel_loop3A_257] : memref<100000xf32, #tpu.memory_space<vmem>>[vector<16xi32>], vector<16xf32>,
        %parallel_loop3A_259 = arith.addf %parallel_loop3A_258, %parallel_loop3A_181 : vector<16xf32>
        %parallel_loop3A_260 = arith.constant 16 : i32
        %parallel_loop3A_261 = arith.muli %parallel_loop3A_177, %parallel_loop3A_260 : i32
        %parallel_loop3A_262 = arith.constant 5 : i32
        %parallel_loop3A_263 = arith.index_cast %parallel_loop3A_262 : i32 to index
        %parallel_loop3A_264 = arith.index_cast %parallel_loop3A_261 : i32 to index
        %parallel_loop3A_265 = tpu.vector_load %arg10[%parallel_loop3A_263, %parallel_loop3A_264] {strides = array<i32>} : memref<8x512xf32, #tpu.memory_space<vmem>>, vector<16xf32>,
        tpu.vector_store %arg10[%parallel_loop3A_263, %parallel_loop3A_264], %parallel_loop3A_259 {strides = array<i32>} : memref<8x512xf32, #tpu.memory_space<vmem>>, vector<16xf32>,
        %parallel_loop3A_266 = arith.constant 16 : i32
        %parallel_loop3A_267 = arith.muli %parallel_loop3A_177, %parallel_loop3A_266 : i32
        %parallel_loop3A_268 = arith.constant 6 : i32
        %parallel_loop3A_269 = arith.index_cast %parallel_loop3A_268 : i32 to index
        %parallel_loop3A_270 = arith.index_cast %parallel_loop3A_267 : i32 to index
        %parallel_loop3A_271 = tpu.vector_load %arg8[%parallel_loop3A_269, %parallel_loop3A_270] {strides = array<i32>} : memref<8x512xi32, #tpu.memory_space<vmem>>, vector<16xi32>,
        %parallel_loop3A_272 = tpu.vector_load_idx %arg6[%parallel_loop3A_271] : memref<100000xf32, #tpu.memory_space<vmem>>[vector<16xi32>], vector<16xf32>,
        %parallel_loop3A_273 = arith.addf %parallel_loop3A_272, %parallel_loop3A_181 : vector<16xf32>
        %parallel_loop3A_274 = arith.constant 16 : i32
        %parallel_loop3A_275 = arith.muli %parallel_loop3A_177, %parallel_loop3A_274 : i32
        %parallel_loop3A_276 = arith.constant 6 : i32
        %parallel_loop3A_277 = arith.index_cast %parallel_loop3A_276 : i32 to index
        %parallel_loop3A_278 = arith.index_cast %parallel_loop3A_275 : i32 to index
        %parallel_loop3A_279 = tpu.vector_load %arg10[%parallel_loop3A_277, %parallel_loop3A_278] {strides = array<i32>} : memref<8x512xf32, #tpu.memory_space<vmem>>, vector<16xf32>,
        tpu.vector_store %arg10[%parallel_loop3A_277, %parallel_loop3A_278], %parallel_loop3A_273 {strides = array<i32>} : memref<8x512xf32, #tpu.memory_space<vmem>>, vector<16xf32>,
        %parallel_loop3A_280 = arith.constant 16 : i32
        %parallel_loop3A_281 = arith.muli %parallel_loop3A_177, %parallel_loop3A_280 : i32
        %parallel_loop3A_282 = arith.constant 7 : i32
        %parallel_loop3A_283 = arith.index_cast %parallel_loop3A_282 : i32 to index
        %parallel_loop3A_284 = arith.index_cast %parallel_loop3A_281 : i32 to index
        %parallel_loop3A_285 = tpu.vector_load %arg8[%parallel_loop3A_283, %parallel_loop3A_284] {strides = array<i32>} : memref<8x512xi32, #tpu.memory_space<vmem>>, vector<16xi32>,
        %parallel_loop3A_286 = tpu.vector_load_idx %arg6[%parallel_loop3A_285] : memref<100000xf32, #tpu.memory_space<vmem>>[vector<16xi32>], vector<16xf32>,
        %parallel_loop3A_287 = arith.addf %parallel_loop3A_286, %parallel_loop3A_181 : vector<16xf32>
        %parallel_loop3A_288 = arith.constant 16 : i32
        %parallel_loop3A_289 = arith.muli %parallel_loop3A_177, %parallel_loop3A_288 : i32
        %parallel_loop3A_290 = arith.constant 7 : i32
        %parallel_loop3A_291 = arith.index_cast %parallel_loop3A_290 : i32 to index
        %parallel_loop3A_292 = arith.index_cast %parallel_loop3A_289 : i32 to index
        %parallel_loop3A_293 = tpu.vector_load %arg10[%parallel_loop3A_291, %parallel_loop3A_292] {strides = array<i32>} : memref<8x512xf32, #tpu.memory_space<vmem>>, vector<16xf32>,
        tpu.vector_store %arg10[%parallel_loop3A_291, %parallel_loop3A_292], %parallel_loop3A_287 {strides = array<i32>} : memref<8x512xf32, #tpu.memory_space<vmem>>, vector<16xf32>,
      } {sc.loop_unroll_factor = 4 : i64, sc.parallel_access}
      %mul3A_136 = arith.constant 8 : i32
      %mul3A_137 = arith.muli %add3A_118, %mul3A_136 : i32
      %dma_start3A_138 = arith.constant 0 : i32
      %dma_start3A_139 = tpu.memref_slice %arg5[%mul3A_137, %add3A_2, %dma_start3A_138] : memref<1024x64x512xf32, #tpu.memory_space<hbm>> -> memref<8x1x512xf32, #tpu.memory_space<hbm>>
      %dma_start3A_140 = tpu.memref_squeeze %dma_start3A_139 : memref<8x1x512xf32, #tpu.memory_space<hbm>> -> memref<8x512xf32, #tpu.memory_space<hbm>>
      %dma_start3A_141 = arith.constant 0 : i32
      %dma_start3A_142 = tpu.memref_slice %arg5[%mul3A_137, %add3A_2, %dma_start3A_141] : memref<1024x64x512xf32, #tpu.memory_space<hbm>> -> memref<8x1x512xf32, #tpu.memory_space<hbm>>
      %dma_start3A_143 = tpu.memref_squeeze %dma_start3A_142 : memref<8x1x512xf32, #tpu.memory_space<hbm>> -> memref<8x512xf32, #tpu.memory_space<hbm>>
      tpu.enqueue_dma source(%arg10 : memref<8x512xf32, #tpu.memory_space<vmem>>) target(%dma_start3A_143 : memref<8x512xf32, #tpu.memory_space<hbm>>) target_semaphore(%arg14 : memref<!tpu.dma_semaphore, #tpu.memory_space<semaphore_mem>>)
      %add3A_144 = arith.constant 1 : i32
      %add3A_145 = arith.addi %add3A_116, %add3A_144 : i32
      %add3A_146 = arith.constant 1 : i32
      %add3A_147 = arith.addi %add3A_145, %add3A_146 : i32
      %lt3A_148 = arith.constant 128 : i32
      %lt3A_149 = arith.cmpi slt, %add3A_147, %lt3A_148 : i32
      %convert_element_type3A_150 = arith.extui %lt3A_149 : i1 to i32
      %cond3A_151 = arith.constant 0 : i32
      %cond3A_152 = arith.cmpi ne, %convert_element_type3A_150, %cond3A_151 : i32
      scf.if %cond3A_152 {
        %add3A_177 = arith.constant 1 : i32
        %add3A_178 = arith.addi %add3A_145, %add3A_177 : i32
        %mul3A_179 = arith.constant 8 : i32
        %mul3A_180 = arith.muli %add3A_178, %mul3A_179 : i32
        %dma_start3A_181 = arith.constant 0 : i32
        %dma_start3A_182 = tpu.memref_slice %arg2[%mul3A_180, %dma_start3A_181] : memref<1024x512xi32, #tpu.memory_space<hbm>> -> memref<8x512xi32, #tpu.memory_space<hbm>>
        %dma_start3A_183 = arith.constant 0 : i32
        %dma_start3A_184 = tpu.memref_slice %arg2[%mul3A_180, %dma_start3A_183] : memref<1024x512xi32, #tpu.memory_space<hbm>> -> memref<8x512xi32, #tpu.memory_space<hbm>>
        tpu.enqueue_dma source(%dma_start3A_184 : memref<8x512xi32, #tpu.memory_space<hbm>>) target(%arg8 : memref<8x512xi32, #tpu.memory_space<vmem>>) target_semaphore(%arg12 : memref<!tpu.dma_semaphore, #tpu.memory_space<semaphore_mem>>)
      } else {
      }
      %mul3A_153 = arith.constant 8 : i32
      %mul3A_154 = arith.muli %add3A_145, %mul3A_153 : i32
      %dma_wait3A_155 = arith.constant 0 : i32
      %dma_wait3A_156 = tpu.memref_slice %arg2[%mul3A_154, %dma_wait3A_155] : memref<1024x512xi32, #tpu.memory_space<hbm>> -> memref<8x512xi32, #tpu.memory_space<hbm>>
      %dma_wait3A_157 = arith.constant 0 : i32
      %dma_wait3A_158 = tpu.memref_slice %arg2[%mul3A_154, %dma_wait3A_157] : memref<1024x512xi32, #tpu.memory_space<hbm>> -> memref<8x512xi32, #tpu.memory_space<hbm>>
      tpu.wait_dma2 semaphore(%arg13 : memref<!tpu.dma_semaphore, #tpu.memory_space<semaphore_mem>>) src(%dma_wait3A_158 : memref<8x512xi32, #tpu.memory_space<hbm>>) dst(%arg9 : memref<8x512xi32, #tpu.memory_space<vmem>>)
      %sub3A_159 = arith.constant 2 : i32
      %sub3A_160 = arith.subi %add3A_145, %sub3A_159 : i32
      %ge3A_161 = arith.constant 0 : i32
      %ge3A_162 = arith.cmpi sge, %sub3A_160, %ge3A_161 : i32
      %convert_element_type3A_163 = arith.extui %ge3A_162 : i1 to i32
      %cond3A_164 = arith.constant 0 : i32
      %cond3A_165 = arith.cmpi ne, %convert_element_type3A_163, %cond3A_164 : i32
      scf.if %cond3A_165 {
        %sub3A_177 = arith.constant 2 : i32
        %sub3A_178 = arith.subi %add3A_145, %sub3A_177 : i32
        %mul3A_179 = arith.constant 8 : i32
        %mul3A_180 = arith.muli %sub3A_178, %mul3A_179 : i32
        %dma_wait3A_181 = arith.constant 0 : i32
        %dma_wait3A_182 = tpu.memref_slice %arg5[%mul3A_180, %add3A_2, %dma_wait3A_181] : memref<1024x64x512xf32, #tpu.memory_space<hbm>> -> memref<8x1x512xf32, #tpu.memory_space<hbm>>
        %dma_wait3A_183 = tpu.memref_squeeze %dma_wait3A_182 : memref<8x1x512xf32, #tpu.memory_space<hbm>> -> memref<8x512xf32, #tpu.memory_space<hbm>>
        %dma_wait3A_184 = arith.constant 0 : i32
        %dma_wait3A_185 = tpu.memref_slice %arg5[%mul3A_180, %add3A_2, %dma_wait3A_184] : memref<1024x64x512xf32, #tpu.memory_space<hbm>> -> memref<8x1x512xf32, #tpu.memory_space<hbm>>
        %dma_wait3A_186 = tpu.memref_squeeze %dma_wait3A_185 : memref<8x1x512xf32, #tpu.memory_space<hbm>> -> memref<8x512xf32, #tpu.memory_space<hbm>>
        tpu.wait_dma2 semaphore(%arg15 : memref<!tpu.dma_semaphore, #tpu.memory_space<semaphore_mem>>) src(%arg11 : memref<8x512xf32, #tpu.memory_space<vmem>>) dst(%dma_wait3A_186 : memref<8x512xf32, #tpu.memory_space<hbm>>)
      } else {
      }
      %parallel_loop3A_166 = arith.constant 0 : i32
      %parallel_loop3A_167 = arith.constant 32 : i32
      %parallel_loop3A_168 = arith.constant 1 : i32
      scf.for %parallel_loop3A_177 = %parallel_loop3A_166 to %parallel_loop3A_167 step %parallel_loop3A_168  : i32 {
        %parallel_loop3A_178 = arith.constant 16 : i32
        %parallel_loop3A_179 = arith.muli %parallel_loop3A_177, %parallel_loop3A_178 : i32
        %parallel_loop3A_180 = arith.index_cast %parallel_loop3A_179 : i32 to index
        %parallel_loop3A_181 = tpu.vector_load %arg7[%parallel_loop3A_180] {strides = array<i32>} : memref<512xf32, #tpu.memory_space<vmem>>, vector<16xf32>,
        %parallel_loop3A_182 = arith.constant 16 : i32
        %parallel_loop3A_183 = arith.muli %parallel_loop3A_177, %parallel_loop3A_182 : i32
        %parallel_loop3A_184 = arith.constant 0 : i32
        %parallel_loop3A_185 = arith.index_cast %parallel_loop3A_184 : i32 to index
        %parallel_loop3A_186 = arith.index_cast %parallel_loop3A_183 : i32 to index
        %parallel_loop3A_187 = tpu.vector_load %arg9[%parallel_loop3A_185, %parallel_loop3A_186] {strides = array<i32>} : memref<8x512xi32, #tpu.memory_space<vmem>>, vector<16xi32>,
        %parallel_loop3A_188 = tpu.vector_load_idx %arg6[%parallel_loop3A_187] : memref<100000xf32, #tpu.memory_space<vmem>>[vector<16xi32>], vector<16xf32>,
        %parallel_loop3A_189 = arith.addf %parallel_loop3A_188, %parallel_loop3A_181 : vector<16xf32>
        %parallel_loop3A_190 = arith.constant 16 : i32
        %parallel_loop3A_191 = arith.muli %parallel_loop3A_177, %parallel_loop3A_190 : i32
        %parallel_loop3A_192 = arith.constant 0 : i32
        %parallel_loop3A_193 = arith.index_cast %parallel_loop3A_192 : i32 to index
        %parallel_loop3A_194 = arith.index_cast %parallel_loop3A_191 : i32 to index
        %parallel_loop3A_195 = tpu.vector_load %arg11[%parallel_loop3A_193, %parallel_loop3A_194] {strides = array<i32>} : memref<8x512xf32, #tpu.memory_space<vmem>>, vector<16xf32>,
        tpu.vector_store %arg11[%parallel_loop3A_193, %parallel_loop3A_194], %parallel_loop3A_189 {strides = array<i32>} : memref<8x512xf32, #tpu.memory_space<vmem>>, vector<16xf32>,
        %parallel_loop3A_196 = arith.constant 16 : i32
        %parallel_loop3A_197 = arith.muli %parallel_loop3A_177, %parallel_loop3A_196 : i32
        %parallel_loop3A_198 = arith.constant 1 : i32
        %parallel_loop3A_199 = arith.index_cast %parallel_loop3A_198 : i32 to index
        %parallel_loop3A_200 = arith.index_cast %parallel_loop3A_197 : i32 to index
        %parallel_loop3A_201 = tpu.vector_load %arg9[%parallel_loop3A_199, %parallel_loop3A_200] {strides = array<i32>} : memref<8x512xi32, #tpu.memory_space<vmem>>, vector<16xi32>,
        %parallel_loop3A_202 = tpu.vector_load_idx %arg6[%parallel_loop3A_201] : memref<100000xf32, #tpu.memory_space<vmem>>[vector<16xi32>], vector<16xf32>,
        %parallel_loop3A_203 = arith.addf %parallel_loop3A_202, %parallel_loop3A_181 : vector<16xf32>
        %parallel_loop3A_204 = arith.constant 16 : i32
        %parallel_loop3A_205 = arith.muli %parallel_loop3A_177, %parallel_loop3A_204 : i32
        %parallel_loop3A_206 = arith.constant 1 : i32
        %parallel_loop3A_207 = arith.index_cast %parallel_loop3A_206 : i32 to index
        %parallel_loop3A_208 = arith.index_cast %parallel_loop3A_205 : i32 to index
        %parallel_loop3A_209 = tpu.vector_load %arg11[%parallel_loop3A_207, %parallel_loop3A_208] {strides = array<i32>} : memref<8x512xf32, #tpu.memory_space<vmem>>, vector<16xf32>,
        tpu.vector_store %arg11[%parallel_loop3A_207, %parallel_loop3A_208], %parallel_loop3A_203 {strides = array<i32>} : memref<8x512xf32, #tpu.memory_space<vmem>>, vector<16xf32>,
        %parallel_loop3A_210 = arith.constant 16 : i32
        %parallel_loop3A_211 = arith.muli %parallel_loop3A_177, %parallel_loop3A_210 : i32
        %parallel_loop3A_212 = arith.constant 2 : i32
        %parallel_loop3A_213 = arith.index_cast %parallel_loop3A_212 : i32 to index
        %parallel_loop3A_214 = arith.index_cast %parallel_loop3A_211 : i32 to index
        %parallel_loop3A_215 = tpu.vector_load %arg9[%parallel_loop3A_213, %parallel_loop3A_214] {strides = array<i32>} : memref<8x512xi32, #tpu.memory_space<vmem>>, vector<16xi32>,
        %parallel_loop3A_216 = tpu.vector_load_idx %arg6[%parallel_loop3A_215] : memref<100000xf32, #tpu.memory_space<vmem>>[vector<16xi32>], vector<16xf32>,
        %parallel_loop3A_217 = arith.addf %parallel_loop3A_216, %parallel_loop3A_181 : vector<16xf32>
        %parallel_loop3A_218 = arith.constant 16 : i32
        %parallel_loop3A_219 = arith.muli %parallel_loop3A_177, %parallel_loop3A_218 : i32
        %parallel_loop3A_220 = arith.constant 2 : i32
        %parallel_loop3A_221 = arith.index_cast %parallel_loop3A_220 : i32 to index
        %parallel_loop3A_222 = arith.index_cast %parallel_loop3A_219 : i32 to index
        %parallel_loop3A_223 = tpu.vector_load %arg11[%parallel_loop3A_221, %parallel_loop3A_222] {strides = array<i32>} : memref<8x512xf32, #tpu.memory_space<vmem>>, vector<16xf32>,
        tpu.vector_store %arg11[%parallel_loop3A_221, %parallel_loop3A_222], %parallel_loop3A_217 {strides = array<i32>} : memref<8x512xf32, #tpu.memory_space<vmem>>, vector<16xf32>,
        %parallel_loop3A_224 = arith.constant 16 : i32
        %parallel_loop3A_225 = arith.muli %parallel_loop3A_177, %parallel_loop3A_224 : i32
        %parallel_loop3A_226 = arith.constant 3 : i32
        %parallel_loop3A_227 = arith.index_cast %parallel_loop3A_226 : i32 to index
        %parallel_loop3A_228 = arith.index_cast %parallel_loop3A_225 : i32 to index
        %parallel_loop3A_229 = tpu.vector_load %arg9[%parallel_loop3A_227, %parallel_loop3A_228] {strides = array<i32>} : memref<8x512xi32, #tpu.memory_space<vmem>>, vector<16xi32>,
        %parallel_loop3A_230 = tpu.vector_load_idx %arg6[%parallel_loop3A_229] : memref<100000xf32, #tpu.memory_space<vmem>>[vector<16xi32>], vector<16xf32>,
        %parallel_loop3A_231 = arith.addf %parallel_loop3A_230, %parallel_loop3A_181 : vector<16xf32>
        %parallel_loop3A_232 = arith.constant 16 : i32
        %parallel_loop3A_233 = arith.muli %parallel_loop3A_177, %parallel_loop3A_232 : i32
        %parallel_loop3A_234 = arith.constant 3 : i32
        %parallel_loop3A_235 = arith.index_cast %parallel_loop3A_234 : i32 to index
        %parallel_loop3A_236 = arith.index_cast %parallel_loop3A_233 : i32 to index
        %parallel_loop3A_237 = tpu.vector_load %arg11[%parallel_loop3A_235, %parallel_loop3A_236] {strides = array<i32>} : memref<8x512xf32, #tpu.memory_space<vmem>>, vector<16xf32>,
        tpu.vector_store %arg11[%parallel_loop3A_235, %parallel_loop3A_236], %parallel_loop3A_231 {strides = array<i32>} : memref<8x512xf32, #tpu.memory_space<vmem>>, vector<16xf32>,
        %parallel_loop3A_238 = arith.constant 16 : i32
        %parallel_loop3A_239 = arith.muli %parallel_loop3A_177, %parallel_loop3A_238 : i32
        %parallel_loop3A_240 = arith.constant 4 : i32
        %parallel_loop3A_241 = arith.index_cast %parallel_loop3A_240 : i32 to index
        %parallel_loop3A_242 = arith.index_cast %parallel_loop3A_239 : i32 to index
        %parallel_loop3A_243 = tpu.vector_load %arg9[%parallel_loop3A_241, %parallel_loop3A_242] {strides = array<i32>} : memref<8x512xi32, #tpu.memory_space<vmem>>, vector<16xi32>,
        %parallel_loop3A_244 = tpu.vector_load_idx %arg6[%parallel_loop3A_243] : memref<100000xf32, #tpu.memory_space<vmem>>[vector<16xi32>], vector<16xf32>,
        %parallel_loop3A_245 = arith.addf %parallel_loop3A_244, %parallel_loop3A_181 : vector<16xf32>
        %parallel_loop3A_246 = arith.constant 16 : i32
        %parallel_loop3A_247 = arith.muli %parallel_loop3A_177, %parallel_loop3A_246 : i32
        %parallel_loop3A_248 = arith.constant 4 : i32
        %parallel_loop3A_249 = arith.index_cast %parallel_loop3A_248 : i32 to index
        %parallel_loop3A_250 = arith.index_cast %parallel_loop3A_247 : i32 to index
        %parallel_loop3A_251 = tpu.vector_load %arg11[%parallel_loop3A_249, %parallel_loop3A_250] {strides = array<i32>} : memref<8x512xf32, #tpu.memory_space<vmem>>, vector<16xf32>,
        tpu.vector_store %arg11[%parallel_loop3A_249, %parallel_loop3A_250], %parallel_loop3A_245 {strides = array<i32>} : memref<8x512xf32, #tpu.memory_space<vmem>>, vector<16xf32>,
        %parallel_loop3A_252 = arith.constant 16 : i32
        %parallel_loop3A_253 = arith.muli %parallel_loop3A_177, %parallel_loop3A_252 : i32
        %parallel_loop3A_254 = arith.constant 5 : i32
        %parallel_loop3A_255 = arith.index_cast %parallel_loop3A_254 : i32 to index
        %parallel_loop3A_256 = arith.index_cast %parallel_loop3A_253 : i32 to index
        %parallel_loop3A_257 = tpu.vector_load %arg9[%parallel_loop3A_255, %parallel_loop3A_256] {strides = array<i32>} : memref<8x512xi32, #tpu.memory_space<vmem>>, vector<16xi32>,
        %parallel_loop3A_258 = tpu.vector_load_idx %arg6[%parallel_loop3A_257] : memref<100000xf32, #tpu.memory_space<vmem>>[vector<16xi32>], vector<16xf32>,
        %parallel_loop3A_259 = arith.addf %parallel_loop3A_258, %parallel_loop3A_181 : vector<16xf32>
        %parallel_loop3A_260 = arith.constant 16 : i32
        %parallel_loop3A_261 = arith.muli %parallel_loop3A_177, %parallel_loop3A_260 : i32
        %parallel_loop3A_262 = arith.constant 5 : i32
        %parallel_loop3A_263 = arith.index_cast %parallel_loop3A_262 : i32 to index
        %parallel_loop3A_264 = arith.index_cast %parallel_loop3A_261 : i32 to index
        %parallel_loop3A_265 = tpu.vector_load %arg11[%parallel_loop3A_263, %parallel_loop3A_264] {strides = array<i32>} : memref<8x512xf32, #tpu.memory_space<vmem>>, vector<16xf32>,
        tpu.vector_store %arg11[%parallel_loop3A_263, %parallel_loop3A_264], %parallel_loop3A_259 {strides = array<i32>} : memref<8x512xf32, #tpu.memory_space<vmem>>, vector<16xf32>,
        %parallel_loop3A_266 = arith.constant 16 : i32
        %parallel_loop3A_267 = arith.muli %parallel_loop3A_177, %parallel_loop3A_266 : i32
        %parallel_loop3A_268 = arith.constant 6 : i32
        %parallel_loop3A_269 = arith.index_cast %parallel_loop3A_268 : i32 to index
        %parallel_loop3A_270 = arith.index_cast %parallel_loop3A_267 : i32 to index
        %parallel_loop3A_271 = tpu.vector_load %arg9[%parallel_loop3A_269, %parallel_loop3A_270] {strides = array<i32>} : memref<8x512xi32, #tpu.memory_space<vmem>>, vector<16xi32>,
        %parallel_loop3A_272 = tpu.vector_load_idx %arg6[%parallel_loop3A_271] : memref<100000xf32, #tpu.memory_space<vmem>>[vector<16xi32>], vector<16xf32>,
        %parallel_loop3A_273 = arith.addf %parallel_loop3A_272, %parallel_loop3A_181 : vector<16xf32>
        %parallel_loop3A_274 = arith.constant 16 : i32
        %parallel_loop3A_275 = arith.muli %parallel_loop3A_177, %parallel_loop3A_274 : i32
        %parallel_loop3A_276 = arith.constant 6 : i32
        %parallel_loop3A_277 = arith.index_cast %parallel_loop3A_276 : i32 to index
        %parallel_loop3A_278 = arith.index_cast %parallel_loop3A_275 : i32 to index
        %parallel_loop3A_279 = tpu.vector_load %arg11[%parallel_loop3A_277, %parallel_loop3A_278] {strides = array<i32>} : memref<8x512xf32, #tpu.memory_space<vmem>>, vector<16xf32>,
        tpu.vector_store %arg11[%parallel_loop3A_277, %parallel_loop3A_278], %parallel_loop3A_273 {strides = array<i32>} : memref<8x512xf32, #tpu.memory_space<vmem>>, vector<16xf32>,
        %parallel_loop3A_280 = arith.constant 16 : i32
        %parallel_loop3A_281 = arith.muli %parallel_loop3A_177, %parallel_loop3A_280 : i32
        %parallel_loop3A_282 = arith.constant 7 : i32
        %parallel_loop3A_283 = arith.index_cast %parallel_loop3A_282 : i32 to index
        %parallel_loop3A_284 = arith.index_cast %parallel_loop3A_281 : i32 to index
        %parallel_loop3A_285 = tpu.vector_load %arg9[%parallel_loop3A_283, %parallel_loop3A_284] {strides = array<i32>} : memref<8x512xi32, #tpu.memory_space<vmem>>, vector<16xi32>,
        %parallel_loop3A_286 = tpu.vector_load_idx %arg6[%parallel_loop3A_285] : memref<100000xf32, #tpu.memory_space<vmem>>[vector<16xi32>], vector<16xf32>,
        %parallel_loop3A_287 = arith.addf %parallel_loop3A_286, %parallel_loop3A_181 : vector<16xf32>
        %parallel_loop3A_288 = arith.constant 16 : i32
        %parallel_loop3A_289 = arith.muli %parallel_loop3A_177, %parallel_loop3A_288 : i32
        %parallel_loop3A_290 = arith.constant 7 : i32
        %parallel_loop3A_291 = arith.index_cast %parallel_loop3A_290 : i32 to index
        %parallel_loop3A_292 = arith.index_cast %parallel_loop3A_289 : i32 to index
        %parallel_loop3A_293 = tpu.vector_load %arg11[%parallel_loop3A_291, %parallel_loop3A_292] {strides = array<i32>} : memref<8x512xf32, #tpu.memory_space<vmem>>, vector<16xf32>,
        tpu.vector_store %arg11[%parallel_loop3A_291, %parallel_loop3A_292], %parallel_loop3A_287 {strides = array<i32>} : memref<8x512xf32, #tpu.memory_space<vmem>>, vector<16xf32>,
      } {sc.loop_unroll_factor = 4 : i64, sc.parallel_access}
      %mul3A_169 = arith.constant 8 : i32
      %mul3A_170 = arith.muli %add3A_145, %mul3A_169 : i32
      %dma_start3A_171 = arith.constant 0 : i32
      %dma_start3A_172 = tpu.memref_slice %arg5[%mul3A_170, %add3A_2, %dma_start3A_171] : memref<1024x64x512xf32, #tpu.memory_space<hbm>> -> memref<8x1x512xf32, #tpu.memory_space<hbm>>
      %dma_start3A_173 = tpu.memref_squeeze %dma_start3A_172 : memref<8x1x512xf32, #tpu.memory_space<hbm>> -> memref<8x512xf32, #tpu.memory_space<hbm>>
      %dma_start3A_174 = arith.constant 0 : i32
      %dma_start3A_175 = tpu.memref_slice %arg5[%mul3A_170, %add3A_2, %dma_start3A_174] : memref<1024x64x512xf32, #tpu.memory_space<hbm>> -> memref<8x1x512xf32, #tpu.memory_space<hbm>>
      %dma_start3A_176 = tpu.memref_squeeze %dma_start3A_175 : memref<8x1x512xf32, #tpu.memory_space<hbm>> -> memref<8x512xf32, #tpu.memory_space<hbm>>
      tpu.enqueue_dma source(%arg11 : memref<8x512xf32, #tpu.memory_space<vmem>>) target(%dma_start3A_176 : memref<8x512xf32, #tpu.memory_space<hbm>>) target_semaphore(%arg15 : memref<!tpu.dma_semaphore, #tpu.memory_space<semaphore_mem>>)
    }
    %scan3A_34 = arith.constant 64 : i32
    %add3A_35 = arith.constant 32 : i32
    %add3A_36 = arith.addi %add3A, %add3A_35 : i32
    %dma_start3A_37 = arith.constant 0 : i32
    %dma_start3A_38 = tpu.memref_slice %arg3[%add3A_36, %dma_start3A_37] : memref<64x100000xf32, #tpu.memory_space<hbm>> -> memref<1x100000xf32, #tpu.memory_space<hbm>>
    %dma_start3A_39 = tpu.memref_squeeze %dma_start3A_38 : memref<1x100000xf32, #tpu.memory_space<hbm>> -> memref<100000xf32, #tpu.memory_space<hbm>>
    %dma_start3A_40 = arith.constant 0 : i32
    %dma_start3A_41 = tpu.memref_slice %arg3[%add3A_36, %dma_start3A_40] : memref<64x100000xf32, #tpu.memory_space<hbm>> -> memref<1x100000xf32, #tpu.memory_space<hbm>>
    %dma_start3A_42 = tpu.memref_squeeze %dma_start3A_41 : memref<1x100000xf32, #tpu.memory_space<hbm>> -> memref<100000xf32, #tpu.memory_space<hbm>>
    tpu.enqueue_dma source(%dma_start3A_42 : memref<100000xf32, #tpu.memory_space<hbm>>) target(%arg6 : memref<100000xf32, #tpu.memory_space<vmem>>) target_semaphore(%arg16 : memref<!tpu.dma_semaphore, #tpu.memory_space<semaphore_mem>>)
    %dma_start3A_43 = arith.constant 0 : i32
    %dma_start3A_44 = tpu.memref_slice %arg4[%add3A_36, %dma_start3A_43] : memref<64x512xf32, #tpu.memory_space<hbm>> -> memref<1x512xf32, #tpu.memory_space<hbm>>
    %dma_start3A_45 = tpu.memref_squeeze %dma_start3A_44 : memref<1x512xf32, #tpu.memory_space<hbm>> -> memref<512xf32, #tpu.memory_space<hbm>>
    %dma_start3A_46 = arith.constant 0 : i32
    %dma_start3A_47 = tpu.memref_slice %arg4[%add3A_36, %dma_start3A_46] : memref<64x512xf32, #tpu.memory_space<hbm>> -> memref<1x512xf32, #tpu.memory_space<hbm>>
    %dma_start3A_48 = tpu.memref_squeeze %dma_start3A_47 : memref<1x512xf32, #tpu.memory_space<hbm>> -> memref<512xf32, #tpu.memory_space<hbm>>
    tpu.enqueue_dma source(%dma_start3A_48 : memref<512xf32, #tpu.memory_space<hbm>>) target(%arg7 : memref<512xf32, #tpu.memory_space<vmem>>) target_semaphore(%arg16 : memref<!tpu.dma_semaphore, #tpu.memory_space<semaphore_mem>>)
    %add3A_49 = arith.constant 0 : i32
    %add3A_50 = arith.addi %add3A, %add3A_49 : i32
    %dma_wait3A_51 = arith.constant 1008 : i32
    %dma_wait3A_52 = arith.constant 0 : i32
    %dma_wait3A_53 = tpu.memref_slice %arg5[%dma_wait3A_51, %add3A_50, %dma_wait3A_52] : memref<1024x64x512xf32, #tpu.memory_space<hbm>> -> memref<8x1x512xf32, #tpu.memory_space<hbm>>
    %dma_wait3A_54 = tpu.memref_squeeze %dma_wait3A_53 : memref<8x1x512xf32, #tpu.memory_space<hbm>> -> memref<8x512xf32, #tpu.memory_space<hbm>>
    %dma_wait3A_55 = arith.constant 1008 : i32
    %dma_wait3A_56 = arith.constant 0 : i32
    %dma_wait3A_57 = tpu.memref_slice %arg5[%dma_wait3A_55, %add3A_50, %dma_wait3A_56] : memref<1024x64x512xf32, #tpu.memory_space<hbm>> -> memref<8x1x512xf32, #tpu.memory_space<hbm>>
    %dma_wait3A_58 = tpu.memref_squeeze %dma_wait3A_57 : memref<8x1x512xf32, #tpu.memory_space<hbm>> -> memref<8x512xf32, #tpu.memory_space<hbm>>
    tpu.wait_dma2 semaphore(%arg14 : memref<!tpu.dma_semaphore, #tpu.memory_space<semaphore_mem>>) src(%arg10 : memref<8x512xf32, #tpu.memory_space<vmem>>) dst(%dma_wait3A_58 : memref<8x512xf32, #tpu.memory_space<hbm>>)
    %add3A_59 = arith.constant 0 : i32
    %add3A_60 = arith.addi %add3A, %add3A_59 : i32
    %dma_wait3A_61 = arith.constant 1016 : i32
    %dma_wait3A_62 = arith.constant 0 : i32
    %dma_wait3A_63 = tpu.memref_slice %arg5[%dma_wait3A_61, %add3A_60, %dma_wait3A_62] : memref<1024x64x512xf32, #tpu.memory_space<hbm>> -> memref<8x1x512xf32, #tpu.memory_space<hbm>>
    %dma_wait3A_64 = tpu.memref_squeeze %dma_wait3A_63 : memref<8x1x512xf32, #tpu.memory_space<hbm>> -> memref<8x512xf32, #tpu.memory_space<hbm>>
    %dma_wait3A_65 = arith.constant 1016 : i32
    %dma_wait3A_66 = arith.constant 0 : i32
    %dma_wait3A_67 = tpu.memref_slice %arg5[%dma_wait3A_65, %add3A_60, %dma_wait3A_66] : memref<1024x64x512xf32, #tpu.memory_space<hbm>> -> memref<8x1x512xf32, #tpu.memory_space<hbm>>
    %dma_wait3A_68 = tpu.memref_squeeze %dma_wait3A_67 : memref<8x1x512xf32, #tpu.memory_space<hbm>> -> memref<8x512xf32, #tpu.memory_space<hbm>>
    tpu.wait_dma2 semaphore(%arg15 : memref<!tpu.dma_semaphore, #tpu.memory_space<semaphore_mem>>) src(%arg11 : memref<8x512xf32, #tpu.memory_space<vmem>>) dst(%dma_wait3A_68 : memref<8x512xf32, #tpu.memory_space<hbm>>)
    %dma_start3A_69 = arith.constant 0 : i32
    %dma_start3A_70 = arith.constant 0 : i32
    %dma_start3A_71 = tpu.memref_slice %arg2[%dma_start3A_69, %dma_start3A_70] : memref<1024x512xi32, #tpu.memory_space<hbm>> -> memref<8x512xi32, #tpu.memory_space<hbm>>
    %dma_start3A_72 = arith.constant 0 : i32
    %dma_start3A_73 = arith.constant 0 : i32
    %dma_start3A_74 = tpu.memref_slice %arg2[%dma_start3A_72, %dma_start3A_73] : memref<1024x512xi32, #tpu.memory_space<hbm>> -> memref<8x512xi32, #tpu.memory_space<hbm>>
    tpu.enqueue_dma source(%dma_start3A_74 : memref<8x512xi32, #tpu.memory_space<hbm>>) target(%arg8 : memref<8x512xi32, #tpu.memory_space<vmem>>) target_semaphore(%arg12 : memref<!tpu.dma_semaphore, #tpu.memory_space<semaphore_mem>>)
    %dma_wait3A_75 = arith.constant 0 : i32
    %dma_wait3A_76 = tpu.memref_slice %arg3[%add3A_36, %dma_wait3A_75] : memref<64x100000xf32, #tpu.memory_space<hbm>> -> memref<1x100000xf32, #tpu.memory_space<hbm>>
    %dma_wait3A_77 = tpu.memref_squeeze %dma_wait3A_76 : memref<1x100000xf32, #tpu.memory_space<hbm>> -> memref<100000xf32, #tpu.memory_space<hbm>>
    %dma_wait3A_78 = arith.constant 0 : i32
    %dma_wait3A_79 = tpu.memref_slice %arg3[%add3A_36, %dma_wait3A_78] : memref<64x100000xf32, #tpu.memory_space<hbm>> -> memref<1x100000xf32, #tpu.memory_space<hbm>>
    %dma_wait3A_80 = tpu.memref_squeeze %dma_wait3A_79 : memref<1x100000xf32, #tpu.memory_space<hbm>> -> memref<100000xf32, #tpu.memory_space<hbm>>
    tpu.wait_dma2 semaphore(%arg16 : memref<!tpu.dma_semaphore, #tpu.memory_space<semaphore_mem>>) src(%dma_wait3A_80 : memref<100000xf32, #tpu.memory_space<hbm>>) dst(%arg6 : memref<100000xf32, #tpu.memory_space<vmem>>)
    %dma_wait3A_81 = arith.constant 0 : i32
    %dma_wait3A_82 = tpu.memref_slice %arg4[%add3A_36, %dma_wait3A_81] : memref<64x512xf32, #tpu.memory_space<hbm>> -> memref<1x512xf32, #tpu.memory_space<hbm>>
    %dma_wait3A_83 = tpu.memref_squeeze %dma_wait3A_82 : memref<1x512xf32, #tpu.memory_space<hbm>> -> memref<512xf32, #tpu.memory_space<hbm>>
    %dma_wait3A_84 = arith.constant 0 : i32
    %dma_wait3A_85 = tpu.memref_slice %arg4[%add3A_36, %dma_wait3A_84] : memref<64x512xf32, #tpu.memory_space<hbm>> -> memref<1x512xf32, #tpu.memory_space<hbm>>
    %dma_wait3A_86 = tpu.memref_squeeze %dma_wait3A_85 : memref<1x512xf32, #tpu.memory_space<hbm>> -> memref<512xf32, #tpu.memory_space<hbm>>
    tpu.wait_dma2 semaphore(%arg16 : memref<!tpu.dma_semaphore, #tpu.memory_space<semaphore_mem>>) src(%dma_wait3A_86 : memref<512xf32, #tpu.memory_space<hbm>>) dst(%arg7 : memref<512xf32, #tpu.memory_space<vmem>>)
    %scan3A_87 = arith.constant 0 : i32
    %scan3A_88 = arith.constant 64 : i32
    %scan3A_89 = arith.addi %scan3A_87, %scan3A_88 : i32
    %scan3A_90 = arith.constant 1 : i32
    scf.for %scan3A_112 = %scan3A_87 to %scan3A_89 step %scan3A_90  : i32 {
      %mul3A_113 = arith.constant 2 : i32
      %mul3A_114 = arith.muli %scan3A_112, %mul3A_113 : i32
      %add3A_115 = arith.constant 0 : i32
      %add3A_116 = arith.addi %add3A_115, %mul3A_114 : i32
      %add3A_117 = arith.constant 0 : i32
      %add3A_118 = arith.addi %add3A_116, %add3A_117 : i32
      %add3A_119 = arith.constant 1 : i32
      %add3A_120 = arith.addi %add3A_118, %add3A_119 : i32
      %lt3A = arith.constant 128 : i32
      %lt3A_121 = arith.cmpi slt, %add3A_120, %lt3A : i32
      %convert_element_type3A = arith.extui %lt3A_121 : i1 to i32
      %cond3A = arith.constant 0 : i32
      %cond3A_122 = arith.cmpi ne, %convert_element_type3A, %cond3A : i32
      scf.if %cond3A_122 {
        %add3A_177 = arith.constant 1 : i32
        %add3A_178 = arith.addi %add3A_118, %add3A_177 : i32
        %mul3A_179 = arith.constant 8 : i32
        %mul3A_180 = arith.muli %add3A_178, %mul3A_179 : i32
        %dma_start3A_181 = arith.constant 0 : i32
        %dma_start3A_182 = tpu.memref_slice %arg2[%mul3A_180, %dma_start3A_181] : memref<1024x512xi32, #tpu.memory_space<hbm>> -> memref<8x512xi32, #tpu.memory_space<hbm>>
        %dma_start3A_183 = arith.constant 0 : i32
        %dma_start3A_184 = tpu.memref_slice %arg2[%mul3A_180, %dma_start3A_183] : memref<1024x512xi32, #tpu.memory_space<hbm>> -> memref<8x512xi32, #tpu.memory_space<hbm>>
        tpu.enqueue_dma source(%dma_start3A_184 : memref<8x512xi32, #tpu.memory_space<hbm>>) target(%arg9 : memref<8x512xi32, #tpu.memory_space<vmem>>) target_semaphore(%arg13 : memref<!tpu.dma_semaphore, #tpu.memory_space<semaphore_mem>>)
      } else {
      }
      %mul3A_123 = arith.constant 8 : i32
      %mul3A_124 = arith.muli %add3A_118, %mul3A_123 : i32
      %dma_wait3A_125 = arith.constant 0 : i32
      %dma_wait3A_126 = tpu.memref_slice %arg2[%mul3A_124, %dma_wait3A_125] : memref<1024x512xi32, #tpu.memory_space<hbm>> -> memref<8x512xi32, #tpu.memory_space<hbm>>
      %dma_wait3A_127 = arith.constant 0 : i32
      %dma_wait3A_128 = tpu.memref_slice %arg2[%mul3A_124, %dma_wait3A_127] : memref<1024x512xi32, #tpu.memory_space<hbm>> -> memref<8x512xi32, #tpu.memory_space<hbm>>
      tpu.wait_dma2 semaphore(%arg12 : memref<!tpu.dma_semaphore, #tpu.memory_space<semaphore_mem>>) src(%dma_wait3A_128 : memref<8x512xi32, #tpu.memory_space<hbm>>) dst(%arg8 : memref<8x512xi32, #tpu.memory_space<vmem>>)
      %sub3A = arith.constant 2 : i32
      %sub3A_129 = arith.subi %add3A_118, %sub3A : i32
      %ge3A = arith.constant 0 : i32
      %ge3A_130 = arith.cmpi sge, %sub3A_129, %ge3A : i32
      %convert_element_type3A_131 = arith.extui %ge3A_130 : i1 to i32
      %cond3A_132 = arith.constant 0 : i32
      %cond3A_133 = arith.cmpi ne, %convert_element_type3A_131, %cond3A_132 : i32
      scf.if %cond3A_133 {
        %sub3A_177 = arith.constant 2 : i32
        %sub3A_178 = arith.subi %add3A_118, %sub3A_177 : i32
        %mul3A_179 = arith.constant 8 : i32
        %mul3A_180 = arith.muli %sub3A_178, %mul3A_179 : i32
        %dma_wait3A_181 = arith.constant 0 : i32
        %dma_wait3A_182 = tpu.memref_slice %arg5[%mul3A_180, %add3A_36, %dma_wait3A_181] : memref<1024x64x512xf32, #tpu.memory_space<hbm>> -> memref<8x1x512xf32, #tpu.memory_space<hbm>>
        %dma_wait3A_183 = tpu.memref_squeeze %dma_wait3A_182 : memref<8x1x512xf32, #tpu.memory_space<hbm>> -> memref<8x512xf32, #tpu.memory_space<hbm>>
        %dma_wait3A_184 = arith.constant 0 : i32
        %dma_wait3A_185 = tpu.memref_slice %arg5[%mul3A_180, %add3A_36, %dma_wait3A_184] : memref<1024x64x512xf32, #tpu.memory_space<hbm>> -> memref<8x1x512xf32, #tpu.memory_space<hbm>>
        %dma_wait3A_186 = tpu.memref_squeeze %dma_wait3A_185 : memref<8x1x512xf32, #tpu.memory_space<hbm>> -> memref<8x512xf32, #tpu.memory_space<hbm>>
        tpu.wait_dma2 semaphore(%arg14 : memref<!tpu.dma_semaphore, #tpu.memory_space<semaphore_mem>>) src(%arg10 : memref<8x512xf32, #tpu.memory_space<vmem>>) dst(%dma_wait3A_186 : memref<8x512xf32, #tpu.memory_space<hbm>>)
      } else {
      }
      %parallel_loop3A = arith.constant 0 : i32
      %parallel_loop3A_134 = arith.constant 32 : i32
      %parallel_loop3A_135 = arith.constant 1 : i32
      scf.for %parallel_loop3A_177 = %parallel_loop3A to %parallel_loop3A_134 step %parallel_loop3A_135  : i32 {
        %parallel_loop3A_178 = arith.constant 16 : i32
        %parallel_loop3A_179 = arith.muli %parallel_loop3A_177, %parallel_loop3A_178 : i32
        %parallel_loop3A_180 = arith.index_cast %parallel_loop3A_179 : i32 to index
        %parallel_loop3A_181 = tpu.vector_load %arg7[%parallel_loop3A_180] {strides = array<i32>} : memref<512xf32, #tpu.memory_space<vmem>>, vector<16xf32>,
        %parallel_loop3A_182 = arith.constant 16 : i32
        %parallel_loop3A_183 = arith.muli %parallel_loop3A_177, %parallel_loop3A_182 : i32
        %parallel_loop3A_184 = arith.constant 0 : i32
        %parallel_loop3A_185 = arith.index_cast %parallel_loop3A_184 : i32 to index
        %parallel_loop3A_186 = arith.index_cast %parallel_loop3A_183 : i32 to index
        %parallel_loop3A_187 = tpu.vector_load %arg8[%parallel_loop3A_185, %parallel_loop3A_186] {strides = array<i32>} : memref<8x512xi32, #tpu.memory_space<vmem>>, vector<16xi32>,
        %parallel_loop3A_188 = tpu.vector_load_idx %arg6[%parallel_loop3A_187] : memref<100000xf32, #tpu.memory_space<vmem>>[vector<16xi32>], vector<16xf32>,
        %parallel_loop3A_189 = arith.addf %parallel_loop3A_188, %parallel_loop3A_181 : vector<16xf32>
        %parallel_loop3A_190 = arith.constant 16 : i32
        %parallel_loop3A_191 = arith.muli %parallel_loop3A_177, %parallel_loop3A_190 : i32
        %parallel_loop3A_192 = arith.constant 0 : i32
        %parallel_loop3A_193 = arith.index_cast %parallel_loop3A_192 : i32 to index
        %parallel_loop3A_194 = arith.index_cast %parallel_loop3A_191 : i32 to index
        %parallel_loop3A_195 = tpu.vector_load %arg10[%parallel_loop3A_193, %parallel_loop3A_194] {strides = array<i32>} : memref<8x512xf32, #tpu.memory_space<vmem>>, vector<16xf32>,
        tpu.vector_store %arg10[%parallel_loop3A_193, %parallel_loop3A_194], %parallel_loop3A_189 {strides = array<i32>} : memref<8x512xf32, #tpu.memory_space<vmem>>, vector<16xf32>,
        %parallel_loop3A_196 = arith.constant 16 : i32
        %parallel_loop3A_197 = arith.muli %parallel_loop3A_177, %parallel_loop3A_196 : i32
        %parallel_loop3A_198 = arith.constant 1 : i32
        %parallel_loop3A_199 = arith.index_cast %parallel_loop3A_198 : i32 to index
        %parallel_loop3A_200 = arith.index_cast %parallel_loop3A_197 : i32 to index
        %parallel_loop3A_201 = tpu.vector_load %arg8[%parallel_loop3A_199, %parallel_loop3A_200] {strides = array<i32>} : memref<8x512xi32, #tpu.memory_space<vmem>>, vector<16xi32>,
        %parallel_loop3A_202 = tpu.vector_load_idx %arg6[%parallel_loop3A_201] : memref<100000xf32, #tpu.memory_space<vmem>>[vector<16xi32>], vector<16xf32>,
        %parallel_loop3A_203 = arith.addf %parallel_loop3A_202, %parallel_loop3A_181 : vector<16xf32>
        %parallel_loop3A_204 = arith.constant 16 : i32
        %parallel_loop3A_205 = arith.muli %parallel_loop3A_177, %parallel_loop3A_204 : i32
        %parallel_loop3A_206 = arith.constant 1 : i32
        %parallel_loop3A_207 = arith.index_cast %parallel_loop3A_206 : i32 to index
        %parallel_loop3A_208 = arith.index_cast %parallel_loop3A_205 : i32 to index
        %parallel_loop3A_209 = tpu.vector_load %arg10[%parallel_loop3A_207, %parallel_loop3A_208] {strides = array<i32>} : memref<8x512xf32, #tpu.memory_space<vmem>>, vector<16xf32>,
        tpu.vector_store %arg10[%parallel_loop3A_207, %parallel_loop3A_208], %parallel_loop3A_203 {strides = array<i32>} : memref<8x512xf32, #tpu.memory_space<vmem>>, vector<16xf32>,
        %parallel_loop3A_210 = arith.constant 16 : i32
        %parallel_loop3A_211 = arith.muli %parallel_loop3A_177, %parallel_loop3A_210 : i32
        %parallel_loop3A_212 = arith.constant 2 : i32
        %parallel_loop3A_213 = arith.index_cast %parallel_loop3A_212 : i32 to index
        %parallel_loop3A_214 = arith.index_cast %parallel_loop3A_211 : i32 to index
        %parallel_loop3A_215 = tpu.vector_load %arg8[%parallel_loop3A_213, %parallel_loop3A_214] {strides = array<i32>} : memref<8x512xi32, #tpu.memory_space<vmem>>, vector<16xi32>,
        %parallel_loop3A_216 = tpu.vector_load_idx %arg6[%parallel_loop3A_215] : memref<100000xf32, #tpu.memory_space<vmem>>[vector<16xi32>], vector<16xf32>,
        %parallel_loop3A_217 = arith.addf %parallel_loop3A_216, %parallel_loop3A_181 : vector<16xf32>
        %parallel_loop3A_218 = arith.constant 16 : i32
        %parallel_loop3A_219 = arith.muli %parallel_loop3A_177, %parallel_loop3A_218 : i32
        %parallel_loop3A_220 = arith.constant 2 : i32
        %parallel_loop3A_221 = arith.index_cast %parallel_loop3A_220 : i32 to index
        %parallel_loop3A_222 = arith.index_cast %parallel_loop3A_219 : i32 to index
        %parallel_loop3A_223 = tpu.vector_load %arg10[%parallel_loop3A_221, %parallel_loop3A_222] {strides = array<i32>} : memref<8x512xf32, #tpu.memory_space<vmem>>, vector<16xf32>,
        tpu.vector_store %arg10[%parallel_loop3A_221, %parallel_loop3A_222], %parallel_loop3A_217 {strides = array<i32>} : memref<8x512xf32, #tpu.memory_space<vmem>>, vector<16xf32>,
        %parallel_loop3A_224 = arith.constant 16 : i32
        %parallel_loop3A_225 = arith.muli %parallel_loop3A_177, %parallel_loop3A_224 : i32
        %parallel_loop3A_226 = arith.constant 3 : i32
        %parallel_loop3A_227 = arith.index_cast %parallel_loop3A_226 : i32 to index
        %parallel_loop3A_228 = arith.index_cast %parallel_loop3A_225 : i32 to index
        %parallel_loop3A_229 = tpu.vector_load %arg8[%parallel_loop3A_227, %parallel_loop3A_228] {strides = array<i32>} : memref<8x512xi32, #tpu.memory_space<vmem>>, vector<16xi32>,
        %parallel_loop3A_230 = tpu.vector_load_idx %arg6[%parallel_loop3A_229] : memref<100000xf32, #tpu.memory_space<vmem>>[vector<16xi32>], vector<16xf32>,
        %parallel_loop3A_231 = arith.addf %parallel_loop3A_230, %parallel_loop3A_181 : vector<16xf32>
        %parallel_loop3A_232 = arith.constant 16 : i32
        %parallel_loop3A_233 = arith.muli %parallel_loop3A_177, %parallel_loop3A_232 : i32
        %parallel_loop3A_234 = arith.constant 3 : i32
        %parallel_loop3A_235 = arith.index_cast %parallel_loop3A_234 : i32 to index
        %parallel_loop3A_236 = arith.index_cast %parallel_loop3A_233 : i32 to index
        %parallel_loop3A_237 = tpu.vector_load %arg10[%parallel_loop3A_235, %parallel_loop3A_236] {strides = array<i32>} : memref<8x512xf32, #tpu.memory_space<vmem>>, vector<16xf32>,
        tpu.vector_store %arg10[%parallel_loop3A_235, %parallel_loop3A_236], %parallel_loop3A_231 {strides = array<i32>} : memref<8x512xf32, #tpu.memory_space<vmem>>, vector<16xf32>,
        %parallel_loop3A_238 = arith.constant 16 : i32
        %parallel_loop3A_239 = arith.muli %parallel_loop3A_177, %parallel_loop3A_238 : i32
        %parallel_loop3A_240 = arith.constant 4 : i32
        %parallel_loop3A_241 = arith.index_cast %parallel_loop3A_240 : i32 to index
        %parallel_loop3A_242 = arith.index_cast %parallel_loop3A_239 : i32 to index
        %parallel_loop3A_243 = tpu.vector_load %arg8[%parallel_loop3A_241, %parallel_loop3A_242] {strides = array<i32>} : memref<8x512xi32, #tpu.memory_space<vmem>>, vector<16xi32>,
        %parallel_loop3A_244 = tpu.vector_load_idx %arg6[%parallel_loop3A_243] : memref<100000xf32, #tpu.memory_space<vmem>>[vector<16xi32>], vector<16xf32>,
        %parallel_loop3A_245 = arith.addf %parallel_loop3A_244, %parallel_loop3A_181 : vector<16xf32>
        %parallel_loop3A_246 = arith.constant 16 : i32
        %parallel_loop3A_247 = arith.muli %parallel_loop3A_177, %parallel_loop3A_246 : i32
        %parallel_loop3A_248 = arith.constant 4 : i32
        %parallel_loop3A_249 = arith.index_cast %parallel_loop3A_248 : i32 to index
        %parallel_loop3A_250 = arith.index_cast %parallel_loop3A_247 : i32 to index
        %parallel_loop3A_251 = tpu.vector_load %arg10[%parallel_loop3A_249, %parallel_loop3A_250] {strides = array<i32>} : memref<8x512xf32, #tpu.memory_space<vmem>>, vector<16xf32>,
        tpu.vector_store %arg10[%parallel_loop3A_249, %parallel_loop3A_250], %parallel_loop3A_245 {strides = array<i32>} : memref<8x512xf32, #tpu.memory_space<vmem>>, vector<16xf32>,
        %parallel_loop3A_252 = arith.constant 16 : i32
        %parallel_loop3A_253 = arith.muli %parallel_loop3A_177, %parallel_loop3A_252 : i32
        %parallel_loop3A_254 = arith.constant 5 : i32
        %parallel_loop3A_255 = arith.index_cast %parallel_loop3A_254 : i32 to index
        %parallel_loop3A_256 = arith.index_cast %parallel_loop3A_253 : i32 to index
        %parallel_loop3A_257 = tpu.vector_load %arg8[%parallel_loop3A_255, %parallel_loop3A_256] {strides = array<i32>} : memref<8x512xi32, #tpu.memory_space<vmem>>, vector<16xi32>,
        %parallel_loop3A_258 = tpu.vector_load_idx %arg6[%parallel_loop3A_257] : memref<100000xf32, #tpu.memory_space<vmem>>[vector<16xi32>], vector<16xf32>,
        %parallel_loop3A_259 = arith.addf %parallel_loop3A_258, %parallel_loop3A_181 : vector<16xf32>
        %parallel_loop3A_260 = arith.constant 16 : i32
        %parallel_loop3A_261 = arith.muli %parallel_loop3A_177, %parallel_loop3A_260 : i32
        %parallel_loop3A_262 = arith.constant 5 : i32
        %parallel_loop3A_263 = arith.index_cast %parallel_loop3A_262 : i32 to index
        %parallel_loop3A_264 = arith.index_cast %parallel_loop3A_261 : i32 to index
        %parallel_loop3A_265 = tpu.vector_load %arg10[%parallel_loop3A_263, %parallel_loop3A_264] {strides = array<i32>} : memref<8x512xf32, #tpu.memory_space<vmem>>, vector<16xf32>,
        tpu.vector_store %arg10[%parallel_loop3A_263, %parallel_loop3A_264], %parallel_loop3A_259 {strides = array<i32>} : memref<8x512xf32, #tpu.memory_space<vmem>>, vector<16xf32>,
        %parallel_loop3A_266 = arith.constant 16 : i32
        %parallel_loop3A_267 = arith.muli %parallel_loop3A_177, %parallel_loop3A_266 : i32
        %parallel_loop3A_268 = arith.constant 6 : i32
        %parallel_loop3A_269 = arith.index_cast %parallel_loop3A_268 : i32 to index
        %parallel_loop3A_270 = arith.index_cast %parallel_loop3A_267 : i32 to index
        %parallel_loop3A_271 = tpu.vector_load %arg8[%parallel_loop3A_269, %parallel_loop3A_270] {strides = array<i32>} : memref<8x512xi32, #tpu.memory_space<vmem>>, vector<16xi32>,
        %parallel_loop3A_272 = tpu.vector_load_idx %arg6[%parallel_loop3A_271] : memref<100000xf32, #tpu.memory_space<vmem>>[vector<16xi32>], vector<16xf32>,
        %parallel_loop3A_273 = arith.addf %parallel_loop3A_272, %parallel_loop3A_181 : vector<16xf32>
        %parallel_loop3A_274 = arith.constant 16 : i32
        %parallel_loop3A_275 = arith.muli %parallel_loop3A_177, %parallel_loop3A_274 : i32
        %parallel_loop3A_276 = arith.constant 6 : i32
        %parallel_loop3A_277 = arith.index_cast %parallel_loop3A_276 : i32 to index
        %parallel_loop3A_278 = arith.index_cast %parallel_loop3A_275 : i32 to index
        %parallel_loop3A_279 = tpu.vector_load %arg10[%parallel_loop3A_277, %parallel_loop3A_278] {strides = array<i32>} : memref<8x512xf32, #tpu.memory_space<vmem>>, vector<16xf32>,
        tpu.vector_store %arg10[%parallel_loop3A_277, %parallel_loop3A_278], %parallel_loop3A_273 {strides = array<i32>} : memref<8x512xf32, #tpu.memory_space<vmem>>, vector<16xf32>,
        %parallel_loop3A_280 = arith.constant 16 : i32
        %parallel_loop3A_281 = arith.muli %parallel_loop3A_177, %parallel_loop3A_280 : i32
        %parallel_loop3A_282 = arith.constant 7 : i32
        %parallel_loop3A_283 = arith.index_cast %parallel_loop3A_282 : i32 to index
        %parallel_loop3A_284 = arith.index_cast %parallel_loop3A_281 : i32 to index
        %parallel_loop3A_285 = tpu.vector_load %arg8[%parallel_loop3A_283, %parallel_loop3A_284] {strides = array<i32>} : memref<8x512xi32, #tpu.memory_space<vmem>>, vector<16xi32>,
        %parallel_loop3A_286 = tpu.vector_load_idx %arg6[%parallel_loop3A_285] : memref<100000xf32, #tpu.memory_space<vmem>>[vector<16xi32>], vector<16xf32>,
        %parallel_loop3A_287 = arith.addf %parallel_loop3A_286, %parallel_loop3A_181 : vector<16xf32>
        %parallel_loop3A_288 = arith.constant 16 : i32
        %parallel_loop3A_289 = arith.muli %parallel_loop3A_177, %parallel_loop3A_288 : i32
        %parallel_loop3A_290 = arith.constant 7 : i32
        %parallel_loop3A_291 = arith.index_cast %parallel_loop3A_290 : i32 to index
        %parallel_loop3A_292 = arith.index_cast %parallel_loop3A_289 : i32 to index
        %parallel_loop3A_293 = tpu.vector_load %arg10[%parallel_loop3A_291, %parallel_loop3A_292] {strides = array<i32>} : memref<8x512xf32, #tpu.memory_space<vmem>>, vector<16xf32>,
        tpu.vector_store %arg10[%parallel_loop3A_291, %parallel_loop3A_292], %parallel_loop3A_287 {strides = array<i32>} : memref<8x512xf32, #tpu.memory_space<vmem>>, vector<16xf32>,
      } {sc.loop_unroll_factor = 4 : i64, sc.parallel_access}
      %mul3A_136 = arith.constant 8 : i32
      %mul3A_137 = arith.muli %add3A_118, %mul3A_136 : i32
      %dma_start3A_138 = arith.constant 0 : i32
      %dma_start3A_139 = tpu.memref_slice %arg5[%mul3A_137, %add3A_36, %dma_start3A_138] : memref<1024x64x512xf32, #tpu.memory_space<hbm>> -> memref<8x1x512xf32, #tpu.memory_space<hbm>>
      %dma_start3A_140 = tpu.memref_squeeze %dma_start3A_139 : memref<8x1x512xf32, #tpu.memory_space<hbm>> -> memref<8x512xf32, #tpu.memory_space<hbm>>
      %dma_start3A_141 = arith.constant 0 : i32
      %dma_start3A_142 = tpu.memref_slice %arg5[%mul3A_137, %add3A_36, %dma_start3A_141] : memref<1024x64x512xf32, #tpu.memory_space<hbm>> -> memref<8x1x512xf32, #tpu.memory_space<hbm>>
      %dma_start3A_143 = tpu.memref_squeeze %dma_start3A_142 : memref<8x1x512xf32, #tpu.memory_space<hbm>> -> memref<8x512xf32, #tpu.memory_space<hbm>>
      tpu.enqueue_dma source(%arg10 : memref<8x512xf32, #tpu.memory_space<vmem>>) target(%dma_start3A_143 : memref<8x512xf32, #tpu.memory_space<hbm>>) target_semaphore(%arg14 : memref<!tpu.dma_semaphore, #tpu.memory_space<semaphore_mem>>)
      %add3A_144 = arith.constant 1 : i32
      %add3A_145 = arith.addi %add3A_116, %add3A_144 : i32
      %add3A_146 = arith.constant 1 : i32
      %add3A_147 = arith.addi %add3A_145, %add3A_146 : i32
      %lt3A_148 = arith.constant 128 : i32
      %lt3A_149 = arith.cmpi slt, %add3A_147, %lt3A_148 : i32
      %convert_element_type3A_150 = arith.extui %lt3A_149 : i1 to i32
      %cond3A_151 = arith.constant 0 : i32
      %cond3A_152 = arith.cmpi ne, %convert_element_type3A_150, %cond3A_151 : i32
      scf.if %cond3A_152 {
        %add3A_177 = arith.constant 1 : i32
        %add3A_178 = arith.addi %add3A_145, %add3A_177 : i32
        %mul3A_179 = arith.constant 8 : i32
        %mul3A_180 = arith.muli %add3A_178, %mul3A_179 : i32
        %dma_start3A_181 = arith.constant 0 : i32
        %dma_start3A_182 = tpu.memref_slice %arg2[%mul3A_180, %dma_start3A_181] : memref<1024x512xi32, #tpu.memory_space<hbm>> -> memref<8x512xi32, #tpu.memory_space<hbm>>
        %dma_start3A_183 = arith.constant 0 : i32
        %dma_start3A_184 = tpu.memref_slice %arg2[%mul3A_180, %dma_start3A_183] : memref<1024x512xi32, #tpu.memory_space<hbm>> -> memref<8x512xi32, #tpu.memory_space<hbm>>
        tpu.enqueue_dma source(%dma_start3A_184 : memref<8x512xi32, #tpu.memory_space<hbm>>) target(%arg8 : memref<8x512xi32, #tpu.memory_space<vmem>>) target_semaphore(%arg12 : memref<!tpu.dma_semaphore, #tpu.memory_space<semaphore_mem>>)
      } else {
      }
      %mul3A_153 = arith.constant 8 : i32
      %mul3A_154 = arith.muli %add3A_145, %mul3A_153 : i32
      %dma_wait3A_155 = arith.constant 0 : i32
      %dma_wait3A_156 = tpu.memref_slice %arg2[%mul3A_154, %dma_wait3A_155] : memref<1024x512xi32, #tpu.memory_space<hbm>> -> memref<8x512xi32, #tpu.memory_space<hbm>>
      %dma_wait3A_157 = arith.constant 0 : i32
      %dma_wait3A_158 = tpu.memref_slice %arg2[%mul3A_154, %dma_wait3A_157] : memref<1024x512xi32, #tpu.memory_space<hbm>> -> memref<8x512xi32, #tpu.memory_space<hbm>>
      tpu.wait_dma2 semaphore(%arg13 : memref<!tpu.dma_semaphore, #tpu.memory_space<semaphore_mem>>) src(%dma_wait3A_158 : memref<8x512xi32, #tpu.memory_space<hbm>>) dst(%arg9 : memref<8x512xi32, #tpu.memory_space<vmem>>)
      %sub3A_159 = arith.constant 2 : i32
      %sub3A_160 = arith.subi %add3A_145, %sub3A_159 : i32
      %ge3A_161 = arith.constant 0 : i32
      %ge3A_162 = arith.cmpi sge, %sub3A_160, %ge3A_161 : i32
      %convert_element_type3A_163 = arith.extui %ge3A_162 : i1 to i32
      %cond3A_164 = arith.constant 0 : i32
      %cond3A_165 = arith.cmpi ne, %convert_element_type3A_163, %cond3A_164 : i32
      scf.if %cond3A_165 {
        %sub3A_177 = arith.constant 2 : i32
        %sub3A_178 = arith.subi %add3A_145, %sub3A_177 : i32
        %mul3A_179 = arith.constant 8 : i32
        %mul3A_180 = arith.muli %sub3A_178, %mul3A_179 : i32
        %dma_wait3A_181 = arith.constant 0 : i32
        %dma_wait3A_182 = tpu.memref_slice %arg5[%mul3A_180, %add3A_36, %dma_wait3A_181] : memref<1024x64x512xf32, #tpu.memory_space<hbm>> -> memref<8x1x512xf32, #tpu.memory_space<hbm>>
        %dma_wait3A_183 = tpu.memref_squeeze %dma_wait3A_182 : memref<8x1x512xf32, #tpu.memory_space<hbm>> -> memref<8x512xf32, #tpu.memory_space<hbm>>
        %dma_wait3A_184 = arith.constant 0 : i32
        %dma_wait3A_185 = tpu.memref_slice %arg5[%mul3A_180, %add3A_36, %dma_wait3A_184] : memref<1024x64x512xf32, #tpu.memory_space<hbm>> -> memref<8x1x512xf32, #tpu.memory_space<hbm>>
        %dma_wait3A_186 = tpu.memref_squeeze %dma_wait3A_185 : memref<8x1x512xf32, #tpu.memory_space<hbm>> -> memref<8x512xf32, #tpu.memory_space<hbm>>
        tpu.wait_dma2 semaphore(%arg15 : memref<!tpu.dma_semaphore, #tpu.memory_space<semaphore_mem>>) src(%arg11 : memref<8x512xf32, #tpu.memory_space<vmem>>) dst(%dma_wait3A_186 : memref<8x512xf32, #tpu.memory_space<hbm>>)
      } else {
      }
      %parallel_loop3A_166 = arith.constant 0 : i32
      %parallel_loop3A_167 = arith.constant 32 : i32
      %parallel_loop3A_168 = arith.constant 1 : i32
      scf.for %parallel_loop3A_177 = %parallel_loop3A_166 to %parallel_loop3A_167 step %parallel_loop3A_168  : i32 {
        %parallel_loop3A_178 = arith.constant 16 : i32
        %parallel_loop3A_179 = arith.muli %parallel_loop3A_177, %parallel_loop3A_178 : i32
        %parallel_loop3A_180 = arith.index_cast %parallel_loop3A_179 : i32 to index
        %parallel_loop3A_181 = tpu.vector_load %arg7[%parallel_loop3A_180] {strides = array<i32>} : memref<512xf32, #tpu.memory_space<vmem>>, vector<16xf32>,
        %parallel_loop3A_182 = arith.constant 16 : i32
        %parallel_loop3A_183 = arith.muli %parallel_loop3A_177, %parallel_loop3A_182 : i32
        %parallel_loop3A_184 = arith.constant 0 : i32
        %parallel_loop3A_185 = arith.index_cast %parallel_loop3A_184 : i32 to index
        %parallel_loop3A_186 = arith.index_cast %parallel_loop3A_183 : i32 to index
        %parallel_loop3A_187 = tpu.vector_load %arg9[%parallel_loop3A_185, %parallel_loop3A_186] {strides = array<i32>} : memref<8x512xi32, #tpu.memory_space<vmem>>, vector<16xi32>,
        %parallel_loop3A_188 = tpu.vector_load_idx %arg6[%parallel_loop3A_187] : memref<100000xf32, #tpu.memory_space<vmem>>[vector<16xi32>], vector<16xf32>,
        %parallel_loop3A_189 = arith.addf %parallel_loop3A_188, %parallel_loop3A_181 : vector<16xf32>
        %parallel_loop3A_190 = arith.constant 16 : i32
        %parallel_loop3A_191 = arith.muli %parallel_loop3A_177, %parallel_loop3A_190 : i32
        %parallel_loop3A_192 = arith.constant 0 : i32
        %parallel_loop3A_193 = arith.index_cast %parallel_loop3A_192 : i32 to index
        %parallel_loop3A_194 = arith.index_cast %parallel_loop3A_191 : i32 to index
        %parallel_loop3A_195 = tpu.vector_load %arg11[%parallel_loop3A_193, %parallel_loop3A_194] {strides = array<i32>} : memref<8x512xf32, #tpu.memory_space<vmem>>, vector<16xf32>,
        tpu.vector_store %arg11[%parallel_loop3A_193, %parallel_loop3A_194], %parallel_loop3A_189 {strides = array<i32>} : memref<8x512xf32, #tpu.memory_space<vmem>>, vector<16xf32>,
        %parallel_loop3A_196 = arith.constant 16 : i32
        %parallel_loop3A_197 = arith.muli %parallel_loop3A_177, %parallel_loop3A_196 : i32
        %parallel_loop3A_198 = arith.constant 1 : i32
        %parallel_loop3A_199 = arith.index_cast %parallel_loop3A_198 : i32 to index
        %parallel_loop3A_200 = arith.index_cast %parallel_loop3A_197 : i32 to index
        %parallel_loop3A_201 = tpu.vector_load %arg9[%parallel_loop3A_199, %parallel_loop3A_200] {strides = array<i32>} : memref<8x512xi32, #tpu.memory_space<vmem>>, vector<16xi32>,
        %parallel_loop3A_202 = tpu.vector_load_idx %arg6[%parallel_loop3A_201] : memref<100000xf32, #tpu.memory_space<vmem>>[vector<16xi32>], vector<16xf32>,
        %parallel_loop3A_203 = arith.addf %parallel_loop3A_202, %parallel_loop3A_181 : vector<16xf32>
        %parallel_loop3A_204 = arith.constant 16 : i32
        %parallel_loop3A_205 = arith.muli %parallel_loop3A_177, %parallel_loop3A_204 : i32
        %parallel_loop3A_206 = arith.constant 1 : i32
        %parallel_loop3A_207 = arith.index_cast %parallel_loop3A_206 : i32 to index
        %parallel_loop3A_208 = arith.index_cast %parallel_loop3A_205 : i32 to index
        %parallel_loop3A_209 = tpu.vector_load %arg11[%parallel_loop3A_207, %parallel_loop3A_208] {strides = array<i32>} : memref<8x512xf32, #tpu.memory_space<vmem>>, vector<16xf32>,
        tpu.vector_store %arg11[%parallel_loop3A_207, %parallel_loop3A_208], %parallel_loop3A_203 {strides = array<i32>} : memref<8x512xf32, #tpu.memory_space<vmem>>, vector<16xf32>,
        %parallel_loop3A_210 = arith.constant 16 : i32
        %parallel_loop3A_211 = arith.muli %parallel_loop3A_177, %parallel_loop3A_210 : i32
        %parallel_loop3A_212 = arith.constant 2 : i32
        %parallel_loop3A_213 = arith.index_cast %parallel_loop3A_212 : i32 to index
        %parallel_loop3A_214 = arith.index_cast %parallel_loop3A_211 : i32 to index
        %parallel_loop3A_215 = tpu.vector_load %arg9[%parallel_loop3A_213, %parallel_loop3A_214] {strides = array<i32>} : memref<8x512xi32, #tpu.memory_space<vmem>>, vector<16xi32>,
        %parallel_loop3A_216 = tpu.vector_load_idx %arg6[%parallel_loop3A_215] : memref<100000xf32, #tpu.memory_space<vmem>>[vector<16xi32>], vector<16xf32>,
        %parallel_loop3A_217 = arith.addf %parallel_loop3A_216, %parallel_loop3A_181 : vector<16xf32>
        %parallel_loop3A_218 = arith.constant 16 : i32
        %parallel_loop3A_219 = arith.muli %parallel_loop3A_177, %parallel_loop3A_218 : i32
        %parallel_loop3A_220 = arith.constant 2 : i32
        %parallel_loop3A_221 = arith.index_cast %parallel_loop3A_220 : i32 to index
        %parallel_loop3A_222 = arith.index_cast %parallel_loop3A_219 : i32 to index
        %parallel_loop3A_223 = tpu.vector_load %arg11[%parallel_loop3A_221, %parallel_loop3A_222] {strides = array<i32>} : memref<8x512xf32, #tpu.memory_space<vmem>>, vector<16xf32>,
        tpu.vector_store %arg11[%parallel_loop3A_221, %parallel_loop3A_222], %parallel_loop3A_217 {strides = array<i32>} : memref<8x512xf32, #tpu.memory_space<vmem>>, vector<16xf32>,
        %parallel_loop3A_224 = arith.constant 16 : i32
        %parallel_loop3A_225 = arith.muli %parallel_loop3A_177, %parallel_loop3A_224 : i32
        %parallel_loop3A_226 = arith.constant 3 : i32
        %parallel_loop3A_227 = arith.index_cast %parallel_loop3A_226 : i32 to index
        %parallel_loop3A_228 = arith.index_cast %parallel_loop3A_225 : i32 to index
        %parallel_loop3A_229 = tpu.vector_load %arg9[%parallel_loop3A_227, %parallel_loop3A_228] {strides = array<i32>} : memref<8x512xi32, #tpu.memory_space<vmem>>, vector<16xi32>,
        %parallel_loop3A_230 = tpu.vector_load_idx %arg6[%parallel_loop3A_229] : memref<100000xf32, #tpu.memory_space<vmem>>[vector<16xi32>], vector<16xf32>,
        %parallel_loop3A_231 = arith.addf %parallel_loop3A_230, %parallel_loop3A_181 : vector<16xf32>
        %parallel_loop3A_232 = arith.constant 16 : i32
        %parallel_loop3A_233 = arith.muli %parallel_loop3A_177, %parallel_loop3A_232 : i32
        %parallel_loop3A_234 = arith.constant 3 : i32
        %parallel_loop3A_235 = arith.index_cast %parallel_loop3A_234 : i32 to index
        %parallel_loop3A_236 = arith.index_cast %parallel_loop3A_233 : i32 to index
        %parallel_loop3A_237 = tpu.vector_load %arg11[%parallel_loop3A_235, %parallel_loop3A_236] {strides = array<i32>} : memref<8x512xf32, #tpu.memory_space<vmem>>, vector<16xf32>,
        tpu.vector_store %arg11[%parallel_loop3A_235, %parallel_loop3A_236], %parallel_loop3A_231 {strides = array<i32>} : memref<8x512xf32, #tpu.memory_space<vmem>>, vector<16xf32>,
        %parallel_loop3A_238 = arith.constant 16 : i32
        %parallel_loop3A_239 = arith.muli %parallel_loop3A_177, %parallel_loop3A_238 : i32
        %parallel_loop3A_240 = arith.constant 4 : i32
        %parallel_loop3A_241 = arith.index_cast %parallel_loop3A_240 : i32 to index
        %parallel_loop3A_242 = arith.index_cast %parallel_loop3A_239 : i32 to index
        %parallel_loop3A_243 = tpu.vector_load %arg9[%parallel_loop3A_241, %parallel_loop3A_242] {strides = array<i32>} : memref<8x512xi32, #tpu.memory_space<vmem>>, vector<16xi32>,
        %parallel_loop3A_244 = tpu.vector_load_idx %arg6[%parallel_loop3A_243] : memref<100000xf32, #tpu.memory_space<vmem>>[vector<16xi32>], vector<16xf32>,
        %parallel_loop3A_245 = arith.addf %parallel_loop3A_244, %parallel_loop3A_181 : vector<16xf32>
        %parallel_loop3A_246 = arith.constant 16 : i32
        %parallel_loop3A_247 = arith.muli %parallel_loop3A_177, %parallel_loop3A_246 : i32
        %parallel_loop3A_248 = arith.constant 4 : i32
        %parallel_loop3A_249 = arith.index_cast %parallel_loop3A_248 : i32 to index
        %parallel_loop3A_250 = arith.index_cast %parallel_loop3A_247 : i32 to index
        %parallel_loop3A_251 = tpu.vector_load %arg11[%parallel_loop3A_249, %parallel_loop3A_250] {strides = array<i32>} : memref<8x512xf32, #tpu.memory_space<vmem>>, vector<16xf32>,
        tpu.vector_store %arg11[%parallel_loop3A_249, %parallel_loop3A_250], %parallel_loop3A_245 {strides = array<i32>} : memref<8x512xf32, #tpu.memory_space<vmem>>, vector<16xf32>,
        %parallel_loop3A_252 = arith.constant 16 : i32
        %parallel_loop3A_253 = arith.muli %parallel_loop3A_177, %parallel_loop3A_252 : i32
        %parallel_loop3A_254 = arith.constant 5 : i32
        %parallel_loop3A_255 = arith.index_cast %parallel_loop3A_254 : i32 to index
        %parallel_loop3A_256 = arith.index_cast %parallel_loop3A_253 : i32 to index
        %parallel_loop3A_257 = tpu.vector_load %arg9[%parallel_loop3A_255, %parallel_loop3A_256] {strides = array<i32>} : memref<8x512xi32, #tpu.memory_space<vmem>>, vector<16xi32>,
        %parallel_loop3A_258 = tpu.vector_load_idx %arg6[%parallel_loop3A_257] : memref<100000xf32, #tpu.memory_space<vmem>>[vector<16xi32>], vector<16xf32>,
        %parallel_loop3A_259 = arith.addf %parallel_loop3A_258, %parallel_loop3A_181 : vector<16xf32>
        %parallel_loop3A_260 = arith.constant 16 : i32
        %parallel_loop3A_261 = arith.muli %parallel_loop3A_177, %parallel_loop3A_260 : i32
        %parallel_loop3A_262 = arith.constant 5 : i32
        %parallel_loop3A_263 = arith.index_cast %parallel_loop3A_262 : i32 to index
        %parallel_loop3A_264 = arith.index_cast %parallel_loop3A_261 : i32 to index
        %parallel_loop3A_265 = tpu.vector_load %arg11[%parallel_loop3A_263, %parallel_loop3A_264] {strides = array<i32>} : memref<8x512xf32, #tpu.memory_space<vmem>>, vector<16xf32>,
        tpu.vector_store %arg11[%parallel_loop3A_263, %parallel_loop3A_264], %parallel_loop3A_259 {strides = array<i32>} : memref<8x512xf32, #tpu.memory_space<vmem>>, vector<16xf32>,
        %parallel_loop3A_266 = arith.constant 16 : i32
        %parallel_loop3A_267 = arith.muli %parallel_loop3A_177, %parallel_loop3A_266 : i32
        %parallel_loop3A_268 = arith.constant 6 : i32
        %parallel_loop3A_269 = arith.index_cast %parallel_loop3A_268 : i32 to index
        %parallel_loop3A_270 = arith.index_cast %parallel_loop3A_267 : i32 to index
        %parallel_loop3A_271 = tpu.vector_load %arg9[%parallel_loop3A_269, %parallel_loop3A_270] {strides = array<i32>} : memref<8x512xi32, #tpu.memory_space<vmem>>, vector<16xi32>,
        %parallel_loop3A_272 = tpu.vector_load_idx %arg6[%parallel_loop3A_271] : memref<100000xf32, #tpu.memory_space<vmem>>[vector<16xi32>], vector<16xf32>,
        %parallel_loop3A_273 = arith.addf %parallel_loop3A_272, %parallel_loop3A_181 : vector<16xf32>
        %parallel_loop3A_274 = arith.constant 16 : i32
        %parallel_loop3A_275 = arith.muli %parallel_loop3A_177, %parallel_loop3A_274 : i32
        %parallel_loop3A_276 = arith.constant 6 : i32
        %parallel_loop3A_277 = arith.index_cast %parallel_loop3A_276 : i32 to index
        %parallel_loop3A_278 = arith.index_cast %parallel_loop3A_275 : i32 to index
        %parallel_loop3A_279 = tpu.vector_load %arg11[%parallel_loop3A_277, %parallel_loop3A_278] {strides = array<i32>} : memref<8x512xf32, #tpu.memory_space<vmem>>, vector<16xf32>,
        tpu.vector_store %arg11[%parallel_loop3A_277, %parallel_loop3A_278], %parallel_loop3A_273 {strides = array<i32>} : memref<8x512xf32, #tpu.memory_space<vmem>>, vector<16xf32>,
        %parallel_loop3A_280 = arith.constant 16 : i32
        %parallel_loop3A_281 = arith.muli %parallel_loop3A_177, %parallel_loop3A_280 : i32
        %parallel_loop3A_282 = arith.constant 7 : i32
        %parallel_loop3A_283 = arith.index_cast %parallel_loop3A_282 : i32 to index
        %parallel_loop3A_284 = arith.index_cast %parallel_loop3A_281 : i32 to index
        %parallel_loop3A_285 = tpu.vector_load %arg9[%parallel_loop3A_283, %parallel_loop3A_284] {strides = array<i32>} : memref<8x512xi32, #tpu.memory_space<vmem>>, vector<16xi32>,
        %parallel_loop3A_286 = tpu.vector_load_idx %arg6[%parallel_loop3A_285] : memref<100000xf32, #tpu.memory_space<vmem>>[vector<16xi32>], vector<16xf32>,
        %parallel_loop3A_287 = arith.addf %parallel_loop3A_286, %parallel_loop3A_181 : vector<16xf32>
        %parallel_loop3A_288 = arith.constant 16 : i32
        %parallel_loop3A_289 = arith.muli %parallel_loop3A_177, %parallel_loop3A_288 : i32
        %parallel_loop3A_290 = arith.constant 7 : i32
        %parallel_loop3A_291 = arith.index_cast %parallel_loop3A_290 : i32 to index
        %parallel_loop3A_292 = arith.index_cast %parallel_loop3A_289 : i32 to index
        %parallel_loop3A_293 = tpu.vector_load %arg11[%parallel_loop3A_291, %parallel_loop3A_292] {strides = array<i32>} : memref<8x512xf32, #tpu.memory_space<vmem>>, vector<16xf32>,
        tpu.vector_store %arg11[%parallel_loop3A_291, %parallel_loop3A_292], %parallel_loop3A_287 {strides = array<i32>} : memref<8x512xf32, #tpu.memory_space<vmem>>, vector<16xf32>,
      } {sc.loop_unroll_factor = 4 : i64, sc.parallel_access}
      %mul3A_169 = arith.constant 8 : i32
      %mul3A_170 = arith.muli %add3A_145, %mul3A_169 : i32
      %dma_start3A_171 = arith.constant 0 : i32
      %dma_start3A_172 = tpu.memref_slice %arg5[%mul3A_170, %add3A_36, %dma_start3A_171] : memref<1024x64x512xf32, #tpu.memory_space<hbm>> -> memref<8x1x512xf32, #tpu.memory_space<hbm>>
      %dma_start3A_173 = tpu.memref_squeeze %dma_start3A_172 : memref<8x1x512xf32, #tpu.memory_space<hbm>> -> memref<8x512xf32, #tpu.memory_space<hbm>>
      %dma_start3A_174 = arith.constant 0 : i32
      %dma_start3A_175 = tpu.memref_slice %arg5[%mul3A_170, %add3A_36, %dma_start3A_174] : memref<1024x64x512xf32, #tpu.memory_space<hbm>> -> memref<8x1x512xf32, #tpu.memory_space<hbm>>
      %dma_start3A_176 = tpu.memref_squeeze %dma_start3A_175 : memref<8x1x512xf32, #tpu.memory_space<hbm>> -> memref<8x512xf32, #tpu.memory_space<hbm>>
      tpu.enqueue_dma source(%arg11 : memref<8x512xf32, #tpu.memory_space<vmem>>) target(%dma_start3A_176 : memref<8x512xf32, #tpu.memory_space<hbm>>) target_semaphore(%arg15 : memref<!tpu.dma_semaphore, #tpu.memory_space<semaphore_mem>>)
    }
    %scan3A_91 = arith.constant 64 : i32
    %add3A_92 = arith.constant 32 : i32
    %add3A_93 = arith.addi %add3A, %add3A_92 : i32
    %dma_wait3A_94 = arith.constant 1008 : i32
    %dma_wait3A_95 = arith.constant 0 : i32
    %dma_wait3A_96 = tpu.memref_slice %arg5[%dma_wait3A_94, %add3A_93, %dma_wait3A_95] : memref<1024x64x512xf32, #tpu.memory_space<hbm>> -> memref<8x1x512xf32, #tpu.memory_space<hbm>>
    %dma_wait3A_97 = tpu.memref_squeeze %dma_wait3A_96 : memref<8x1x512xf32, #tpu.memory_space<hbm>> -> memref<8x512xf32, #tpu.memory_space<hbm>>
    %dma_wait3A_98 = arith.constant 1008 : i32
    %dma_wait3A_99 = arith.constant 0 : i32
    %dma_wait3A_100 = tpu.memref_slice %arg5[%dma_wait3A_98, %add3A_93, %dma_wait3A_99] : memref<1024x64x512xf32, #tpu.memory_space<hbm>> -> memref<8x1x512xf32, #tpu.memory_space<hbm>>
    %dma_wait3A_101 = tpu.memref_squeeze %dma_wait3A_100 : memref<8x1x512xf32, #tpu.memory_space<hbm>> -> memref<8x512xf32, #tpu.memory_space<hbm>>
    tpu.wait_dma2 semaphore(%arg14 : memref<!tpu.dma_semaphore, #tpu.memory_space<semaphore_mem>>) src(%arg10 : memref<8x512xf32, #tpu.memory_space<vmem>>) dst(%dma_wait3A_101 : memref<8x512xf32, #tpu.memory_space<hbm>>)
    %add3A_102 = arith.constant 32 : i32
    %add3A_103 = arith.addi %add3A, %add3A_102 : i32
    %dma_wait3A_104 = arith.constant 1016 : i32
    %dma_wait3A_105 = arith.constant 0 : i32
    %dma_wait3A_106 = tpu.memref_slice %arg5[%dma_wait3A_104, %add3A_103, %dma_wait3A_105] : memref<1024x64x512xf32, #tpu.memory_space<hbm>> -> memref<8x1x512xf32, #tpu.memory_space<hbm>>
    %dma_wait3A_107 = tpu.memref_squeeze %dma_wait3A_106 : memref<8x1x512xf32, #tpu.memory_space<hbm>> -> memref<8x512xf32, #tpu.memory_space<hbm>>
    %dma_wait3A_108 = arith.constant 1016 : i32
    %dma_wait3A_109 = arith.constant 0 : i32
    %dma_wait3A_110 = tpu.memref_slice %arg5[%dma_wait3A_108, %add3A_103, %dma_wait3A_109] : memref<1024x64x512xf32, #tpu.memory_space<hbm>> -> memref<8x1x512xf32, #tpu.memory_space<hbm>>
    %dma_wait3A_111 = tpu.memref_squeeze %dma_wait3A_110 : memref<8x1x512xf32, #tpu.memory_space<hbm>> -> memref<8x512xf32, #tpu.memory_space<hbm>>
    tpu.wait_dma2 semaphore(%arg15 : memref<!tpu.dma_semaphore, #tpu.memory_space<semaphore_mem>>) src(%arg11 : memref<8x512xf32, #tpu.memory_space<vmem>>) dst(%dma_wait3A_111 : memref<8x512xf32, #tpu.memory_space<hbm>>)
    return
  }
}

</mosaic_0001>

<sc_bundles>
// kernel: kernel.3.cloned.1.call-start
scs
__scs_entry_jumppad:
0x0: {  	(pc) =	sbr.rel $0x88, $3  }
0x1: {  	(tag) =	ssettag $0x0;
	lr =	simm.s32 $0x1  }
0x2: {  	[smem:$0x3F9E] =	sst lr;
	_ =	strace $0xD0000000  }
0x3: {  	_ = 	snop  }
0x4: {  	_ = 	snop  }
0x5: {  	_ = 	snop  }
0x6: {  	_ = 	snop  }
0x7: {  	_ = 	snop  }
__scs_overlays_trampoline_lowered:
0x8: {  	[smem:$0x3FAD] =	sst s0  }
0x9: {  	[smem:$0x3FAE] =	sst s1  }
0xa: {  	[smem:$0x3FAF] =	sst s2  }
0xb: {  	[smem:$0x3FB0] =	sst s3  }
0xc: {  	[smem:$0x3FB1] =	sst s4  }
0xd: {  	[smem:$0x3FB2] =	sst s5  }
0xe: {  	[smem:$0x3FB3] =	sst s6  }
0xf: {  	[smem:$0x3FB4] =	sst s7  }
0x10: {  	[smem:$0x3FB5] =	sst s8  }
0x11: {  	[smem:$0x3FB6] =	sst s9;
	s0 =	simm.s32 @!p0 $0x0  }
0x12: {  	s1 =	sld [smem:$0x3F9C];
	s0 =	simm.s32 @p0 $0x1  }
0x13: {  	[smem:$0x3FB7] =	sst s0;
	s0 =	simm.s32 @!p1 $0x0  }
0x14: {  	s2 =	sld [smem:$0x3F9B];
	s0 =	simm.s32 @p1 $0x1  }
0x15: {  	[smem:$0x3FB8] =	sst s0;
	s0 =	simm.s32 @!p2 $0x0  }
0x16: {  	s3 =	sld [smem:$0x3FDB];
	s0 =	simm.s32 @p2 $0x1  }
0x17: {  	s4 =	simm.s32 $0x1BF5;
	[smem:$0x3FBA] =	sst s0  }
0x18: {  	s0 =	sld [smem:$0x3F9D];
	_ =	swait.ge [sflag:s4], $0x0  }
0x19: {  	s7 =	sld [smem:$0x3F9E]  }
0x1a: {  	s8 =	sadd.s32 $0xFFFFE003, lr  }
0x1b: {  	s9 =	sadd.s32 $0xFFFFFEF7, lr;
	s5 =	simm.s32 $0xFFFFFFFF;
	p2 =	slt.u32 s8, $0xFFFFF086  }
0x1c: {  	p1 =	slt.u32 s9, $0xF7A;
	s5 =	simm.s32 @!p2 $0x0  }
0x1d: {  	s5 =	simm.s32 @p1 $0x1;
	p0 =	seq.s32 s7, s2  }
0x1e: {  	s7 =	smul.u32 @!p0 $0xF7A, s2;
	p2 =	seq.s32 @!p0 s5, $0x0  }
0x1f: {  	s9 =	smul.u32 $0xF7A, s1;
	s8 =	simm.s32 @!p0 $0x1BF5;
	p2 =	por !p2, p0  }
0x20: {  	[sflag:s8] =	ssyncset.s32 @!p0 $0xFFFFF086;
	s6 =	sadd.s32 @!p0 s3, s7;
	s7 =	simm.s32 @!p0 $0x108  }
0x21: {  	s3 =	sadd.s32 s3, s9;
	s6 =	sadd.s32 @!p0 $0x88, s6;
	s7 =	simm.s32 @p2 $0x1082  }
0x22: {  	[simem:s7], [sflag:s8] =	dma.local @!p0 [hbm:s6], $0xF7A  }
0x23: {  	s9 =	sor.u32 $0xD0000000, s2;
	s6 =	simm.s32 $0x108;
	_ =	swait.ge @!p0 [sflag:s8], $0x0  }
0x24: {  	s3 =	sadd.s32 $0x88, s3;
	s6 =	simm.s32 @!p1 $0x1082;
	[sflag:s4] =	ssyncset.s32 $0xFFFFF086  }
0x25: {  	[simem:s6], [sflag:s4] =	dma.local [hbm:s3], $0xF7A  }
0x26: {  	[smem:$0x3F9E] =	sst s1;
	(tag) =	ssettag s2;
	_ =	strace s9  }
0x27: {  	s1 =	sld [smem:$0x3FAE]  }
0x28: {  	s2 =	sld [smem:$0x3FAF]  }
0x29: {  	s4 =	sld [smem:$0x3FB1]  }
0x2a: {  	p0 =	seq.s32 s5, $0x0;
	s5 =	sld [smem:$0x3FB2]  }
0x2b: {  	s6 =	sld [smem:$0x3FB3]  }
0x2c: {  	s7 =	sld [smem:$0x3FB4]  }
0x2d: {  	s3 =	simm.s32 $0x108;
	s8 =	sld [smem:$0x3FB5]  }
0x2e: {  	s3 =	simm.s32 @!p0 $0x1082;
	s9 =	sld [smem:$0x3FB6]  }
0x2f: {  	lr =	sadd.s32 s0, s3;
	s0 =	sld [smem:$0x3FAD]  }
0x30: {  	s3 =	sld [smem:$0x3FB0]  }
0x31: {  	[smem:$0x3FB9] =	sst s10  }
0x32: {  	s10 =	sld [smem:$0x3FB7];
	_ =	sdelay $0x3  }
0x33: {  	p0 =	seq.s32 s10, $0x1;
	s10 =	sld [smem:$0x3FB9];
	_ =	sdelay $0x3  }
0x34: {  	[smem:$0x3FB9] =	sst s10  }
0x35: {  	s10 =	sld [smem:$0x3FB8];
	_ =	sdelay $0x3  }
0x36: {  	p1 =	seq.s32 s10, $0x1;
	s10 =	sld [smem:$0x3FB9];
	_ =	sdelay $0x3  }
0x37: {  	[smem:$0x3FB9] =	sst s10  }
0x38: {  	s10 =	sld [smem:$0x3FBA]  }
0x39: {  	_ = 	snop;
	(pc) =	sbr.ind lr, $3  }
0x3a: {  	_ = 	snop  }
0x3b: {  	_ = 	snop  }
0x3c: {  	p2 =	seq.s32 s10, $0x1;
	s10 =	sld [smem:$0x3FB9]  }
0x3d: {  	_ =	shalt  }
0x3e: {  	_ =	shalt  }
0x3f: {  	_ =	shalt  }
0x40: {  	_ =	shalt  }
0x41: {  	_ =	shalt  }
0x42: {  	_ =	shalt  }
0x43: {  	_ =	shalt  }
0x44: {  	_ =	shalt  }
0x45: {  	_ =	shalt  }
0x46: {  	_ =	shalt  }
0x47: {  	_ =	shalt  }
0x48: {  	_ =	shalt  }
0x49: {  	_ =	shalt  }
0x4a: {  	_ =	shalt  }
0x4b: {  	_ =	shalt  }
0x4c: {  	_ =	shalt  }
0x4d: {  	_ =	shalt  }
0x4e: {  	_ =	shalt  }
0x4f: {  	_ =	shalt  }
0x50: {  	_ =	shalt  }
0x51: {  	_ =	shalt  }
0x52: {  	_ =	shalt  }
0x53: {  	_ =	shalt  }
0x54: {  	_ =	shalt  }
0x55: {  	_ =	shalt  }
0x56: {  	_ =	shalt  }
0x57: {  	_ =	shalt  }
0x58: {  	_ =	shalt  }
0x59: {  	_ =	shalt  }
0x5a: {  	_ =	shalt  }
0x5b: {  	_ =	shalt  }
0x5c: {  	_ =	shalt  }
0x5d: {  	_ =	shalt  }
0x5e: {  	_ =	shalt  }
0x5f: {  	_ =	shalt  }
0x60: {  	_ =	shalt  }
0x61: {  	_ =	shalt  }
0x62: {  	_ =	shalt  }
0x63: {  	_ =	shalt  }
0x64: {  	_ =	shalt  }
0x65: {  	_ =	shalt  }
0x66: {  	_ =	shalt  }
0x67: {  	_ =	shalt  }
0x68: {  	_ =	shalt  }
0x69: {  	_ =	shalt  }
0x6a: {  	_ =	shalt  }
0x6b: {  	_ =	shalt  }
0x6c: {  	_ =	shalt  }
0x6d: {  	_ =	shalt  }
0x6e: {  	_ =	shalt  }
0x6f: {  	_ =	shalt  }
0x70: {  	_ =	shalt  }
0x71: {  	_ =	shalt  }
0x72: {  	_ =	shalt  }
0x73: {  	_ =	shalt  }
0x74: {  	_ =	shalt  }
0x75: {  	_ =	shalt  }
0x76: {  	_ =	shalt  }
0x77: {  	_ =	shalt  }
0x78: {  	_ =	shalt  }
0x79: {  	_ =	shalt  }
0x7a: {  	_ =	shalt  }
0x7b: {  	_ =	shalt  }
0x7c: {  	_ =	shalt  }
0x7d: {  	_ =	shalt  }
0x7e: {  	_ =	shalt  }
0x7f: {  	_ =	shalt  }
0x80: {  	_ =	shalt  }
0x81: {  	_ =	shalt  }
0x82: {  	_ =	shalt  }
0x83: {  	_ =	shalt  }
0x84: {  	_ =	shalt  }
0x85: {  	_ =	shalt  }
0x86: {  	_ =	shalt  }
0x87: {  	_ =	shalt  }
.Lfunc_end0:
.L_simem_size_0:
called_computation_lowered:
.L_overlay_start_0:
0x88: {  	s2 =	sld [smem:$0x3FD9]  }
0x89: {  	s3 =	sld [smem:$0x3FFE];
	_ =	sdelay $0x1  }
0x8a: {  	s1 =	srdreg.scid  }
0x8b: {  	s0 =	sand.u32 $0x1, s1  }
0x8c: {  	s18 =	sshll.u32 s0, $0xA;
	s2 =	sadd.s32 s3, s2  }
0x8d: {  	s2 =	sadd.s32 s2, s18  }
0x8e: {  	[smem:$0x3FC5] =	sst s2  }
0x8f: {  	_ = 	snop  }
0x90: {  	s2 =	sld [smem:$0x3FC9]  }
0x91: {  	s19 =	sld [smem:$0x3FC8]  }
0x92: {  	s4 =	sld [smem:$0x3FC7]  }
0x93: {  	s5 =	sld [smem:$0x3FD0];
	(tm) =	ssettm $0x1  }
0x94: {  	s6 =	sld [smem:$0x3FFB];
	_ =	sdelay $0x3  }
0x95: {  	_ =	strace s6  }
0x96: {  	s6 =	sld [smem:$0x3FFC];
	_ =	sdelay $0x3  }
0x97: {  	_ =	strace s6  }
0x98: {  	s6 =	sld [smem:$0x3FFD];
	_ =	sdelay $0x3  }
0x99: {  	_ =	strace s6  }
0x9a: {  	_ =	strace $0x8FFFFFFF  }
0x9b: {  	s20 =	sld [smem:$0x3FDB];
	_ =	sdelay $0x1  }
0x9c: {  	s7 =	simm.s32 $_scs_section_size  }
0x9d: {  	s8 =	simm.s32 $_size__tile_overlayer_lowered;
	s9 =	simm.s32 $_tile_overlayer_lowered  }
0x9e: {  	s23 =	simm.s32 $0x1BFF;
	s22 =	sshll.u32 s9, $0x1;
	s6 =	sadd.s32 s7, s20  }
0x9f: {  	s10 =	simm.s32 $0x0;
	s21 =	sshll.u32 s8, $0x1;
	s8 =	sadd.s32 s22, s6  }
0xa0: {  	[timem:s10], [sflag:s23] =	dma.local [hbm:s8], s21  }
0xa1: {  	_ =	swait.ge [sflag:s23], s21  }
0xa2: {  	s7 =	ssub.s32 $0x0, s21;
	[sflag:s23] =	ssyncset.done $0x0  }
0xa3: {  	[sflag:s23] =	ssyncadd.s32 s7;
	_ =	sdelay $0x1  }
0xa4: {  	s24 =	simm.s32 $0x1B8B  }
0xa5: {  	_ =	swait.ge [sflag:s24], $0x1  }
0xa6: {  	[sflag:s24] =	ssyncset.done $0x0  }
0xa7: {  	s25 =	simm.s32 $0x1B8E;
	[sflag:s24] =	ssyncadd.s32 $0xFFFFFFFF  }
0xa8: {  	s26 =	simm.s32 $execute0_lowered;
	[smem:$0x3FD2] =	sst s25  }
0xa9: {  	s7 =	sshll.u32 s26, $0x1;
	_ =	strace $0x80000046;
	[dreg:$0x1] =	wrdreg $0xFFFFFFFF  }
0xaa: {  	s28 =	simm.s32 $_size_execute0_lowered;
	s6 =	sadd.s32 s6, s7;
	[dreg:$0x0] =	wrdreg $0x0  }
0xab: {  	s7 =	sshll.u32 s28, $0x1;
	[dreg:$0x2] =	wrdreg s6  }
0xac: {  	[dreg:$0x3] =	wrdreg s7  }
0xad: {  	[dreg:$0x4] =	wrdreg $0xC0  }
0xae: {  	_ =	task [dreg:s10], $0x5FFFF  }
0xaf: {  	[dreg:$0x1] =	wrdreg $0xFFFFFFFF  }
0xb0: {  	[dreg:$0x0] =	wrdreg $0x60  }
0xb1: {  	[dreg:$0x2] =	wrdreg s2  }
0xb2: {  	[dreg:$0x3] =	wrdreg s19  }
0xb3: {  	[dreg:$0x4] =	wrdreg s4  }
0xb4: {  	[dreg:$0x5] =	wrdreg s5  }
0xb5: {  	[dreg:$0x6] =	wrdreg $0x9  }
0xb6: {  	_ =	task.clear_ibuf [dreg:s10], $0x7FFFF;
	_ =	strace $0x90000046  }
0xb7: {  	s29 =	simm.s32 $0x9;
	_ =	strace $0x80000048  }
0xb8: {  	_ =	swait.ge [sflag:s29], $0x1  }
0xb9: {  	[sflag:s29] =	ssyncadd.s32 $0xFFFFFFFF  }
0xba: {  	_ =	strace $0x90000048  }
0xbb: {  	_ =	sfence  }
0xbc: {  	s30 =	sld [smem:$0x0];
	_ =	sdelay $0x2  }
0xbd: {  	s31 =	sshll.u32 s1, $0xD;
	s1 =	sshrl.u32 s1, $0x2  }
0xbe: {  	s3 =	sand.u32 $0x4000, s31;
	s1 =	sadd.s32 s1, s30  }
0xbf: {  	s0 =	sor.u32 s3, s0;
	s1 =	sshll.u32 s1, $0x11  }
0xc0: {  	s0 =	sor.u32 s1, s0  }
0xc1: {  	s0 =	sadd.s32 $0x8F2B, s0  }
0xc2: {  	[sflag:s0] =	ssyncadd.remote.s32 $0x1  }
0xc3: {  	_ =	sfence.sel $0xFFFF  }
0xc4: {  	[dreg:$0x0] =	wrdreg $0xFFFFFFFF;
	(pc) =	sbr.abs _section_cstart, $3  }
0xc5: {  	[dreg:$0x1] =	wrdreg $0xFFFFFFFF  }
0xc6: {  	_ =	task.clear_ibuf [dreg:s10], $0x2FFFF;
	_ =	strace $0x9FFFFFFF  }
0xc7: {  	(tm) =	ssettm $0x7FFFFFFF  }
tec
execute0_lowered:
.L_overlay_start_1:
0x0: {  	(tag) =	ssettag $0x1  }
0x1: {  	s9 =	rddreg [dreg:$0x0]  }
0x2: {  	s0 =	rddreg [dreg:$0x1]  }
0x3: {  	s1 =	rddreg [dreg:$0x2];
	s4 =	simm.s32 $0x0;
	s2 =	srdreg.scid  }
0x4: {  	s6 =	stileid.u32;
	[smem:$0x7FF] =	sst s4;
	s2 =	sand.u32 $0x1, s2  }
0x5: {  	s5 =	sshll.u32 s6, $0x8;
	s6 =	sshrl.u32 s6, $0x2;
	s29 =	sadd.s32 $0x400, s9  }
0x6: {  	s3 =	ssub.s32 $0x2, s2;
	s2 =	sshll.u32 s2, $0x7;
	s5 =	sand.u32 $0x300, s5  }
0x7: {  	s7 =	smul.u32 $0xC3800, s6;
	_ =	strace $0x80000047;
	s22 =	sor.u32 $0x4, s6  }
0x8: {  	s6 =	sshll.u32 s6, $0xC;
	[smem:$0x7FA] =	sst s29;
	s8 =	sshrl.u32 s3, $0x1  }
0x9: {  	s2 =	sor.u32 s2, s5;
	s23 =	smul.u32 $0xC3800, s22;
	s24 =	sshll.u32 s22, $0xC  }
0xa: {  	s3 =	ssub.s32 s3, s8;
	s5 =	sor.u32 s7, s2;
	s6 =	sor.u32 s6, s2  }
0xb: {  	s5 =	sshrl.u32 s5, $0x3;
	[smem:$0x7F7] =	sst s6;
	s31 =	smax.u32 s3, $0x1  }
0xc: {  	s6 =	sshrl.u32 s6, $0x3;
	s5 =	sadd.s32 s0, s5;
	[smem:$0x7FD] =	sst s31  }
0xd: {  	s25 =	sor.u32 s2, s23;
	s26 =	sadd.s32 s1, s6;
	[smem:$0x7F6] =	sst s5  }
0xe: {  	s28 =	sshrl.u32 s25, $0x3;
	s5 =	sor.u32 s2, s24;
	[smem:$0x7F8] =	sst s26  }
0xf: {  	s0 =	sadd.s32 s0, s28;
	[smem:$0x7F9] =	sst s5;
	s5 =	sshrl.u32 s5, $0x3  }
0x10: {  	[smem:$0x7FB] =	sst s0;
	s30 =	sadd.s32 s1, s5  }
0x11: {  	s2 =	simm.s32 $0x0;
	[smem:$0x7FC] =	sst s30  }
.LBB2_1:
0x12: {  	s0 =	sld [smem:$0x7F6];
	_ =	sdelay $0x1  }
0x13: {  	s1 =	simm.s32 $0x80;
	s26 =	simm.s32 $0x400;
	s28 =	sld [smem:$0x7F8]  }
0x14: {  	[tilespmem:s4], [sflag:$0x5] =	stream.strided.gather [hbm4b:s0+s1], $0x18700, s26, s1, $0x38;
	[tilespmem:$0x1C900] =	vst v63  }
0x15: {  	[smem:$0x7F5] =	sst s2;
	s3 =	simm.s32 $0x18700  }
0x16: {  	[tilespmem:s3], [sflag:$0x5] =	stream.strided.gather [hbm4b:s28+s1], $0x200, s26, s1, $0x38;
	[tilespmem:$0x1C900] =	vst v63  }
0x17: {  	s29 =	rddreg [dreg:$0x0];
	s30 =	simm.s32 $0x18900;
	s31 =	simm.s32 $0x5  }
0x18: {  	[tilespmem:s30], [sflag:$0x1] =	stream.linear.gather [hbm4b:s29+s4], $0x1000, $0x38;
	[tilespmem:$0x1C900] =	vst v63  }
0x19: {  	_ =	swait.ge [sflag:s31], $0x18700  }
0x1a: {  	[sflag:s31] =	ssyncset.done $0x0  }
0x1b: {  	[sflag:s31] =	ssyncadd.s32 $0xFFFE7900  }
0x1c: {  	_ =	swait.ge [sflag:s31], $0x200  }
0x1d: {  	[sflag:s31] =	ssyncset.done $0x0  }
0x1e: {  	s2 =	simm.s32 $0x0;
	[sflag:s31] =	ssyncadd.s32 $0xFFFFFE00  }
.LBB2_2:
0x1f: {  	s0 =	sshllo.u32 s2, $0x1;
	s1 =	rddreg [dreg:$0x0]  }
0x20: {  	[smem:$0x7F3] =	sst s0;
	s0 =	sshll.u32 s0, $0x9  }
0x21: {  	s16 =	simm.s32 $0x19900;
	s17 =	simm.s32 $0x1;
	s0 =	sadd.s32 s1, s0  }
0x22: {  	[tilespmem:s16], [sflag:$0x2] =	stream.linear.gather [hbm4b:s0+s4], $0x1000, $0x38;
	[tilespmem:$0x1C900] =	vst v63  }
0x23: {  	_ =	swait.ge [sflag:s17], $0x1000  }
0x24: {  	p0 =	seq.s32 s2, $0x0;
	[sflag:s17] =	ssyncset.done $0x0  }
0x25: {  	s0 =	simm.s32 @!p0 $0x3;
	[smem:$0x7F4] =	sst s2;
	[sflag:s17] =	ssyncadd.s32 $0xFFFFF000  }
0x26: {  	s8 =	simm.s32 $0x0;
	_ =	swait.ge @!p0 [sflag:s0], $0x1000  }
0x27: {  	s18 =	sand.u32 $0x40, s8;
	s19 =	sand.u32 $0xC00, s8;
	[sflag:s0] =	ssyncset.done @!p0 $0x0  }
0x28: {  	s3 =	sor.u32 s18, s19;
	[sflag:s0] =	ssyncadd.s32 @!p0 $0xFFFFF000  }
0x29: {  	s6 =	sor.u32 $0x10, s18;
	v0 =	vld [tilespmem:s3+$0x18900]  }
0x2a: {  	s7 =	sor.u32 $0x20, s18;
	s20 =	sor.u32 s19, s6  }
0x2b: {  	s9 =	sor.u32 $0x30, s18;
	s5 =	sor.u32 s19, s7;
	v1 =	vld [tilespmem:s20+$0x18900]  }
0x2c: {  	s1 =	sor.u32 s19, s9;
	v2 =	vld [tilespmem:s5+$0x18900]  }
0x2d: {  	s10 =	simm.s32 $0x18700;
	v3 =	vld [tilespmem:s1+$0x18900]  }
0x2e: {  	v10 =	vld [tilespmem:s10+$0x0]  }
0x2f: {  	v4 =	vld [tilespmem:s3+$0x18980]  }
0x30: {  	v6 =	vld [tilespmem:s3+$0x18A00]  }
0x31: {  	v0 =	vld.idx.msk [tilespmem:v0+s4+$0x0], $0xffff  }
0x32: {  	s21 =	sand.u32 $0x180, s8;
	v7 =	vld [tilespmem:s20+$0x18980]  }
0x33: {  	s10 =	sadd.s32 $0x18700, s21;
	v8 =	vld [tilespmem:s5+$0x18980]  }
0x34: {  	v11 =	vld [tilespmem:s1+$0x18980];
	s6 =	sor.u32 s6, s10  }
0x35: {  	v9 =	vld [tilespmem:s6+$0x0]  }
0x36: {  	v5 =	vld.idx.msk [tilespmem:v1+s4+$0x0], $0xffff;
	v1 =	vadd.f32 v0, v10  }
0x37: {  	s22 =	sor.u32 s7, s10;
	v2 =	vld.idx.msk [tilespmem:v2+s4+$0x0], $0xffff  }
0x38: {  	v0 =	vld [tilespmem:s22+$0x0];
	[tilespmem:s3+$0x1A900] =	vst v1  }
0x39: {  	v4 =	vld.idx.msk [tilespmem:v4+s4+$0x0], $0xffff  }
0x3a: {  	s23 =	sor.u32 s9, s10;
	v3 =	vld.idx.msk [tilespmem:v3+s4+$0x0], $0xffff  }
0x3b: {  	v1 =	vld [tilespmem:s23+$0x0]  }
0x3c: {  	v5 =	vadd.f32 v5, v9  }
0x3d: {  	v12 =	vld [tilespmem:s20+$0x18A00];
	v2 =	vadd.f32 v2, v0  }
0x3e: {  	v13 =	vld [tilespmem:s5+$0x18A00];
	[tilespmem:s20+$0x1A900] =	vst v5;
	v4 =	vadd.f32 v4, v10  }
0x3f: {  	v5 =	vld.idx.msk [tilespmem:v7+s4+$0x0], $0xffff;
	[tilespmem:s5+$0x1A900] =	vst v2  }
0x40: {  	v3 =	vadd.f32 v3, v1;
	v2 =	vld [tilespmem:s1+$0x18A00];
	[tilespmem:s3+$0x1A980] =	vst v4  }
0x41: {  	v4 =	vld.idx.msk [tilespmem:v6+s4+$0x0], $0xffff  }
0x42: {  	[tilespmem:s1+$0x1A900] =	vst v3;
	v3 =	vld.idx.msk [tilespmem:v8+s4+$0x0], $0xffff  }
0x43: {  	v6 =	vld.idx.msk [tilespmem:v11+s4+$0x0], $0xffff;
	_ =	sdelay $0x1  }
0x44: {  	v7 =	vld [tilespmem:s20+$0x18A80];
	v5 =	vadd.f32 v5, v9  }
0x45: {  	v8 =	vld [tilespmem:s5+$0x18A80];
	v4 =	vadd.f32 v4, v10  }
0x46: {  	s2 =	sor.u32 s19, s8;
	[tilespmem:s20+$0x1A980] =	vst v5;
	v5 =	vld [tilespmem:s1+$0x18A80];
	v3 =	vadd.f32 v3, v0  }
0x47: {  	s2 =	sor.u32 $0x180, s2;
	v11 =	vld.idx.msk [tilespmem:v12+s4+$0x0], $0xffff;
	v6 =	vadd.f32 v6, v1;
	[tilespmem:s3+$0x1AA00] =	vst v4  }
0x48: {  	[tilespmem:s5+$0x1A980] =	vst v3;
	v4 =	vld [tilespmem:s2+$0x18900]  }
0x49: {  	v3 =	vld.idx.msk [tilespmem:v13+s4+$0x0], $0xffff;
	[tilespmem:s1+$0x1A980] =	vst v6  }
0x4a: {  	v2 =	vld.idx.msk [tilespmem:v2+s4+$0x0], $0xffff;
	_ =	sdelay $0x1  }
0x4b: {  	v6 =	vadd.f32 v11, v9;
	_ =	sdelay $0x1  }
0x4c: {  	[tilespmem:s20+$0x1AA00] =	vst v6;
	v3 =	vadd.f32 v3, v0  }
0x4d: {  	v6 =	vld.idx.msk [tilespmem:v7+s4+$0x0], $0xffff;
	v2 =	vadd.f32 v2, v1  }
0x4e: {  	[tilespmem:s5+$0x1AA00] =	vst v3;
	v4 =	vld.idx.msk [tilespmem:v4+s4+$0x0], $0xffff  }
0x4f: {  	p1 =	por $0x0, $0x0;
	s3 =	simm.s32 $0x1;
	v3 =	vld.idx.msk [tilespmem:v8+s4+$0x0], $0xffff;
	[tilespmem:s1+$0x1AA00] =	vst v2  }
0x50: {  	s3 =	simm.s32 @!p1 $0x0;
	v2 =	vld.idx.msk [tilespmem:v5+s4+$0x0], $0xffff  }
0x51: {  	s3 =	sshll.u32 s3, $0x6  }
0x52: {  	s13 =	sadd.s32 $0x0, s3;
	v5 =	vadd.f32 v6, v9  }
0x53: {  	s9 =	sadd.s32 $0x10, s13;
	v4 =	vadd.f32 v4, v10  }
0x54: {  	s11 =	sor.u32 $0x200, s9;
	[tilespmem:s20+$0x1AA80] =	vst v5;
	v3 =	vadd.f32 v3, v0  }
0x55: {  	s16 =	sor.u32 $0x200, s13;
	v5 =	vld [tilespmem:s11+$0x18900];
	v2 =	vadd.f32 v2, v1;
	[tilespmem:s2+$0x1A900] =	vst v4  }
0x56: {  	s12 =	simm.s32 $0x40;
	s0 =	sadd.s32 $0x20, s13;
	s20 =	simm.s32 $0x18740;
	[tilespmem:s5+$0x1AA80] =	vst v3;
	v4 =	vld [tilespmem:s16+$0x18900]  }
0x57: {  	s3 =	sadd.s32 $0x30, s13;
	v11 =	vld [tilespmem:s20+$0x0];
	s2 =	sor.u32 $0x200, s0;
	[tilespmem:s1+$0x1AA80] =	vst v2;
	s1 =	simm.s32 $0x200  }
0x58: {  	s24 =	sand.u32 $0x40, s12;
	s7 =	sor.u32 $0x200, s3;
	v3 =	vld [tilespmem:s2+$0x18900];
	s14 =	sand.u32 $0xC00, s1  }
0x59: {  	s18 =	sor.u32 $0x20, s24;
	v2 =	vld [tilespmem:s7+$0x18900];
	s15 =	sor.u32 s24, s14  }
0x5a: {  	s19 =	sor.u32 $0x30, s24;
	s10 =	sor.u32 s14, s18;
	v6 =	vld [tilespmem:s15+$0x18900]  }
0x5b: {  	s17 =	sor.u32 $0x10, s24;
	s5 =	sor.u32 s14, s19;
	v12 =	vld [tilespmem:s10+$0x18900]  }
0x5c: {  	s6 =	sor.u32 s14, s17;
	v13 =	vld [tilespmem:s5+$0x18900]  }
0x5d: {  	v16 =	vld [tilespmem:s6+$0x18980]  }
0x5e: {  	v4 =	vld.idx.msk [tilespmem:v4+s4+$0x0], $0xffff  }
0x5f: {  	v17 =	vld [tilespmem:s15+$0x18A00]  }
0x60: {  	v7 =	vld.idx.msk [tilespmem:v3+s4+$0x0], $0xffff  }
0x61: {  	v8 =	vld.idx.msk [tilespmem:v2+s4+$0x0], $0xffff  }
0x62: {  	v3 =	vld [tilespmem:s6+$0x18900]  }
0x63: {  	v2 =	vadd.f32 v4, v10;
	v4 =	vld.idx.msk [tilespmem:v6+s4+$0x0], $0xffff  }
0x64: {  	v6 =	vld [tilespmem:s15+$0x18980]  }
0x65: {  	v18 =	vld [tilespmem:s10+$0x18980]  }
0x66: {  	s25 =	sand.u32 $0x180, s12;
	v19 =	vld [tilespmem:s5+$0x18980]  }
0x67: {  	s26 =	sor.u32 $0x280, s13;
	s20 =	sadd.s32 $0x18700, s25;
	v12 =	vld.idx.msk [tilespmem:v12+s4+$0x0], $0xffff;
	[tilespmem:s16+$0x1A900] =	vst v2  }
0x68: {  	s17 =	sor.u32 s17, s20;
	v14 =	vld [tilespmem:s26+$0x18900]  }
0x69: {  	v2 =	vld [tilespmem:s17+$0x0];
	v4 =	vadd.f32 v4, v11  }
0x6a: {  	s21 =	sor.u32 s18, s20;
	v15 =	vld.idx.msk [tilespmem:v3+s4+$0x0], $0xffff  }
0x6b: {  	v3 =	vld [tilespmem:s21+$0x0];
	[tilespmem:s15+$0x1A900] =	vst v4  }
0x6c: {  	v6 =	vld.idx.msk [tilespmem:v6+s4+$0x0], $0xffff  }
0x6d: {  	v20 =	vld [tilespmem:s6+$0x18A00]  }
0x6e: {  	s22 =	sor.u32 s19, s20;
	v13 =	vld.idx.msk [tilespmem:v13+s4+$0x0], $0xffff  }
0x6f: {  	v4 =	vld [tilespmem:s22+$0x0];
	v15 =	vadd.f32 v15, v2  }
0x70: {  	v12 =	vadd.f32 v12, v3;
	v14 =	vld.idx.msk [tilespmem:v14+s4+$0x0], $0xffff  }
0x71: {  	v21 =	vld [tilespmem:s5+$0x18A80];
	[tilespmem:s6+$0x1A900] =	vst v15;
	v6 =	vadd.f32 v6, v11  }
0x72: {  	v15 =	vld [tilespmem:s10+$0x18A00];
	[tilespmem:s10+$0x1A900] =	vst v12  }
0x73: {  	v12 =	vld [tilespmem:s5+$0x18A00];
	[tilespmem:s15+$0x1A980] =	vst v6  }
0x74: {  	v6 =	vadd.f32 v13, v4;
	v13 =	vld.idx.msk [tilespmem:v17+s4+$0x0], $0xffff  }
0x75: {  	v16 =	vld.idx.msk [tilespmem:v16+s4+$0x0], $0xffff;
	v14 =	vadd.f32 v14, v10  }
0x76: {  	[tilespmem:s5+$0x1A900] =	vst v6;
	v6 =	vld.idx.msk [tilespmem:v18+s4+$0x0], $0xffff  }
0x77: {  	[tilespmem:s26+$0x1A900] =	vst v14;
	v14 =	vld.idx.msk [tilespmem:v19+s4+$0x0], $0xffff  }
0x78: {  	s13 =	sor.u32 $0x300, s13;
	v5 =	vld.idx.msk [tilespmem:v5+s4+$0x0], $0xffff  }
0x79: {  	v17 =	vld [tilespmem:s13+$0x18900];
	v13 =	vadd.f32 v13, v11  }
0x7a: {  	s14 =	sor.u32 s14, s12;
	v16 =	vadd.f32 v16, v2;
	v18 =	vld [tilespmem:s6+$0x18A80]  }
0x7b: {  	s14 =	sor.u32 $0x180, s14;
	v19 =	vld [tilespmem:s10+$0x18A80];
	v6 =	vadd.f32 v6, v3;
	[tilespmem:s15+$0x1AA00] =	vst v13  }
0x7c: {  	[tilespmem:s6+$0x1A980] =	vst v16;
	v14 =	vadd.f32 v14, v4;
	v13 =	vld [tilespmem:s14+$0x18900]  }
0x7d: {  	v5 =	vadd.f32 v5, v9;
	v16 =	vld.idx.msk [tilespmem:v20+s4+$0x0], $0xffff;
	[tilespmem:s10+$0x1A980] =	vst v6  }
0x7e: {  	v6 =	vld.idx.msk [tilespmem:v15+s4+$0x0], $0xffff;
	[tilespmem:s5+$0x1A980] =	vst v14  }
0x7f: {  	s23 =	sor.u32 $0x280, s9;
	[tilespmem:s11+$0x1A900] =	vst v5;
	v7 =	vadd.f32 v7, v0;
	v5 =	vld.idx.msk [tilespmem:v12+s4+$0x0], $0xffff  }
0x80: {  	v8 =	vadd.f32 v8, v1;
	v12 =	vld [tilespmem:s23+$0x18900]  }
0x81: {  	s25 =	sor.u32 $0x280, s0;
	[tilespmem:s2+$0x1A900] =	vst v7;
	v7 =	vld.idx.msk [tilespmem:v17+s4+$0x0], $0xffff  }
0x82: {  	[tilespmem:s7+$0x1A900] =	vst v8;
	s26 =	sor.u32 $0x280, s3;
	v8 =	vadd.f32 v16, v2;
	v14 =	vld [tilespmem:s25+$0x18900]  }
0x83: {  	v15 =	vld [tilespmem:s26+$0x18900];
	v6 =	vadd.f32 v6, v3  }
0x84: {  	[tilespmem:s6+$0x1AA00] =	vst v8;
	v5 =	vadd.f32 v5, v4;
	v8 =	vld.idx.msk [tilespmem:v13+s4+$0x0], $0xffff  }
0x85: {  	v13 =	vld.idx.msk [tilespmem:v18+s4+$0x0], $0xffff;
	[tilespmem:s10+$0x1AA00] =	vst v6  }
0x86: {  	v6 =	vadd.f32 v7, v10;
	v7 =	vld.idx.msk [tilespmem:v19+s4+$0x0], $0xffff;
	[tilespmem:s5+$0x1AA00] =	vst v5  }
0x87: {  	p1 =	por !p1, !p1;
	s19 =	sor.u32 s8, s8;
	s7 =	simm.s32 $0x1;
	v5 =	vld.idx.msk [tilespmem:v21+s4+$0x0], $0xffff  }
0x88: {  	s24 =	sor.u32 $0x380, s19;
	s7 =	simm.s32 @!p1 $0x0;
	[tilespmem:s13+$0x1A900] =	vst v6;
	v6 =	vld.idx.msk [tilespmem:v12+s4+$0x0], $0xffff  }
0x89: {  	s20 =	sshll.u32 s7, $0x6;
	v12 =	vld [tilespmem:s24+$0x18900];
	v8 =	vadd.f32 v8, v11  }
0x8a: {  	s19 =	sadd.s32 $0x200, s20;
	v14 =	vld.idx.msk [tilespmem:v14+s4+$0x0], $0xffff;
	v13 =	vadd.f32 v13, v2  }
0x8b: {  	s2 =	sadd.s32 $0x10, s19;
	s22 =	sor.u32 $0x200, s19;
	v15 =	vld.idx.msk [tilespmem:v15+s4+$0x0], $0xffff;
	v7 =	vadd.f32 v7, v3;
	[tilespmem:s14+$0x1A900] =	vst v8  }
0x8c: {  	s18 =	sor.u32 $0x200, s2;
	[tilespmem:s6+$0x1AA80] =	vst v13;
	s6 =	sadd.s32 $0x20, s19;
	v5 =	vadd.f32 v5, v4;
	v8 =	vld [tilespmem:s22+$0x18900]  }
0x8d: {  	s7 =	sadd.s32 $0x30, s19;
	v6 =	vadd.f32 v6, v9;
	s17 =	sor.u32 $0x200, s6;
	v16 =	vld [tilespmem:s18+$0x18900];
	[tilespmem:s10+$0x1AA80] =	vst v7  }
0x8e: {  	s14 =	sor.u32 $0x200, s7;
	v7 =	vld [tilespmem:s17+$0x18900];
	[tilespmem:s5+$0x1AA80] =	vst v5  }
0x8f: {  	s13 =	sor.u32 $0x300, s9;
	[tilespmem:s23+$0x1A900] =	vst v6;
	v5 =	vadd.f32 v14, v0;
	v6 =	vld [tilespmem:s14+$0x18900]  }
0x90: {  	v14 =	vadd.f32 v15, v1;
	v15 =	vld [tilespmem:s13+$0x18900]  }
0x91: {  	s8 =	sor.u32 $0x300, s0;
	v13 =	vld.idx.msk [tilespmem:v12+s4+$0x0], $0xffff;
	[tilespmem:s25+$0x1A900] =	vst v5  }
0x92: {  	s5 =	sor.u32 $0x300, s3;
	[tilespmem:s26+$0x1A900] =	vst v14;
	v12 =	vld [tilespmem:s8+$0x18900]  }
0x93: {  	v14 =	vld [tilespmem:s5+$0x18900]  }
0x94: {  	v5 =	vld.idx.msk [tilespmem:v8+s4+$0x0], $0xffff  }
0x95: {  	s25 =	simm.s32 $0x80;
	v16 =	vld.idx.msk [tilespmem:v16+s4+$0x0], $0xffff  }
0x96: {  	s21 =	sand.u32 $0x180, s25;
	v17 =	vld.idx.msk [tilespmem:v7+s4+$0x0], $0xffff  }
0x97: {  	s23 =	simm.s32 $0x400;
	s11 =	sadd.s32 $0x18700, s21;
	s21 =	simm.s32 $0x400;
	v18 =	vld.idx.msk [tilespmem:v6+s4+$0x0], $0xffff  }
0x98: {  	s10 =	sand.u32 $0x40, s25;
	v15 =	vld.idx.msk [tilespmem:v15+s4+$0x0], $0xffff;
	[dreg:$0x7] =	wrdreg s21;
	s21 =	sand.u32 $0xC00, s23  }
0x99: {  	s26 =	sor.u32 $0x10, s10;
	s20 =	sor.u32 s10, s21  }
0x9a: {  	s15 =	sor.u32 s21, s26;
	v19 =	vld [tilespmem:s20+$0x18900]  }
0x9b: {  	v48 =	vld [tilespmem:s15+$0x18900]  }
0x9c: {  	v24 =	vld [tilespmem:s20+$0x18980]  }
0x9d: {  	v12 =	vld.idx.msk [tilespmem:v12+s4+$0x0], $0xffff  }
0x9e: {  	v14 =	vld.idx.msk [tilespmem:v14+s4+$0x0], $0xffff  }
0x9f: {  	s16 =	sor.u32 $0x20, s10;
	s23 =	sor.u32 s26, s11;
	s26 =	sor.u32 $0x30, s10;
	v25 =	vld [tilespmem:s20+$0x18A00];
	v6 =	vadd.f32 v5, v11  }
0xa0: {  	v5 =	vld [tilespmem:s23+$0x0];
	s23 =	sor.u32 s16, s11;
	s11 =	sor.u32 s26, s11  }
0xa1: {  	v7 =	vld [tilespmem:s11+$0x0];
	[tilespmem:s22+$0x1A900] =	vst v6;
	s22 =	sor.u32 $0x280, s19  }
0xa2: {  	s11 =	simm.s32 $0x18780;
	v47 =	vld [tilespmem:s22+$0x18900]  }
0xa3: {  	v6 =	vld [tilespmem:s11+$0x0]  }
0xa4: {  	s10 =	sor.u32 s21, s26;
	v19 =	vld.idx.msk [tilespmem:v19+s4+$0x0], $0xffff  }
0xa5: {  	s16 =	sor.u32 s21, s16;
	v23 =	vld [tilespmem:s10+$0x18900]  }
0xa6: {  	v22 =	vld [tilespmem:s16+$0x18900]  }
0xa7: {  	v27 =	vld [tilespmem:s10+$0x18980]  }
0xa8: {  	v8 =	vld [tilespmem:s23+$0x0]  }
0xa9: {  	v21 =	vld.idx.msk [tilespmem:v48+s4+$0x0], $0xffff;
	v19 =	vadd.f32 v19, v6  }
0xaa: {  	v20 =	vld.idx.msk [tilespmem:v47+s4+$0x0], $0xffff  }
0xab: {  	[tilespmem:s20+$0x1A900] =	vst v19;
	v19 =	vld [tilespmem:s15+$0x18980]  }
0xac: {  	v26 =	vld [tilespmem:s16+$0x18980]  }
0xad: {  	v24 =	vld.idx.msk [tilespmem:v24+s4+$0x0], $0xffff  }
0xae: {  	v22 =	vld.idx.msk [tilespmem:v22+s4+$0x0], $0xffff  }
0xaf: {  	v23 =	vld.idx.msk [tilespmem:v23+s4+$0x0], $0xffff;
	v20 =	vadd.f32 v20, v11  }
0xb0: {  	v28 =	vld [tilespmem:s15+$0x18A00];
	v21 =	vadd.f32 v21, v5  }
0xb1: {  	v52 =	vld [tilespmem:s15+$0x18A80];
	s19 =	sor.u32 $0x300, s19;
	[tilespmem:s22+$0x1A900] =	vst v20  }
0xb2: {  	[tilespmem:s15+$0x1A900] =	vst v21;
	v20 =	vld [tilespmem:s19+$0x18900];
	v49 =	vadd.f32 v24, v6  }
0xb3: {  	v22 =	vadd.f32 v22, v8;
	v19 =	vld.idx.msk [tilespmem:v19+s4+$0x0], $0xffff  }
0xb4: {  	v50 =	vld [tilespmem:s16+$0x18A00];
	v23 =	vadd.f32 v23, v7;
	[tilespmem:s20+$0x1A980] =	vst v49  }
0xb5: {  	[tilespmem:s16+$0x1A900] =	vst v22;
	v25 =	vld.idx.msk [tilespmem:v25+s4+$0x0], $0xffff  }
0xb6: {  	[tilespmem:s10+$0x1A900] =	vst v23;
	v22 =	vld.idx.msk [tilespmem:v26+s4+$0x0], $0xffff  }
0xb7: {  	v16 =	vadd.f32 v16, v2;
	v23 =	vld.idx.msk [tilespmem:v27+s4+$0x0], $0xffff  }
0xb8: {  	v51 =	vld [tilespmem:s10+$0x18A00];
	v19 =	vadd.f32 v19, v5  }
0xb9: {  	v53 =	vld [tilespmem:s16+$0x18A80];
	[tilespmem:s18+$0x1A900] =	vst v16  }
0xba: {  	s26 =	simm.s32 $0x80;
	v20 =	vld.idx.msk [tilespmem:v20+s4+$0x0], $0xffff;
	v25 =	vadd.f32 v25, v6;
	[tilespmem:s15+$0x1A980] =	vst v19  }
0xbb: {  	v22 =	vadd.f32 v22, v8;
	v19 =	vld [tilespmem:s10+$0x18A80];
	[dreg:$0x9] =	wrdreg s26  }
0xbc: {  	s21 =	sor.u32 s21, s25;
	s18 =	sor.u32 $0x280, s2;
	v23 =	vadd.f32 v23, v7;
	v16 =	vld.idx.msk [tilespmem:v28+s4+$0x0], $0xffff;
	[tilespmem:s20+$0x1AA00] =	vst v25  }
0xbd: {  	v17 =	vadd.f32 v17, v3;
	s22 =	sor.u32 $0x180, s21;
	v54 =	vld [tilespmem:s18+$0x18900];
	[tilespmem:s16+$0x1A980] =	vst v22  }
0xbe: {  	v18 =	vadd.f32 v18, v4;
	[tilespmem:s10+$0x1A980] =	vst v23;
	v55 =	vld [tilespmem:s22+$0x18900]  }
0xbf: {  	v15 =	vadd.f32 v15, v9;
	[tilespmem:s17+$0x1A900] =	vst v17;
	v57 =	vld.idx.msk [tilespmem:v50+s4+$0x0], $0xffff  }
0xc0: {  	s23 =	sor.u32 $0x280, s6;
	v12 =	vadd.f32 v12, v0;
	[tilespmem:s14+$0x1A900] =	vst v18;
	v17 =	vld.idx.msk [tilespmem:v51+s4+$0x0], $0xffff  }
0xc1: {  	s25 =	sor.u32 $0x280, s7;
	v14 =	vadd.f32 v14, v1;
	[tilespmem:s13+$0x1A900] =	vst v15;
	v18 =	vld [tilespmem:s23+$0x18900]  }
0xc2: {  	s1 =	sor.u32 s1, s12;
	s12 =	sor.u32 $0x380, s0;
	[tilespmem:s8+$0x1A900] =	vst v12;
	v20 =	vadd.f32 v20, v11;
	v15 =	vld [tilespmem:s25+$0x18900]  }
0xc3: {  	s17 =	sor.u32 $0x380, s3;
	[tilespmem:s5+$0x1A900] =	vst v14;
	v60 =	vld [tilespmem:s12+$0x18900]  }
0xc4: {  	s1 =	sor.u32 $0x380, s1;
	v12 =	vld [tilespmem:s17+$0x18900];
	[tilespmem:s19+$0x1A900] =	vst v20;
	v16 =	vadd.f32 v16, v5  }
0xc5: {  	s26 =	sor.u32 $0x380, s9;
	v56 =	vld [tilespmem:s1+$0x18900]  }
0xc6: {  	[tilespmem:s15+$0x1AA00] =	vst v16;
	v16 =	vld [tilespmem:s26+$0x18900]  }
0xc7: {  	v17 =	vadd.f32 v17, v7;
	v58 =	vld.idx.msk [tilespmem:v52+s4+$0x0], $0xffff  }
0xc8: {  	v23 =	vadd.f32 v57, v8;
	v59 =	vld.idx.msk [tilespmem:v54+s4+$0x0], $0xffff  }
0xc9: {  	[tilespmem:s10+$0x1AA00] =	vst v17;
	v20 =	vld.idx.msk [tilespmem:v55+s4+$0x0], $0xffff  }
0xca: {  	p1 =	por !p1, !p1;
	s9 =	simm.s32 $0x1;
	[tilespmem:s16+$0x1AA00] =	vst v23;
	v19 =	vld.idx.msk [tilespmem:v19+s4+$0x0], $0xffff  }
0xcb: {  	s9 =	simm.s32 @!p1 $0x0;
	v17 =	vld.idx.msk [tilespmem:v53+s4+$0x0], $0xffff  }
0xcc: {  	s9 =	sshll.u32 s9, $0x6;
	v18 =	vld.idx.msk [tilespmem:v18+s4+$0x0], $0xffff  }
0xcd: {  	s31 =	sadd.s32 $0x400, s9;
	v15 =	vld.idx.msk [tilespmem:v15+s4+$0x0], $0xffff;
	v21 =	vadd.f32 v58, v5  }
0xce: {  	s0 =	sadd.s32 $0x10, s31;
	v22 =	vld.idx.msk [tilespmem:v56+s4+$0x0], $0xffff;
	v14 =	vadd.f32 v20, v6  }
0xcf: {  	v61 =	vld.idx.msk [tilespmem:v16+s4+$0x0], $0xffff;
	[tilespmem:s15+$0x1AA80] =	vst v21;
	s15 =	sor.u32 $0x200, s0;
	v16 =	vadd.f32 v19, v7  }
0xd0: {  	s13 =	sor.u32 $0x200, s31;
	s28 =	sadd.s32 $0x30, s31;
	v19 =	vadd.f32 v59, v2;
	[tilespmem:s22+$0x1A900] =	vst v14;
	v21 =	vld [tilespmem:s15+$0x18900]  }
0xd1: {  	s8 =	sor.u32 $0x200, s28;
	v14 =	vadd.f32 v17, v8;
	v17 =	vld [tilespmem:s13+$0x18900];
	[tilespmem:s10+$0x1AA80] =	vst v16  }
0xd2: {  	s5 =	sadd.s32 $0x20, s31;
	v15 =	vadd.f32 v15, v4;
	s10 =	sor.u32 $0x300, s2;
	[tilespmem:s18+$0x1A900] =	vst v19;
	v19 =	vld [tilespmem:s8+$0x18900]  }
0xd3: {  	s20 =	sor.u32 $0x200, s5;
	[tilespmem:s16+$0x1AA80] =	vst v14;
	v14 =	vadd.f32 v18, v3;
	v62 =	vld [tilespmem:s10+$0x18900]  }
0xd4: {  	[tilespmem:s25+$0x1A900] =	vst v15;
	s16 =	sor.u32 $0x300, s7;
	v18 =	vld [tilespmem:s20+$0x18900]  }
0xd5: {  	s14 =	sor.u32 $0x300, s6;
	v15 =	vld [tilespmem:s16+$0x18900];
	[tilespmem:s23+$0x1A900] =	vst v14  }
0xd6: {  	s23 =	sor.u32 $0x380, s6;
	v16 =	vld [tilespmem:s14+$0x18900]  }
0xd7: {  	s25 =	sor.u32 $0x380, s7;
	v14 =	vld.idx.msk [tilespmem:v60+s4+$0x0], $0xffff;
	[dreg:$0xd] =	wrdreg s23  }
0xd8: {  	s29 =	simm.s32 $0x600;
	s30 =	simm.s32 $0xC0;
	[dreg:$0x11] =	wrdreg s25  }
0xd9: {  	v10 =	vadd.f32 v13, v10;
	s21 =	smov.u32 s14;
	s9 =	sor.u32 $0x380, s2;
	s3 =	sor.u32 $0x280, s5;
	v13 =	vld.idx.msk [tilespmem:v21+s4+$0x0], $0xffff  }
0xda: {  	s19 =	sor.u32 $0x300, s5;
	v63 =	vadd.f32 v22, v11;
	s2 =	sor.u32 $0x380, s28;
	s18 =	smov.u32 s10;
	v17 =	vld.idx.msk [tilespmem:v17+s4+$0x0], $0xffff  }
0xdb: {  	s10 =	sor.u32 $0x380, s0;
	s7 =	sor.u32 $0x380, s5;
	s5 =	sor.u32 $0x300, s28;
	v9 =	vadd.f32 v61, v9;
	[tilespmem:s24+$0x1A900] =	vst v10;
	v10 =	vld.idx.msk [tilespmem:v19+s4+$0x0], $0xffff  }
0xdc: {  	s22 =	smov.u32 s16;
	s23 =	sor.u32 $0x280, s0;
	s25 =	sor.u32 $0x300, s0;
	[tilespmem:s1+$0x1A900] =	vst v63;
	v11 =	vld.idx.msk [tilespmem:v18+s4+$0x0], $0xffff  }
0xdd: {  	s24 =	sor.u32 $0x280, s28;
	[tilespmem:s26+$0x1A900] =	vst v9;
	s26 =	smov.u32 s12;
	s28 =	simm.s32 $0x8;
	v9 =	vld.idx.msk [tilespmem:v62+s4+$0x0], $0xffff  }
.LBB2_3:
0xde: {  	[dreg:$0x13] =	wrdreg s10;
	s1 =	sand.u32 $0x40, s30;
	s10 =	sand.u32 $0xC00, s29;
	v16 =	vld.idx.msk [tilespmem:v16+s4+$0x0], $0xffff;
	v14 =	vadd.f32 v14, v0  }
0xdf: {  	s0 =	sor.u32 s1, s10;
	v0 =	vmov v3;
	v3 =	vmov v8;
	v8 =	vadd.f32 v17, v6;
	v15 =	vld.idx.msk [tilespmem:v15+s4+$0x0], $0xffff  }
0xe0: {  	[smem:$0x7F2] =	sst s9;
	v17 =	vld [tilespmem:s0+$0x18900];
	v13 =	vadd.f32 v13, v5;
	[tilespmem:s26+$0x1A900] =	vst v14  }
0xe1: {  	[smem:$0x7F1] =	sst s3;
	s16 =	sor.u32 $0x10, s1;
	[tilespmem:s13+$0x1A900] =	vst v8;
	s13 =	sor.u32 $0x280, s31;
	v8 =	vadd.f32 v11, v3;
	v11 =	vld.idx.msk [tilespmem:v12+s4+$0x0], $0xffff  }
0xe2: {  	s9 =	sand.u32 $0x180, s30;
	s12 =	sor.u32 $0x20, s1;
	v10 =	vadd.f32 v10, v7;
	s26 =	sor.u32 s10, s16;
	[tilespmem:s15+$0x1A900] =	vst v13;
	v12 =	vld [tilespmem:s13+$0x18900]  }
0xe3: {  	s14 =	sor.u32 $0x30, s1;
	s6 =	sor.u32 s10, s12;
	s15 =	rddreg [dreg:$0xd];
	v13 =	vld [tilespmem:s26+$0x18900];
	[tilespmem:s20+$0x1A900] =	vst v8;
	v8 =	vadd.f32 v9, v2  }
0xe4: {  	s3 =	sadd.s32 $0x18700, s9;
	s1 =	sor.u32 s10, s14;
	[tilespmem:s8+$0x1A900] =	vst v10;
	s9 =	smov.u32 s15;
	v14 =	vld [tilespmem:s6+$0x18900]  }
0xe5: {  	[dreg:$0x1a] =	wrdreg s9;
	s9 =	sor.u32 s16, s3;
	v10 =	vadd.f32 v16, v0;
	v16 =	vld [tilespmem:s1+$0x18900];
	[tilespmem:s18+$0x1A900] =	vst v8  }
0xe6: {  	s11 =	sadd.s32 $0x40, s11;
	v9 =	vld [tilespmem:s9+$0x0]  }
0xe7: {  	v8 =	vadd.f32 v15, v4;
	[tilespmem:s21+$0x1A900] =	vst v10;
	v10 =	vld [tilespmem:s11+$0x0]  }
0xe8: {  	v18 =	vld [tilespmem:s26+$0x18A00]  }
0xe9: {  	[tilespmem:s22+$0x1A900] =	vst v8;
	v8 =	vadd.f32 v11, v1;
	v1 =	vmov v4;
	v4 =	vmov v7;
	v7 =	vld.idx.msk [tilespmem:v17+s4+$0x0], $0xffff  }
0xea: {  	s12 =	sor.u32 s12, s3;
	v11 =	vld [tilespmem:s0+$0x18980]  }
0xeb: {  	[tilespmem:s17+$0x1A900] =	vst v8;
	v8 =	vld [tilespmem:s12+$0x0]  }
0xec: {  	v12 =	vld.idx.msk [tilespmem:v12+s4+$0x0], $0xffff  }
0xed: {  	v13 =	vld.idx.msk [tilespmem:v13+s4+$0x0], $0xffff  }
0xee: {  	v14 =	vld.idx.msk [tilespmem:v14+s4+$0x0], $0xffff  }
0xef: {  	v15 =	vld.idx.msk [tilespmem:v16+s4+$0x0], $0xffff;
	v16 =	vadd.f32 v7, v10  }
0xf0: {  	v17 =	vld [tilespmem:s0+$0x18A00]  }
0xf1: {  	s3 =	sor.u32 s14, s3;
	[tilespmem:s0+$0x1A900] =	vst v16;
	v16 =	vld [tilespmem:s26+$0x18980]  }
0xf2: {  	v7 =	vld [tilespmem:s3+$0x0];
	v12 =	vadd.f32 v12, v6  }
0xf3: {  	v11 =	vld.idx.msk [tilespmem:v11+s4+$0x0], $0xffff;
	v13 =	vadd.f32 v13, v9  }
0xf4: {  	s15 =	sor.u32 $0x300, s31;
	[tilespmem:s13+$0x1A900] =	vst v12;
	v12 =	vadd.f32 v14, v8;
	v14 =	vld [tilespmem:s6+$0x18980]  }
0xf5: {  	[tilespmem:s26+$0x1A900] =	vst v13;
	v13 =	vld [tilespmem:s15+$0x18900]  }
0xf6: {  	v19 =	vld [tilespmem:s26+$0x18A80]  }
0xf7: {  	v15 =	vadd.f32 v15, v7;
	[tilespmem:s6+$0x1A900] =	vst v12;
	v12 =	vld [tilespmem:s1+$0x18980]  }
0xf8: {  	v20 =	vld [tilespmem:s6+$0x18A80];
	v11 =	vadd.f32 v11, v10  }
0xf9: {  	[tilespmem:s1+$0x1A900] =	vst v15;
	v16 =	vld.idx.msk [tilespmem:v16+s4+$0x0], $0xffff  }
0xfa: {  	v15 =	vld [tilespmem:s6+$0x18A00];
	[tilespmem:s0+$0x1A980] =	vst v11  }
0xfb: {  	v17 =	vld.idx.msk [tilespmem:v17+s4+$0x0], $0xffff  }
0xfc: {  	v14 =	vld.idx.msk [tilespmem:v14+s4+$0x0], $0xffff  }
0xfd: {  	v13 =	vld.idx.msk [tilespmem:v13+s4+$0x0], $0xffff  }
0xfe: {  	v11 =	vld [tilespmem:s1+$0x18A00];
	v16 =	vadd.f32 v16, v9  }
0xff: {  	s20 =	smov.u32 s7;
	v12 =	vld.idx.msk [tilespmem:v12+s4+$0x0], $0xffff  }
0x100: {  	[dreg:$0xd] =	wrdreg s20;
	v17 =	vadd.f32 v17, v10;
	[tilespmem:s26+$0x1A980] =	vst v16;
	v16 =	vld [tilespmem:s1+$0x18A80]  }
0x101: {  	s20 =	rddreg [dreg:$0x7];
	s18 =	sor.u32 s10, s30;
	v18 =	vld.idx.msk [tilespmem:v18+s4+$0x0], $0xffff;
	v14 =	vadd.f32 v14, v8  }
0x102: {  	s14 =	smov.u32 s19;
	s19 =	sor.u32 $0x180, s18;
	s21 =	rddreg [dreg:$0x9];
	[tilespmem:s0+$0x1AA00] =	vst v17;
	v17 =	vld [tilespmem:s23+$0x18900];
	v13 =	vadd.f32 v13, v6  }
0x103: {  	s12 =	sld [smem:$0x7F1];
	s3 =	sor.u32 s20, s21;
	v21 =	vld [tilespmem:s19+$0x18900];
	[tilespmem:s6+$0x1A980] =	vst v14  }
0x104: {  	s16 =	smov.u32 s25;
	s25 =	sor.u32 $0x380, s3;
	v12 =	vadd.f32 v12, v7;
	[tilespmem:s15+$0x1A900] =	vst v13;
	v14 =	vld.idx.msk [tilespmem:v15+s4+$0x0], $0xffff  }
0x105: {  	v13 =	vld [tilespmem:s25+$0x18900]  }
0x106: {  	s10 =	sld [smem:$0x7F2];
	v15 =	vld [tilespmem:s12+$0x18900];
	[tilespmem:s1+$0x1A980] =	vst v12;
	v12 =	vadd.f32 v18, v9  }
0x107: {  	v11 =	vld.idx.msk [tilespmem:v11+s4+$0x0], $0xffff  }
0x108: {  	v18 =	vld [tilespmem:s24+$0x18900];
	[tilespmem:s26+$0x1AA00] =	vst v12  }
0x109: {  	v22 =	vld [tilespmem:s10+$0x18900]  }
0x10a: {  	v12 =	vld.idx.msk [tilespmem:v19+s4+$0x0], $0xffff;
	v14 =	vadd.f32 v14, v8  }
0x10b: {  	v19 =	vld.idx.msk [tilespmem:v21+s4+$0x0], $0xffff  }
0x10c: {  	[tilespmem:s6+$0x1AA00] =	vst v14;
	v14 =	vld.idx.msk [tilespmem:v17+s4+$0x0], $0xffff  }
0x10d: {  	v11 =	vadd.f32 v11, v7;
	v13 =	vld.idx.msk [tilespmem:v13+s4+$0x0], $0xffff  }
0x10e: {  	v17 =	vld.idx.msk [tilespmem:v20+s4+$0x0], $0xffff  }
0x10f: {  	v15 =	vld.idx.msk [tilespmem:v15+s4+$0x0], $0xffff;
	[tilespmem:s1+$0x1AA00] =	vst v11  }
0x110: {  	p1 =	por !p1, !p1;
	s7 =	rddreg [dreg:$0x11];
	s3 =	simm.s32 $0x1;
	v11 =	vld.idx.msk [tilespmem:v16+s4+$0x0], $0xffff;
	v12 =	vadd.f32 v12, v9  }
0x111: {  	s17 =	smov.u32 s7;
	s3 =	simm.s32 @!p1 $0x0;
	v18 =	vld.idx.msk [tilespmem:v18+s4+$0x0], $0xffff;
	v16 =	vadd.f32 v19, v10  }
0x112: {  	s3 =	sshll.u32 s3, $0x6;
	[tilespmem:s26+$0x1AA80] =	vst v12;
	s26 =	rddreg [dreg:$0x1a];
	v12 =	vld [tilespmem:s17+$0x18900];
	v13 =	vadd.f32 v13, v6  }
0x113: {  	s31 =	sadd.s32 s3, s29;
	v19 =	vld [tilespmem:s26+$0x18900];
	[tilespmem:s19+$0x1A900] =	vst v16;
	v6 =	vmov v10;
	v10 =	vadd.f32 v14, v5  }
0x114: {  	s13 =	sor.u32 $0x200, s31;
	s7 =	sadd.s32 $0x10, s31;
	v14 =	vadd.f32 v17, v8;
	[tilespmem:s25+$0x1A900] =	vst v13;
	v13 =	vld.idx.msk [tilespmem:v22+s4+$0x0], $0xffff  }
0x115: {  	s3 =	sadd.s32 $0x20, s31;
	s15 =	sor.u32 $0x200, s7;
	[tilespmem:s23+$0x1A900] =	vst v10;
	v17 =	vld [tilespmem:s13+$0x18900]  }
0x116: {  	s20 =	sor.u32 $0x200, s3;
	v11 =	vadd.f32 v11, v7;
	[tilespmem:s6+$0x1AA80] =	vst v14;
	v10 =	vld [tilespmem:s15+$0x18900]  }
0x117: {  	s8 =	smov.u32 s2;
	s18 =	sadd.s32 $0x30, s31;
	v14 =	vadd.f32 v15, v3;
	v62 =	vld [tilespmem:s20+$0x18900]  }
0x118: {  	[dreg:$0x11] =	wrdreg s8;
	s8 =	sor.u32 $0x200, s18;
	[tilespmem:s1+$0x1AA80] =	vst v11;
	v11 =	vadd.f32 v18, v4;
	v63 =	vld [tilespmem:s16+$0x18900]  }
0x119: {  	s28 =	sadd.s32 $0x4, s28;
	s9 =	smov.u32 s5;
	s5 =	smov.u32 s30;
	v18 =	vld [tilespmem:s8+$0x18900];
	[tilespmem:s12+$0x1A900] =	vst v14  }
0x11a: {  	p2 =	slt.u32 s28, $0x1C;
	s22 =	smov.u32 s29;
	[dreg:$0x9] =	wrdreg s5;
	[tilespmem:s24+$0x1A900] =	vst v11;
	v16 =	vld [tilespmem:s14+$0x18900]  }
0x11b: {  	s30 =	sadd.s32 $0x40, s30;
	[dreg:$0x7] =	wrdreg s22;
	s29 =	sadd.s32 $0x200, s29;
	v15 =	vld [tilespmem:s9+$0x18900];
	v11 =	vadd.f32 v13, v2  }
0x11c: {  	s21 =	sor.u32 $0x280, s3;
	s22 =	sor.u32 $0x280, s18;
	s5 =	sor.u32 $0x300, s18;
	v14 =	vld.idx.msk [tilespmem:v19+s4+$0x0], $0xffff  }
.Ltmp0:
0x11d: {  	s2 =	sor.u32 $0x380, s18;
	s18 =	smov.u32 s16;
	[tilespmem:s10+$0x1A900] =	vst v11;
	v17 =	vld.idx.msk [tilespmem:v17+s4+$0x0], $0xffff;
	(pc) =	sbr.rel @p2 .LBB2_3-.Ltmp0, $4  }
0x11e: {  	s0 =	sor.u32 $0x380, s7;
	s19 =	sor.u32 $0x300, s3;
	s23 =	sor.u32 $0x280, s7;
	v13 =	vld.idx.msk [tilespmem:v10+s4+$0x0], $0xffff  }
0x11f: {  	s25 =	sor.u32 $0x300, s7;
	s7 =	sor.u32 $0x380, s3;
	s3 =	smov.u32 s21;
	v11 =	vld.idx.msk [tilespmem:v62+s4+$0x0], $0xffff  }
0x120: {  	s21 =	smov.u32 s14;
	s16 =	rddreg [dreg:$0x13];
	s24 =	smov.u32 s22;
	v2 =	vmov v5;
	v5 =	vmov v9;
	v9 =	vld.idx.msk [tilespmem:v63+s4+$0x0], $0xffff  }
0x121: {  	s22 =	smov.u32 s9;
	s9 =	smov.u32 s16;
	s10 =	smov.u32 s0;
	v10 =	vld.idx.msk [tilespmem:v18+s4+$0x0], $0xffff  }
0x122: {  	v17 =	vadd.f32 v17, v6  }
0x123: {  	v13 =	vadd.f32 v13, v5  }
0x124: {  	s0 =	sor.u32 $0x280, s31;
	[tilespmem:s13+$0x1A900] =	vst v17  }
0x125: {  	v17 =	vld [tilespmem:s0+$0x18900];
	[tilespmem:s15+$0x1A900] =	vst v13  }
0x126: {  	v40 =	vld [tilespmem:s23+$0x18900];
	_ =	sdelay $0x1  }
0x127: {  	v11 =	vadd.f32 v11, v8  }
0x128: {  	v10 =	vadd.f32 v10, v7  }
0x129: {  	[tilespmem:s20+$0x1A900] =	vst v11  }
0x12a: {  	v41 =	vld [tilespmem:s3+$0x18900];
	[tilespmem:s8+$0x1A900] =	vst v10  }
0x12b: {  	v42 =	vld [tilespmem:s24+$0x18900]  }
0x12c: {  	v17 =	vld.idx.msk [tilespmem:v17+s4+$0x0], $0xffff  }
0x12d: {  	v11 =	vld.idx.msk [tilespmem:v40+s4+$0x0], $0xffff;
	_ =	sdelay $0x3  }
0x12e: {  	v17 =	vadd.f32 v17, v6  }
0x12f: {  	v10 =	vld.idx.msk [tilespmem:v41+s4+$0x0], $0xffff;
	v11 =	vadd.f32 v11, v5  }
0x130: {  	s15 =	sor.u32 $0x300, s31;
	v13 =	vld.idx.msk [tilespmem:v42+s4+$0x0], $0xffff;
	[tilespmem:s0+$0x1A900] =	vst v17  }
0x131: {  	v17 =	vld [tilespmem:s15+$0x18900];
	[tilespmem:s23+$0x1A900] =	vst v11  }
0x132: {  	v44 =	vld [tilespmem:s25+$0x18900];
	_ =	sdelay $0x1  }
0x133: {  	v10 =	vadd.f32 v10, v8  }
0x134: {  	v16 =	vld.idx.msk [tilespmem:v16+s4+$0x0], $0xffff;
	v43 =	vadd.f32 v13, v7  }
0x135: {  	v15 =	vld.idx.msk [tilespmem:v15+s4+$0x0], $0xffff;
	[tilespmem:s3+$0x1A900] =	vst v10  }
0x136: {  	v45 =	vld [tilespmem:s19+$0x18900];
	[tilespmem:s24+$0x1A900] =	vst v43  }
0x137: {  	v46 =	vld [tilespmem:s5+$0x18900]  }
0x138: {  	v17 =	vld.idx.msk [tilespmem:v17+s4+$0x0], $0xffff  }
0x139: {  	v10 =	vld.idx.msk [tilespmem:v44+s4+$0x0], $0xffff  }
0x13a: {  	v9 =	vadd.f32 v9, v2  }
0x13b: {  	v16 =	vadd.f32 v16, v3;
	s1 =	rddreg [dreg:$0x7]  }
0x13c: {  	v47 =	vadd.f32 v15, v4;
	s3 =	rddreg [dreg:$0x9];
	[tilespmem:s18+$0x1A900] =	vst v9  }
0x13d: {  	[tilespmem:s21+$0x1A900] =	vst v16;
	v49 =	vld [tilespmem:s9+$0x18900];
	v17 =	vadd.f32 v17, v6  }
0x13e: {  	[tilespmem:s22+$0x1A900] =	vst v47;
	s1 =	sor.u32 s1, s3;
	v11 =	vld.idx.msk [tilespmem:v45+s4+$0x0], $0xffff;
	v10 =	vadd.f32 v10, v5  }
0x13f: {  	s16 =	sor.u32 $0x380, s1;
	v13 =	vld.idx.msk [tilespmem:v46+s4+$0x0], $0xffff;
	[tilespmem:s15+$0x1A900] =	vst v17  }
0x140: {  	v48 =	vld [tilespmem:s16+$0x18900];
	s18 =	rddreg [dreg:$0xd];
	[tilespmem:s25+$0x1A900] =	vst v10  }
0x141: {  	v50 =	vld [tilespmem:s18+$0x18900];
	s20 =	rddreg [dreg:$0x11]  }
0x142: {  	v51 =	vld [tilespmem:s20+$0x18900]  }
0x143: {  	v11 =	vadd.f32 v11, v8;
	v52 =	vld [tilespmem:s10+$0x18900]  }
0x144: {  	v12 =	vld.idx.msk [tilespmem:v12+s4+$0x0], $0xffff;
	v13 =	vadd.f32 v13, v7  }
0x145: {  	v16 =	vld.idx.msk [tilespmem:v49+s4+$0x0], $0xffff;
	[tilespmem:s19+$0x1A900] =	vst v11  }
0x146: {  	v53 =	vld [tilespmem:s7+$0x18900];
	[tilespmem:s5+$0x1A900] =	vst v13  }
0x147: {  	v54 =	vld [tilespmem:s2+$0x18900]  }
0x148: {  	v15 =	vld.idx.msk [tilespmem:v48+s4+$0x0], $0xffff  }
0x149: {  	v9 =	vld.idx.msk [tilespmem:v50+s4+$0x0], $0xffff  }
0x14a: {  	v0 =	vadd.f32 v14, v0;
	v10 =	vld.idx.msk [tilespmem:v51+s4+$0x0], $0xffff  }
0x14b: {  	v1 =	vadd.f32 v12, v1;
	v11 =	vld.idx.msk [tilespmem:v52+s4+$0x0], $0xffff  }
0x14c: {  	[tilespmem:s26+$0x1A900] =	vst v0;
	v57 =	vadd.f32 v16, v2  }
0x14d: {  	[tilespmem:s17+$0x1A900] =	vst v1;
	v55 =	vadd.f32 v15, v6  }
0x14e: {  	[tilespmem:s9+$0x1A900] =	vst v57;
	v59 =	vadd.f32 v9, v3  }
0x14f: {  	[tilespmem:s16+$0x1A900] =	vst v55;
	v60 =	vadd.f32 v10, v4  }
0x150: {  	v56 =	vld.idx.msk [tilespmem:v53+s4+$0x0], $0xffff;
	v61 =	vadd.f32 v11, v5;
	[tilespmem:s18+$0x1A900] =	vst v59  }
0x151: {  	v58 =	vld.idx.msk [tilespmem:v54+s4+$0x0], $0xffff;
	[tilespmem:s20+$0x1A900] =	vst v60  }
0x152: {  	s6 =	sld [smem:$0x7F4];
	[tilespmem:s10+$0x1A900] =	vst v61  }
0x153: {  	s1 =	sld [smem:$0x7F7];
	_ =	sdelay $0x1  }
0x154: {  	v62 =	vadd.f32 v56, v8;
	s21 =	sshll.u32 s6, $0x13  }
0x155: {  	v63 =	vadd.f32 v58, v7;
	s0 =	sor.u32 s1, s21  }
0x156: {  	s23 =	simm.s32 $0x80;
	s22 =	rddreg [dreg:$0x3];
	[tilespmem:s7+$0x1A900] =	vst v62;
	s0 =	sshrl.u32 s0, $0x3  }
0x157: {  	s24 =	simm.s32 $0x8000;
	s25 =	simm.s32 $0x1A900;
	[tilespmem:s2+$0x1A900] =	vst v63;
	s0 =	sadd.s32 s22, s0  }
0x158: {  	[hbm4b:s0+s23] =	stream.strided.scatter [tilespmem:s25], [sflag:$0x3], $0x400, s24, s23, $0x38;
	[tilespmem:$0x1C900] =	vst v63  }
0x159: {  	s28 =	simm.s32 $0x1AD00;
	p1 =	sne.s32 s6, $0x3F;
	s26 =	sadd.s32 $0x80, s0  }
0x15a: {  	[hbm4b:s26+s23] =	stream.strided.scatter [tilespmem:s28], [sflag:$0x3], $0x400, s24, s23, $0x38;
	[tilespmem:$0x1C900] =	vst v63  }
.Ltmp1:
0x15b: {  	_ = 	snop;
	(pc) =	sbr.rel @p1 .LBB2_6-.Ltmp1, $4  }
0x15c: {  	s30 =	simm.s32 $0x1B100;
	s29 =	sadd.s32 $0x100, s0  }
0x15d: {  	[hbm4b:s29+s23] =	stream.strided.scatter [tilespmem:s30], [sflag:$0x3], $0x400, s24, s23, $0x38;
	[tilespmem:$0x1C900] =	vst v63  }
0x15e: {  	s31 =	simm.s32 $0x1B500;
	s0 =	sadd.s32 $0x180, s0  }
0x15f: {  	[hbm4b:s0+s23] =	stream.strided.scatter [tilespmem:s31], [sflag:$0x3], $0x400, s24, s23, $0x38;
	[tilespmem:$0x1C900] =	vst v63  }
.Ltmp2:
0x160: {  	(pc) =	sbr.rel .LBB2_7-.Ltmp2, $4  }
0x161: {  	s0 =	simm.s32 $0x2  }
0x162: {  	_ =	swait.ge [sflag:s0], $0x1000  }
0x163: {  	[sflag:s0] =	ssyncset.done $0x0  }
0x164: {  	[sflag:s0] =	ssyncadd.s32 $0xFFFFF000  }
.LBB2_6:
0x165: {  	s1 =	sld [smem:$0x7FA];
	_ =	sdelay $0x1  }
0x166: {  	s0 =	sshll.u32 s6, $0xA;
	s30 =	simm.s32 $0x18900  }
.Ltmp3:
0x167: {  	s31 =	simm.s32 $0x2;
	s0 =	sadd.s32 s0, s1;
	(pc) =	sbr.rel @p0 .LBB2_8-.Ltmp3, $4  }
0x168: {  	[tilespmem:s30], [sflag:$0x1] =	stream.linear.gather [hbm4b:s0+s4], $0x1000, $0x38;
	[tilespmem:$0x1C900] =	vst v63  }
0x169: {  	_ =	swait.ge [sflag:s31], $0x1000  }
0x16a: {  	[sflag:s31] =	ssyncset.done $0x0  }
0x16b: {  	[sflag:s31] =	ssyncadd.s32 $0xFFFFF000  }
.LBB2_7:
0x16c: {  	s0 =	simm.s32 $0x4  }
0x16d: {  	_ =	swait.ge [sflag:s0], $0x1000  }
0x16e: {  	[sflag:s0] =	ssyncset.done $0x0  }
0x16f: {  	[sflag:s0] =	ssyncadd.s32 $0xFFFFF000  }
.LBB2_8:
0x170: {  	s8 =	simm.s32 $0x0  }
0x171: {  	s2 =	sand.u32 $0x40, s8;
	s3 =	sand.u32 $0xC00, s8  }
0x172: {  	s6 =	sor.u32 s2, s3  }
0x173: {  	v0 =	vld [tilespmem:s6+$0x19900];
	_ =	sdelay $0x1  }
0x174: {  	s5 =	simm.s32 $0x18700  }
0x175: {  	v10 =	vld [tilespmem:s5+$0x0];
	s7 =	sor.u32 $0x10, s2  }
0x176: {  	s9 =	sor.u32 $0x20, s2;
	s0 =	sor.u32 s3, s7;
	v3 =	vld [tilespmem:s6+$0x19980]  }
0x177: {  	s1 =	sor.u32 s3, s9;
	v1 =	vld [tilespmem:s0+$0x19900]  }
0x178: {  	v2 =	vld [tilespmem:s1+$0x19900]  }
0x179: {  	s18 =	sand.u32 $0x180, s8;
	s2 =	sor.u32 $0x30, s2;
	v6 =	vld [tilespmem:s6+$0x19A00]  }
0x17a: {  	s10 =	sadd.s32 $0x18700, s18;
	s19 =	sor.u32 s3, s2;
	v0 =	vld.idx.msk [tilespmem:v0+s4+$0x0], $0xffff  }
0x17b: {  	s7 =	sor.u32 s7, s10;
	v4 =	vld [tilespmem:s19+$0x19900]  }
0x17c: {  	v9 =	vld [tilespmem:s7+$0x0]  }
0x17d: {  	v7 =	vld [tilespmem:s0+$0x19980]  }
0x17e: {  	v11 =	vld [tilespmem:s19+$0x19980]  }
0x17f: {  	v5 =	vld.idx.msk [tilespmem:v1+s4+$0x0], $0xffff;
	v1 =	vadd.f32 v0, v10  }
0x180: {  	s20 =	sor.u32 s9, s10;
	v2 =	vld.idx.msk [tilespmem:v2+s4+$0x0], $0xffff  }
0x181: {  	v0 =	vld [tilespmem:s20+$0x0];
	[tilespmem:s6+$0x1B900] =	vst v1  }
0x182: {  	v3 =	vld.idx.msk [tilespmem:v3+s4+$0x0], $0xffff  }
0x183: {  	s2 =	sor.u32 s2, s10;
	v4 =	vld.idx.msk [tilespmem:v4+s4+$0x0], $0xffff  }
0x184: {  	v1 =	vld [tilespmem:s2+$0x0]  }
0x185: {  	v8 =	vld [tilespmem:s1+$0x19980];
	v5 =	vadd.f32 v5, v9  }
0x186: {  	v2 =	vadd.f32 v2, v0  }
0x187: {  	v12 =	vld [tilespmem:s0+$0x19A00];
	[tilespmem:s0+$0x1B900] =	vst v5;
	v3 =	vadd.f32 v3, v10  }
0x188: {  	v13 =	vld [tilespmem:s1+$0x19A00];
	[tilespmem:s1+$0x1B900] =	vst v2  }
0x189: {  	v2 =	vld.idx.msk [tilespmem:v7+s4+$0x0], $0xffff;
	v4 =	vadd.f32 v4, v1;
	[tilespmem:s6+$0x1B980] =	vst v3  }
0x18a: {  	v3 =	vld.idx.msk [tilespmem:v6+s4+$0x0], $0xffff  }
0x18b: {  	[tilespmem:s19+$0x1B900] =	vst v4;
	v4 =	vld [tilespmem:s19+$0x19A00]  }
0x18c: {  	v6 =	vld.idx.msk [tilespmem:v11+s4+$0x0], $0xffff  }
0x18d: {  	v5 =	vld.idx.msk [tilespmem:v8+s4+$0x0], $0xffff;
	_ =	sdelay $0x1  }
0x18e: {  	v7 =	vld [tilespmem:s0+$0x19A80];
	v3 =	vadd.f32 v3, v10  }
0x18f: {  	s21 =	sor.u32 s3, s8;
	v8 =	vld [tilespmem:s1+$0x19A80];
	v2 =	vadd.f32 v2, v9  }
0x190: {  	s2 =	sor.u32 $0x180, s21;
	v11 =	vld [tilespmem:s19+$0x19A80];
	v6 =	vadd.f32 v6, v1;
	[tilespmem:s6+$0x1BA00] =	vst v3  }
0x191: {  	[tilespmem:s0+$0x1B980] =	vst v2;
	v3 =	vadd.f32 v5, v0;
	v2 =	vld [tilespmem:s2+$0x19900]  }
0x192: {  	v5 =	vld.idx.msk [tilespmem:v12+s4+$0x0], $0xffff;
	[tilespmem:s19+$0x1B980] =	vst v6  }
0x193: {  	v4 =	vld.idx.msk [tilespmem:v4+s4+$0x0], $0xffff;
	[tilespmem:s1+$0x1B980] =	vst v3  }
0x194: {  	v3 =	vld.idx.msk [tilespmem:v13+s4+$0x0], $0xffff;
	_ =	sdelay $0x2  }
0x195: {  	v5 =	vadd.f32 v5, v9  }
0x196: {  	v4 =	vadd.f32 v4, v1  }
0x197: {  	[tilespmem:s0+$0x1BA00] =	vst v5;
	v3 =	vadd.f32 v3, v0;
	v2 =	vld.idx.msk [tilespmem:v2+s4+$0x0], $0xffff  }
0x198: {  	v5 =	vld.idx.msk [tilespmem:v7+s4+$0x0], $0xffff;
	[tilespmem:s19+$0x1BA00] =	vst v4  }
0x199: {  	v4 =	vld.idx.msk [tilespmem:v11+s4+$0x0], $0xffff;
	[tilespmem:s1+$0x1BA00] =	vst v3  }
0x19a: {  	p0 =	por $0x0, $0x0;
	s3 =	simm.s32 $0x1;
	v3 =	vld.idx.msk [tilespmem:v8+s4+$0x0], $0xffff  }
0x19b: {  	s3 =	simm.s32 @!p0 $0x0  }
0x19c: {  	s3 =	sshll.u32 s3, $0x6;
	v2 =	vadd.f32 v2, v10  }
0x19d: {  	s13 =	sadd.s32 $0x0, s3;
	v5 =	vadd.f32 v5, v9  }
0x19e: {  	s16 =	sor.u32 $0x200, s13;
	v4 =	vadd.f32 v4, v1;
	[tilespmem:s2+$0x1B900] =	vst v2  }
0x19f: {  	s9 =	sadd.s32 $0x10, s13;
	s20 =	simm.s32 $0x18740;
	[tilespmem:s0+$0x1BA80] =	vst v5;
	v2 =	vadd.f32 v3, v0;
	v3 =	vld [tilespmem:s16+$0x19900]  }
0x1a0: {  	s12 =	simm.s32 $0x40;
	s3 =	sadd.s32 $0x30, s13;
	s11 =	sor.u32 $0x200, s9;
	v11 =	vld [tilespmem:s20+$0x0];
	[tilespmem:s19+$0x1BA80] =	vst v4  }
0x1a1: {  	s7 =	sor.u32 $0x200, s3;
	s0 =	sadd.s32 $0x20, s13;
	v5 =	vld [tilespmem:s11+$0x19900];
	[tilespmem:s1+$0x1BA80] =	vst v2;
	s1 =	simm.s32 $0x200  }
0x1a2: {  	s22 =	sand.u32 $0x40, s12;
	s2 =	sor.u32 $0x200, s0;
	v4 =	vld [tilespmem:s7+$0x19900];
	s15 =	sand.u32 $0xC00, s1  }
0x1a3: {  	s17 =	sor.u32 $0x10, s22;
	v2 =	vld [tilespmem:s2+$0x19900];
	s14 =	sor.u32 s22, s15  }
0x1a4: {  	s18 =	sor.u32 $0x20, s22;
	s6 =	sor.u32 s15, s17;
	v6 =	vld [tilespmem:s14+$0x19900]  }
0x1a5: {  	s10 =	sor.u32 s15, s18;
	v8 =	vld [tilespmem:s6+$0x19900]  }
0x1a6: {  	s19 =	sor.u32 $0x30, s22;
	v12 =	vld [tilespmem:s10+$0x19900]  }
0x1a7: {  	s5 =	sor.u32 s15, s19;
	v3 =	vld.idx.msk [tilespmem:v3+s4+$0x0], $0xffff  }
0x1a8: {  	v13 =	vld [tilespmem:s5+$0x19900]  }
0x1a9: {  	v16 =	vld [tilespmem:s14+$0x19A00]  }
0x1aa: {  	v17 =	vld [tilespmem:s6+$0x19980]  }
0x1ab: {  	v7 =	vld.idx.msk [tilespmem:v2+s4+$0x0], $0xffff  }
0x1ac: {  	v2 =	vadd.f32 v3, v10;
	v3 =	vld.idx.msk [tilespmem:v6+s4+$0x0], $0xffff  }
0x1ad: {  	v6 =	vld [tilespmem:s14+$0x19980]  }
0x1ae: {  	v18 =	vld [tilespmem:s10+$0x19980]  }
0x1af: {  	v19 =	vld [tilespmem:s5+$0x19980]  }
0x1b0: {  	v20 =	vld [tilespmem:s6+$0x19A00]  }
0x1b1: {  	s24 =	sor.u32 $0x280, s13;
	v14 =	vld.idx.msk [tilespmem:v4+s4+$0x0], $0xffff;
	[tilespmem:s16+$0x1B900] =	vst v2  }
0x1b2: {  	v15 =	vld [tilespmem:s24+$0x19900];
	v4 =	vadd.f32 v3, v11  }
0x1b3: {  	s23 =	sand.u32 $0x180, s12;
	v8 =	vld.idx.msk [tilespmem:v8+s4+$0x0], $0xffff  }
0x1b4: {  	s20 =	sadd.s32 $0x18700, s23;
	v12 =	vld.idx.msk [tilespmem:v12+s4+$0x0], $0xffff;
	[tilespmem:s14+$0x1B900] =	vst v4  }
0x1b5: {  	s17 =	sor.u32 s17, s20;
	v6 =	vld.idx.msk [tilespmem:v6+s4+$0x0], $0xffff  }
0x1b6: {  	v2 =	vld [tilespmem:s17+$0x0]  }
0x1b7: {  	s25 =	sor.u32 s18, s20;
	v13 =	vld.idx.msk [tilespmem:v13+s4+$0x0], $0xffff  }
0x1b8: {  	s26 =	sor.u32 s19, s20;
	v3 =	vld [tilespmem:s25+$0x0]  }
0x1b9: {  	v4 =	vld [tilespmem:s26+$0x0]  }
0x1ba: {  	v15 =	vld.idx.msk [tilespmem:v15+s4+$0x0], $0xffff;
	v6 =	vadd.f32 v6, v11  }
0x1bb: {  	v21 =	vld [tilespmem:s10+$0x19A00];
	v8 =	vadd.f32 v8, v2  }
0x1bc: {  	v5 =	vld.idx.msk [tilespmem:v5+s4+$0x0], $0xffff;
	[tilespmem:s14+$0x1B980] =	vst v6  }
0x1bd: {  	[tilespmem:s6+$0x1B900] =	vst v8;
	v6 =	vadd.f32 v12, v3;
	v8 =	vld.idx.msk [tilespmem:v16+s4+$0x0], $0xffff  }
0x1be: {  	v12 =	vadd.f32 v13, v4;
	v13 =	vld.idx.msk [tilespmem:v17+s4+$0x0], $0xffff  }
0x1bf: {  	v15 =	vadd.f32 v15, v10;
	[tilespmem:s10+$0x1B900] =	vst v6;
	v6 =	vld [tilespmem:s5+$0x19A00]  }
0x1c0: {  	[tilespmem:s5+$0x1B900] =	vst v12;
	v12 =	vld.idx.msk [tilespmem:v18+s4+$0x0], $0xffff  }
0x1c1: {  	[tilespmem:s24+$0x1B900] =	vst v15;
	v15 =	vld.idx.msk [tilespmem:v19+s4+$0x0], $0xffff  }
0x1c2: {  	v17 =	vld [tilespmem:s6+$0x19A80];
	v8 =	vadd.f32 v8, v11  }
0x1c3: {  	s13 =	sor.u32 $0x300, s13;
	s15 =	sor.u32 s15, s12;
	v18 =	vld [tilespmem:s10+$0x19A80]  }
0x1c4: {  	s18 =	sor.u32 $0x180, s15;
	v16 =	vld [tilespmem:s13+$0x19900];
	v13 =	vadd.f32 v13, v2;
	[tilespmem:s14+$0x1BA00] =	vst v8  }
0x1c5: {  	v8 =	vadd.f32 v12, v3;
	v12 =	vld [tilespmem:s18+$0x19900]  }
0x1c6: {  	[tilespmem:s6+$0x1B980] =	vst v13;
	v13 =	vld [tilespmem:s5+$0x19A80];
	v15 =	vadd.f32 v15, v4  }
0x1c7: {  	v5 =	vadd.f32 v5, v9;
	v19 =	vld.idx.msk [tilespmem:v20+s4+$0x0], $0xffff;
	[tilespmem:s10+$0x1B980] =	vst v8  }
0x1c8: {  	v7 =	vadd.f32 v7, v0;
	[tilespmem:s5+$0x1B980] =	vst v15;
	v8 =	vld.idx.msk [tilespmem:v21+s4+$0x0], $0xffff  }
0x1c9: {  	s20 =	sor.u32 $0x280, s9;
	[tilespmem:s11+$0x1B900] =	vst v5;
	v5 =	vld.idx.msk [tilespmem:v6+s4+$0x0], $0xffff  }
0x1ca: {  	s21 =	sor.u32 $0x280, s0;
	[tilespmem:s2+$0x1B900] =	vst v7;
	v6 =	vld [tilespmem:s20+$0x19900]  }
0x1cb: {  	v7 =	vadd.f32 v14, v1;
	v14 =	vld [tilespmem:s21+$0x19900]  }
0x1cc: {  	v15 =	vld.idx.msk [tilespmem:v16+s4+$0x0], $0xffff;
	v16 =	vadd.f32 v19, v2  }
0x1cd: {  	s23 =	sor.u32 $0x280, s3;
	[tilespmem:s7+$0x1B900] =	vst v7;
	v8 =	vadd.f32 v8, v3;
	v7 =	vld.idx.msk [tilespmem:v12+s4+$0x0], $0xffff  }
0x1ce: {  	[tilespmem:s6+$0x1BA00] =	vst v16;
	v5 =	vadd.f32 v5, v4;
	v12 =	vld [tilespmem:s23+$0x19900]  }
0x1cf: {  	v16 =	vld.idx.msk [tilespmem:v17+s4+$0x0], $0xffff;
	[tilespmem:s10+$0x1BA00] =	vst v8  }
0x1d0: {  	p0 =	por !p0, !p0;
	s2 =	simm.s32 $0x1;
	[tilespmem:s5+$0x1BA00] =	vst v5;
	v8 =	vld.idx.msk [tilespmem:v18+s4+$0x0], $0xffff  }
0x1d1: {  	s2 =	simm.s32 @!p0 $0x0;
	v5 =	vadd.f32 v15, v10;
	v13 =	vld.idx.msk [tilespmem:v13+s4+$0x0], $0xffff  }
0x1d2: {  	s2 =	sshll.u32 s2, $0x6;
	s24 =	sor.u32 s8, s8;
	v6 =	vld.idx.msk [tilespmem:v6+s4+$0x0], $0xffff;
	v7 =	vadd.f32 v7, v11  }
0x1d3: {  	s19 =	sadd.s32 $0x200, s2;
	s24 =	sor.u32 $0x380, s24;
	[tilespmem:s13+$0x1B900] =	vst v5;
	v5 =	vld.idx.msk [tilespmem:v14+s4+$0x0], $0xffff  }
0x1d4: {  	s22 =	sor.u32 $0x200, s19;
	v14 =	vld [tilespmem:s24+$0x19900];
	v15 =	vadd.f32 v16, v2;
	[tilespmem:s18+$0x1B900] =	vst v7  }
0x1d5: {  	s2 =	sadd.s32 $0x10, s19;
	v7 =	vadd.f32 v8, v3;
	v8 =	vld [tilespmem:s22+$0x19900]  }
0x1d6: {  	[tilespmem:s6+$0x1BA80] =	vst v15;
	s6 =	sadd.s32 $0x20, s19;
	s18 =	sor.u32 $0x200, s2;
	v13 =	vadd.f32 v13, v4;
	v12 =	vld.idx.msk [tilespmem:v12+s4+$0x0], $0xffff  }
0x1d7: {  	s7 =	sadd.s32 $0x30, s19;
	v6 =	vadd.f32 v6, v9;
	s17 =	sor.u32 $0x200, s6;
	v15 =	vld [tilespmem:s18+$0x19900];
	[tilespmem:s10+$0x1BA80] =	vst v7  }
0x1d8: {  	s14 =	sor.u32 $0x200, s7;
	v5 =	vadd.f32 v5, v0;
	[tilespmem:s5+$0x1BA80] =	vst v13;
	v7 =	vld [tilespmem:s17+$0x19900]  }
0x1d9: {  	s13 =	sor.u32 $0x300, s9;
	[tilespmem:s20+$0x1B900] =	vst v6;
	v6 =	vld [tilespmem:s14+$0x19900]  }
0x1da: {  	s5 =	sor.u32 $0x300, s0;
	[tilespmem:s21+$0x1B900] =	vst v5;
	v5 =	vld [tilespmem:s13+$0x19900]  }
0x1db: {  	v16 =	vld [tilespmem:s5+$0x19900];
	v12 =	vadd.f32 v12, v1  }
0x1dc: {  	v13 =	vld.idx.msk [tilespmem:v14+s4+$0x0], $0xffff  }
0x1dd: {  	s8 =	sor.u32 $0x300, s3;
	[tilespmem:s23+$0x1B900] =	vst v12;
	v8 =	vld.idx.msk [tilespmem:v8+s4+$0x0], $0xffff  }
0x1de: {  	v12 =	vld [tilespmem:s8+$0x19900]  }
0x1df: {  	v14 =	vld.idx.msk [tilespmem:v15+s4+$0x0], $0xffff  }
0x1e0: {  	v15 =	vld.idx.msk [tilespmem:v7+s4+$0x0], $0xffff  }
0x1e1: {  	s28 =	simm.s32 $0x80;
	s25 =	simm.s32 $0x400;
	s21 =	simm.s32 $0x400;
	v17 =	vld.idx.msk [tilespmem:v6+s4+$0x0], $0xffff  }
0x1e2: {  	s26 =	sand.u32 $0x40, s28;
	s20 =	sand.u32 $0xC00, s25;
	v18 =	vld.idx.msk [tilespmem:v5+s4+$0x0], $0xffff;
	[dreg:$0x5] =	wrdreg s21  }
0x1e3: {  	s25 =	sor.u32 $0x10, s26;
	s21 =	sor.u32 s26, s20;
	v16 =	vld.idx.msk [tilespmem:v16+s4+$0x0], $0xffff  }
0x1e4: {  	s15 =	sor.u32 s20, s25;
	v7 =	vld [tilespmem:s21+$0x19900]  }
0x1e5: {  	v44 =	vld [tilespmem:s15+$0x19900]  }
0x1e6: {  	v23 =	vld [tilespmem:s21+$0x19980]  }
0x1e7: {  	v46 =	vld [tilespmem:s15+$0x19980]  }
0x1e8: {  	s11 =	sor.u32 $0x20, s26;
	s26 =	sor.u32 $0x30, s26;
	v25 =	vld [tilespmem:s21+$0x19A00];
	v5 =	vadd.f32 v8, v11  }
0x1e9: {  	s10 =	sor.u32 s20, s26;
	v28 =	vld [tilespmem:s15+$0x19A00]  }
0x1ea: {  	s23 =	sand.u32 $0x180, s28;
	v22 =	vld [tilespmem:s10+$0x19900];
	[tilespmem:s22+$0x1B900] =	vst v5;
	s22 =	sor.u32 $0x280, s19  }
0x1eb: {  	s23 =	sadd.s32 $0x18700, s23;
	v19 =	vld [tilespmem:s22+$0x19900]  }
0x1ec: {  	s16 =	sor.u32 s25, s23;
	v27 =	vld [tilespmem:s10+$0x19980]  }
0x1ed: {  	v5 =	vld [tilespmem:s16+$0x0];
	s16 =	sor.u32 s20, s11  }
0x1ee: {  	s25 =	sor.u32 s11, s23;
	v45 =	vld [tilespmem:s16+$0x19900]  }
0x1ef: {  	v8 =	vld [tilespmem:s25+$0x0];
	s11 =	simm.s32 $0x18780  }
0x1f0: {  	v6 =	vld [tilespmem:s11+$0x0]  }
0x1f1: {  	v26 =	vld [tilespmem:s16+$0x19980]  }
0x1f2: {  	v7 =	vld.idx.msk [tilespmem:v7+s4+$0x0], $0xffff  }
0x1f3: {  	v19 =	vld.idx.msk [tilespmem:v19+s4+$0x0], $0xffff  }
0x1f4: {  	v20 =	vld.idx.msk [tilespmem:v44+s4+$0x0], $0xffff  }
0x1f5: {  	v22 =	vld.idx.msk [tilespmem:v22+s4+$0x0], $0xffff  }
0x1f6: {  	s23 =	sor.u32 s26, s23;
	v21 =	vld.idx.msk [tilespmem:v45+s4+$0x0], $0xffff  }
0x1f7: {  	v24 =	vadd.f32 v7, v6;
	v7 =	vld [tilespmem:s23+$0x0]  }
0x1f8: {  	v50 =	vld [tilespmem:s15+$0x19A80];
	v19 =	vadd.f32 v19, v11  }
0x1f9: {  	v49 =	vld [tilespmem:s10+$0x19A00];
	v20 =	vadd.f32 v20, v5;
	[tilespmem:s21+$0x1B900] =	vst v24  }
0x1fa: {  	s19 =	sor.u32 $0x300, s19;
	v23 =	vld.idx.msk [tilespmem:v23+s4+$0x0], $0xffff;
	[tilespmem:s22+$0x1B900] =	vst v19  }
0x1fb: {  	[tilespmem:s15+$0x1B900] =	vst v20;
	v21 =	vadd.f32 v21, v8;
	v19 =	vld [tilespmem:s19+$0x19900]  }
0x1fc: {  	v24 =	vld.idx.msk [tilespmem:v46+s4+$0x0], $0xffff;
	v22 =	vadd.f32 v22, v7  }
0x1fd: {  	v52 =	vld [tilespmem:s10+$0x19A80];
	[tilespmem:s16+$0x1B900] =	vst v21  }
0x1fe: {  	[tilespmem:s10+$0x1B900] =	vst v22;
	v21 =	vld.idx.msk [tilespmem:v26+s4+$0x0], $0xffff  }
0x1ff: {  	v47 =	vadd.f32 v23, v6;
	v22 =	vld.idx.msk [tilespmem:v27+s4+$0x0], $0xffff  }
0x200: {  	v14 =	vadd.f32 v14, v2;
	v48 =	vld [tilespmem:s16+$0x19A00]  }
0x201: {  	v12 =	vld.idx.msk [tilespmem:v12+s4+$0x0], $0xffff;
	v24 =	vadd.f32 v24, v5;
	[tilespmem:s21+$0x1B980] =	vst v47  }
0x202: {  	[tilespmem:s18+$0x1B900] =	vst v14;
	v25 =	vld.idx.msk [tilespmem:v25+s4+$0x0], $0xffff  }
0x203: {  	s26 =	simm.s32 $0x80;
	[tilespmem:s15+$0x1B980] =	vst v24;
	v21 =	vadd.f32 v21, v8;
	v19 =	vld.idx.msk [tilespmem:v19+s4+$0x0], $0xffff  }
0x204: {  	v51 =	vld [tilespmem:s16+$0x19A80];
	v22 =	vadd.f32 v22, v7;
	[dreg:$0xb] =	wrdreg s26  }
0x205: {  	v15 =	vadd.f32 v15, v3;
	[tilespmem:s16+$0x1B980] =	vst v21  }
0x206: {  	s18 =	sor.u32 $0x280, s2;
	v17 =	vadd.f32 v17, v4;
	v14 =	vld.idx.msk [tilespmem:v28+s4+$0x0], $0xffff;
	[tilespmem:s10+$0x1B980] =	vst v22  }
0x207: {  	v25 =	vadd.f32 v25, v6;
	v53 =	vld [tilespmem:s18+$0x19900];
	[tilespmem:s17+$0x1B900] =	vst v15  }
0x208: {  	s20 =	sor.u32 s20, s28;
	[tilespmem:s14+$0x1B900] =	vst v17;
	v55 =	vld.idx.msk [tilespmem:v48+s4+$0x0], $0xffff;
	v19 =	vadd.f32 v19, v11  }
0x209: {  	s20 =	sor.u32 $0x180, s20;
	v12 =	vadd.f32 v12, v1;
	v15 =	vadd.f32 v18, v9;
	[tilespmem:s21+$0x1BA00] =	vst v25;
	v18 =	vld.idx.msk [tilespmem:v49+s4+$0x0], $0xffff  }
0x20a: {  	s22 =	sor.u32 $0x280, s6;
	[tilespmem:s19+$0x1B900] =	vst v19;
	v19 =	vld [tilespmem:s20+$0x19900]  }
0x20b: {  	s17 =	sor.u32 $0x380, s3;
	[tilespmem:s8+$0x1B900] =	vst v12;
	v17 =	vld [tilespmem:s22+$0x19900]  }
0x20c: {  	s1 =	sor.u32 s1, s12;
	s23 =	sor.u32 $0x280, s7;
	v12 =	vld [tilespmem:s17+$0x19900]  }
0x20d: {  	s1 =	sor.u32 $0x380, s1;
	[tilespmem:s13+$0x1B900] =	vst v15;
	v15 =	vld [tilespmem:s23+$0x19900];
	v14 =	vadd.f32 v14, v5  }
0x20e: {  	s26 =	sor.u32 $0x380, s9;
	v54 =	vld [tilespmem:s1+$0x19900]  }
0x20f: {  	[tilespmem:s15+$0x1BA00] =	vst v14;
	v14 =	vld [tilespmem:s26+$0x19900]  }
0x210: {  	v22 =	vadd.f32 v55, v8;
	v56 =	vld.idx.msk [tilespmem:v50+s4+$0x0], $0xffff  }
0x211: {  	v18 =	vadd.f32 v18, v7;
	v57 =	vld.idx.msk [tilespmem:v53+s4+$0x0], $0xffff  }
0x212: {  	p0 =	por !p0, !p0;
	s9 =	simm.s32 $0x1;
	[tilespmem:s16+$0x1BA00] =	vst v22;
	v19 =	vld.idx.msk [tilespmem:v19+s4+$0x0], $0xffff  }
0x213: {  	s9 =	simm.s32 @!p0 $0x0;
	[tilespmem:s10+$0x1BA00] =	vst v18;
	v18 =	vld.idx.msk [tilespmem:v51+s4+$0x0], $0xffff  }
0x214: {  	v16 =	vadd.f32 v16, v0;
	s9 =	sshll.u32 s9, $0x6;
	v58 =	vld.idx.msk [tilespmem:v52+s4+$0x0], $0xffff  }
0x215: {  	s31 =	sadd.s32 $0x400, s9;
	v17 =	vld.idx.msk [tilespmem:v17+s4+$0x0], $0xffff;
	v20 =	vadd.f32 v56, v5  }
0x216: {  	s12 =	sor.u32 $0x380, s0;
	[tilespmem:s5+$0x1B900] =	vst v16;
	s0 =	sadd.s32 $0x10, s31;
	v15 =	vld.idx.msk [tilespmem:v15+s4+$0x0], $0xffff  }
0x217: {  	v21 =	vld.idx.msk [tilespmem:v54+s4+$0x0], $0xffff;
	[tilespmem:s15+$0x1BA80] =	vst v20;
	s15 =	sor.u32 $0x200, s0;
	v16 =	vadd.f32 v19, v6  }
0x218: {  	v60 =	vld [tilespmem:s15+$0x19900]  }
0x219: {  	v19 =	vld [tilespmem:s12+$0x19900];
	[tilespmem:s20+$0x1B900] =	vst v16;
	v16 =	vadd.f32 v18, v8  }
0x21a: {  	s13 =	sor.u32 $0x200, s31;
	s25 =	sadd.s32 $0x20, s31;
	v18 =	vld.idx.msk [tilespmem:v14+s4+$0x0], $0xffff;
	v14 =	vadd.f32 v58, v7  }
0x21b: {  	s29 =	sadd.s32 $0x30, s31;
	v22 =	vadd.f32 v57, v2;
	s20 =	sor.u32 $0x200, s25;
	v59 =	vld [tilespmem:s13+$0x19900];
	[tilespmem:s16+$0x1BA80] =	vst v16  }
0x21c: {  	s8 =	sor.u32 $0x200, s29;
	v16 =	vadd.f32 v17, v3;
	[tilespmem:s10+$0x1BA80] =	vst v14;
	v61 =	vld [tilespmem:s20+$0x19900]  }
0x21d: {  	[tilespmem:s18+$0x1B900] =	vst v22;
	s10 =	sor.u32 $0x300, s2;
	v14 =	vadd.f32 v15, v4;
	v62 =	vld [tilespmem:s8+$0x19900]  }
0x21e: {  	s14 =	sor.u32 $0x300, s6;
	v63 =	vld [tilespmem:s10+$0x19900];
	[tilespmem:s22+$0x1B900] =	vst v16  }
0x21f: {  	s16 =	sor.u32 $0x300, s7;
	[tilespmem:s23+$0x1B900] =	vst v14;
	v16 =	vld [tilespmem:s14+$0x19900]  }
0x220: {  	s19 =	sor.u32 $0x380, s6;
	v15 =	vld [tilespmem:s16+$0x19900]  }
0x221: {  	s23 =	sor.u32 $0x380, s7;
	v14 =	vld.idx.msk [tilespmem:v19+s4+$0x0], $0xffff;
	[dreg:$0xe] =	wrdreg s19  }
0x222: {  	s30 =	simm.s32 $0xC0;
	s28 =	simm.s32 $0x8;
	[dreg:$0x12] =	wrdreg s23  }
0x223: {  	v10 =	vadd.f32 v13, v10;
	s3 =	sor.u32 $0x380, s2;
	s21 =	smov.u32 s14;
	s5 =	sor.u32 $0x300, s0;
	v13 =	vld.idx.msk [tilespmem:v60+s4+$0x0], $0xffff  }
0x224: {  	s9 =	sor.u32 $0x380, s0;
	s6 =	sor.u32 $0x380, s29;
	s18 =	smov.u32 s10;
	v9 =	vadd.f32 v18, v9;
	v17 =	vld.idx.msk [tilespmem:v59+s4+$0x0], $0xffff  }
0x225: {  	s10 =	sor.u32 $0x280, s0;
	s22 =	smov.u32 s16;
	s7 =	sor.u32 $0x380, s25;
	v19 =	vadd.f32 v21, v11;
	[tilespmem:s24+$0x1B900] =	vst v10;
	v11 =	vld.idx.msk [tilespmem:v61+s4+$0x0], $0xffff  }
0x226: {  	s23 =	sor.u32 $0x280, s25;
	s19 =	sor.u32 $0x300, s25;
	s25 =	sor.u32 $0x300, s29;
	[tilespmem:s26+$0x1B900] =	vst v9;
	v10 =	vld.idx.msk [tilespmem:v62+s4+$0x0], $0xffff  }
0x227: {  	s24 =	sor.u32 $0x280, s29;
	s26 =	smov.u32 s12;
	s29 =	simm.s32 $0x600;
	[tilespmem:s1+$0x1B900] =	vst v19;
	v9 =	vld.idx.msk [tilespmem:v63+s4+$0x0], $0xffff  }
.LBB2_9:
0x228: {  	[smem:$0x7F0] =	sst s10;
	s1 =	sand.u32 $0x40, s30;
	s10 =	sand.u32 $0xC00, s29;
	v16 =	vld.idx.msk [tilespmem:v16+s4+$0x0], $0xffff;
	v14 =	vadd.f32 v14, v0  }
0x229: {  	s0 =	sor.u32 s1, s10;
	v0 =	vmov v3;
	v3 =	vmov v8;
	v8 =	vadd.f32 v17, v6;
	v15 =	vld.idx.msk [tilespmem:v15+s4+$0x0], $0xffff  }
0x22a: {  	[dreg:$0x19] =	wrdreg s3;
	v17 =	vld [tilespmem:s0+$0x19900];
	v13 =	vadd.f32 v13, v5;
	[tilespmem:s26+$0x1B900] =	vst v14  }
0x22b: {  	[dreg:$0x15] =	wrdreg s9;
	s16 =	sor.u32 $0x10, s1;
	[tilespmem:s13+$0x1B900] =	vst v8;
	s13 =	sor.u32 $0x280, s31;
	v8 =	vadd.f32 v11, v3;
	v11 =	vld.idx.msk [tilespmem:v12+s4+$0x0], $0xffff  }
0x22c: {  	s9 =	sand.u32 $0x180, s30;
	s12 =	sor.u32 $0x20, s1;
	v10 =	vadd.f32 v10, v7;
	s26 =	sor.u32 s10, s16;
	[tilespmem:s15+$0x1B900] =	vst v13;
	v12 =	vld [tilespmem:s13+$0x19900]  }
0x22d: {  	s14 =	sor.u32 $0x30, s1;
	s2 =	sor.u32 s10, s12;
	s15 =	rddreg [dreg:$0xe];
	v13 =	vld [tilespmem:s26+$0x19900];
	[tilespmem:s20+$0x1B900] =	vst v8;
	v8 =	vadd.f32 v9, v2  }
0x22e: {  	s3 =	sadd.s32 $0x18700, s9;
	s1 =	sor.u32 s10, s14;
	[tilespmem:s8+$0x1B900] =	vst v10;
	s9 =	smov.u32 s15;
	v14 =	vld [tilespmem:s2+$0x19900]  }
0x22f: {  	[dreg:$0x1b] =	wrdreg s9;
	s9 =	sor.u32 s16, s3;
	v10 =	vadd.f32 v16, v0;
	v16 =	vld [tilespmem:s1+$0x19900];
	[tilespmem:s18+$0x1B900] =	vst v8  }
0x230: {  	s11 =	sadd.s32 $0x40, s11;
	v9 =	vld [tilespmem:s9+$0x0]  }
0x231: {  	v8 =	vadd.f32 v15, v4;
	[tilespmem:s21+$0x1B900] =	vst v10;
	v10 =	vld [tilespmem:s11+$0x0]  }
0x232: {  	v18 =	vld [tilespmem:s26+$0x19A00]  }
0x233: {  	[tilespmem:s22+$0x1B900] =	vst v8;
	v8 =	vadd.f32 v11, v1;
	v1 =	vmov v4;
	v4 =	vmov v7;
	v7 =	vld.idx.msk [tilespmem:v17+s4+$0x0], $0xffff  }
0x234: {  	s12 =	sor.u32 s12, s3;
	v11 =	vld [tilespmem:s0+$0x19980]  }
0x235: {  	[tilespmem:s17+$0x1B900] =	vst v8;
	v8 =	vld [tilespmem:s12+$0x0]  }
0x236: {  	v12 =	vld.idx.msk [tilespmem:v12+s4+$0x0], $0xffff  }
0x237: {  	v13 =	vld.idx.msk [tilespmem:v13+s4+$0x0], $0xffff  }
0x238: {  	v14 =	vld.idx.msk [tilespmem:v14+s4+$0x0], $0xffff  }
0x239: {  	v15 =	vld.idx.msk [tilespmem:v16+s4+$0x0], $0xffff;
	v16 =	vadd.f32 v7, v10  }
0x23a: {  	v17 =	vld [tilespmem:s0+$0x19A00]  }
0x23b: {  	s3 =	sor.u32 s14, s3;
	[tilespmem:s0+$0x1B900] =	vst v16;
	v16 =	vld [tilespmem:s26+$0x19980]  }
0x23c: {  	v7 =	vld [tilespmem:s3+$0x0];
	v12 =	vadd.f32 v12, v6  }
0x23d: {  	v11 =	vld.idx.msk [tilespmem:v11+s4+$0x0], $0xffff;
	v13 =	vadd.f32 v13, v9  }
0x23e: {  	s8 =	sor.u32 $0x300, s31;
	[tilespmem:s13+$0x1B900] =	vst v12;
	v12 =	vadd.f32 v14, v8;
	v14 =	vld [tilespmem:s2+$0x19980]  }
0x23f: {  	[tilespmem:s26+$0x1B900] =	vst v13;
	v13 =	vld [tilespmem:s8+$0x19900]  }
0x240: {  	v19 =	vld [tilespmem:s26+$0x19A80]  }
0x241: {  	v15 =	vadd.f32 v15, v7;
	[tilespmem:s2+$0x1B900] =	vst v12;
	v12 =	vld [tilespmem:s1+$0x19980]  }
0x242: {  	v20 =	vld [tilespmem:s2+$0x19A80];
	v11 =	vadd.f32 v11, v10  }
0x243: {  	[tilespmem:s1+$0x1B900] =	vst v15;
	v16 =	vld.idx.msk [tilespmem:v16+s4+$0x0], $0xffff  }
0x244: {  	v15 =	vld [tilespmem:s2+$0x19A00];
	[tilespmem:s0+$0x1B980] =	vst v11  }
0x245: {  	v17 =	vld.idx.msk [tilespmem:v17+s4+$0x0], $0xffff  }
0x246: {  	v14 =	vld.idx.msk [tilespmem:v14+s4+$0x0], $0xffff  }
0x247: {  	v13 =	vld.idx.msk [tilespmem:v13+s4+$0x0], $0xffff  }
0x248: {  	v11 =	vld [tilespmem:s1+$0x19A00];
	v16 =	vadd.f32 v16, v9  }
0x249: {  	s14 =	smov.u32 s19;
	s19 =	sld [smem:$0x7F0];
	v12 =	vld.idx.msk [tilespmem:v12+s4+$0x0], $0xffff  }
0x24a: {  	v17 =	vadd.f32 v17, v10;
	[tilespmem:s26+$0x1B980] =	vst v16;
	v16 =	vld [tilespmem:s1+$0x19A80]  }
0x24b: {  	s15 =	rddreg [dreg:$0x5];
	s12 =	sor.u32 s10, s30;
	v18 =	vld.idx.msk [tilespmem:v18+s4+$0x0], $0xffff;
	v14 =	vadd.f32 v14, v8  }
0x24c: {  	s18 =	rddreg [dreg:$0xb];
	s13 =	sor.u32 $0x180, s12;
	[tilespmem:s0+$0x1BA00] =	vst v17;
	v17 =	vld [tilespmem:s19+$0x19900];
	v13 =	vadd.f32 v13, v6  }
0x24d: {  	s16 =	smov.u32 s5;
	s5 =	sor.u32 s15, s18;
	v21 =	vld [tilespmem:s13+$0x19900];
	[tilespmem:s2+$0x1B980] =	vst v14  }
0x24e: {  	s22 =	sor.u32 $0x380, s5;
	v12 =	vadd.f32 v12, v7;
	[tilespmem:s8+$0x1B900] =	vst v13;
	v14 =	vld.idx.msk [tilespmem:v15+s4+$0x0], $0xffff  }
0x24f: {  	v13 =	vld [tilespmem:s22+$0x19900]  }
0x250: {  	v15 =	vld [tilespmem:s23+$0x19900];
	[tilespmem:s1+$0x1B980] =	vst v12;
	v12 =	vadd.f32 v18, v9  }
0x251: {  	v11 =	vld.idx.msk [tilespmem:v11+s4+$0x0], $0xffff  }
0x252: {  	s12 =	rddreg [dreg:$0x19];
	v18 =	vld [tilespmem:s24+$0x19900];
	[tilespmem:s26+$0x1BA00] =	vst v12  }
0x253: {  	v22 =	vld [tilespmem:s12+$0x19900]  }
0x254: {  	v12 =	vld.idx.msk [tilespmem:v19+s4+$0x0], $0xffff;
	v14 =	vadd.f32 v14, v8  }
0x255: {  	v19 =	vld.idx.msk [tilespmem:v21+s4+$0x0], $0xffff  }
0x256: {  	[tilespmem:s2+$0x1BA00] =	vst v14;
	v14 =	vld.idx.msk [tilespmem:v17+s4+$0x0], $0xffff  }
0x257: {  	v11 =	vadd.f32 v11, v7;
	v13 =	vld.idx.msk [tilespmem:v13+s4+$0x0], $0xffff  }
0x258: {  	v17 =	vld.idx.msk [tilespmem:v20+s4+$0x0], $0xffff  }
0x259: {  	p0 =	por !p0, !p0;
	v15 =	vld.idx.msk [tilespmem:v15+s4+$0x0], $0xffff;
	[tilespmem:s1+$0x1BA00] =	vst v11  }
0x25a: {  	s9 =	smov.u32 s25;
	s25 =	rddreg [dreg:$0x12];
	s5 =	simm.s32 $0x1;
	v11 =	vld.idx.msk [tilespmem:v16+s4+$0x0], $0xffff;
	v12 =	vadd.f32 v12, v9  }
0x25b: {  	s5 =	simm.s32 @!p0 $0x0;
	s17 =	smov.u32 s25;
	v18 =	vld.idx.msk [tilespmem:v18+s4+$0x0], $0xffff;
	v16 =	vadd.f32 v19, v10  }
0x25c: {  	s5 =	sshll.u32 s5, $0x6;
	[tilespmem:s26+$0x1BA80] =	vst v12;
	s26 =	rddreg [dreg:$0x1b];
	v12 =	vld [tilespmem:s17+$0x19900];
	v13 =	vadd.f32 v13, v6  }
0x25d: {  	s20 =	smov.u32 s7;
	s7 =	smov.u32 s6;
	s31 =	sadd.s32 s5, s29;
	v19 =	vld [tilespmem:s26+$0x19900];
	[tilespmem:s13+$0x1B900] =	vst v16;
	v6 =	vmov v10;
	v10 =	vadd.f32 v14, v5  }
0x25e: {  	s25 =	smov.u32 s30;
	s6 =	sadd.s32 $0x10, s31;
	s13 =	sor.u32 $0x200, s31;
	v14 =	vadd.f32 v17, v8;
	[tilespmem:s22+$0x1B900] =	vst v13;
	v13 =	vld.idx.msk [tilespmem:v22+s4+$0x0], $0xffff  }
0x25f: {  	[dreg:$0xb] =	wrdreg s25;
	s25 =	sadd.s32 $0x20, s31;
	s15 =	sor.u32 $0x200, s6;
	[tilespmem:s19+$0x1B900] =	vst v10;
	v17 =	vld [tilespmem:s13+$0x19900]  }
0x260: {  	[dreg:$0xe] =	wrdreg s20;
	s20 =	sor.u32 $0x200, s25;
	v11 =	vadd.f32 v11, v7;
	[tilespmem:s2+$0x1BA80] =	vst v14;
	v10 =	vld [tilespmem:s15+$0x19900]  }
0x261: {  	s18 =	sadd.s32 $0x30, s31;
	v14 =	vadd.f32 v15, v3;
	v62 =	vld [tilespmem:s20+$0x19900]  }
0x262: {  	s8 =	sor.u32 $0x200, s18;
	[tilespmem:s1+$0x1BA80] =	vst v11;
	v11 =	vadd.f32 v18, v4;
	v63 =	vld [tilespmem:s16+$0x19900]  }
0x263: {  	s28 =	sadd.s32 $0x4, s28;
	v18 =	vld [tilespmem:s8+$0x19900];
	[tilespmem:s23+$0x1B900] =	vst v14  }
0x264: {  	p1 =	slt.u32 s28, $0x1C;
	[dreg:$0x12] =	wrdreg s7;
	s21 =	smov.u32 s29;
	[tilespmem:s24+$0x1B900] =	vst v11;
	v16 =	vld [tilespmem:s14+$0x19900]  }
0x265: {  	[dreg:$0x5] =	wrdreg s21;
	s30 =	sadd.s32 $0x40, s30;
	s29 =	sadd.s32 $0x200, s29;
	v15 =	vld [tilespmem:s9+$0x19900];
	v11 =	vadd.f32 v13, v2  }
0x266: {  	s10 =	sor.u32 $0x280, s6;
	s21 =	sor.u32 $0x280, s25;
	s5 =	sor.u32 $0x300, s6;
	v14 =	vld.idx.msk [tilespmem:v19+s4+$0x0], $0xffff  }
.Ltmp4:
0x267: {  	s7 =	sor.u32 $0x380, s25;
	s0 =	sor.u32 $0x380, s6;
	[tilespmem:s12+$0x1B900] =	vst v11;
	v17 =	vld.idx.msk [tilespmem:v17+s4+$0x0], $0xffff;
	(pc) =	sbr.rel @p1 .LBB2_9-.Ltmp4, $4  }
0x268: {  	s6 =	sor.u32 $0x380, s18;
	s19 =	sor.u32 $0x300, s25;
	s22 =	sor.u32 $0x280, s18;
	v13 =	vld.idx.msk [tilespmem:v10+s4+$0x0], $0xffff  }
0x269: {  	s25 =	sor.u32 $0x300, s18;
	s18 =	smov.u32 s16;
	s16 =	rddreg [dreg:$0x15];
	v11 =	vld.idx.msk [tilespmem:v62+s4+$0x0], $0xffff  }
0x26a: {  	s23 =	smov.u32 s21;
	s21 =	smov.u32 s14;
	s3 =	smov.u32 s16;
	v2 =	vmov v5;
	v5 =	vmov v9;
	v9 =	vld.idx.msk [tilespmem:v63+s4+$0x0], $0xffff  }
0x26b: {  	s24 =	smov.u32 s22;
	s22 =	smov.u32 s9;
	s9 =	smov.u32 s0;
	v10 =	vld.idx.msk [tilespmem:v18+s4+$0x0], $0xffff  }
0x26c: {  	v17 =	vadd.f32 v17, v6  }
0x26d: {  	v13 =	vadd.f32 v13, v5  }
0x26e: {  	s0 =	sor.u32 $0x280, s31;
	[tilespmem:s13+$0x1B900] =	vst v17  }
0x26f: {  	v17 =	vld [tilespmem:s0+$0x19900];
	[tilespmem:s15+$0x1B900] =	vst v13  }
0x270: {  	v11 =	vadd.f32 v11, v8;
	v40 =	vld [tilespmem:s10+$0x19900]  }
0x271: {  	v10 =	vadd.f32 v10, v7  }
0x272: {  	[tilespmem:s20+$0x1B900] =	vst v11  }
0x273: {  	v41 =	vld [tilespmem:s23+$0x19900];
	[tilespmem:s8+$0x1B900] =	vst v10  }
0x274: {  	v42 =	vld [tilespmem:s24+$0x19900];
	_ =	sdelay $0x2  }
0x275: {  	v17 =	vld.idx.msk [tilespmem:v17+s4+$0x0], $0xffff  }
0x276: {  	v11 =	vld.idx.msk [tilespmem:v40+s4+$0x0], $0xffff;
	_ =	sdelay $0x2  }
0x277: {  	v10 =	vld.idx.msk [tilespmem:v41+s4+$0x0], $0xffff  }
0x278: {  	v13 =	vld.idx.msk [tilespmem:v42+s4+$0x0], $0xffff;
	v17 =	vadd.f32 v17, v6  }
0x279: {  	v11 =	vadd.f32 v11, v5  }
0x27a: {  	s15 =	sor.u32 $0x300, s31;
	[tilespmem:s0+$0x1B900] =	vst v17  }
0x27b: {  	v17 =	vld [tilespmem:s15+$0x19900];
	[tilespmem:s10+$0x1B900] =	vst v11  }
0x27c: {  	v10 =	vadd.f32 v10, v8;
	v44 =	vld [tilespmem:s5+$0x19900]  }
0x27d: {  	v43 =	vadd.f32 v13, v7  }
0x27e: {  	[tilespmem:s23+$0x1B900] =	vst v10  }
0x27f: {  	v45 =	vld [tilespmem:s19+$0x19900];
	[tilespmem:s24+$0x1B900] =	vst v43  }
0x280: {  	v46 =	vld [tilespmem:s25+$0x19900]  }
0x281: {  	v16 =	vld.idx.msk [tilespmem:v16+s4+$0x0], $0xffff  }
0x282: {  	v15 =	vld.idx.msk [tilespmem:v15+s4+$0x0], $0xffff  }
0x283: {  	v17 =	vld.idx.msk [tilespmem:v17+s4+$0x0], $0xffff  }
0x284: {  	v10 =	vld.idx.msk [tilespmem:v44+s4+$0x0], $0xffff  }
0x285: {  	v9 =	vadd.f32 v9, v2  }
0x286: {  	v16 =	vadd.f32 v16, v3;
	s1 =	rddreg [dreg:$0x5]  }
0x287: {  	v47 =	vadd.f32 v15, v4;
	s2 =	rddreg [dreg:$0xb];
	[tilespmem:s18+$0x1B900] =	vst v9;
	v11 =	vld.idx.msk [tilespmem:v45+s4+$0x0], $0xffff  }
0x288: {  	[tilespmem:s21+$0x1B900] =	vst v16;
	v13 =	vld.idx.msk [tilespmem:v46+s4+$0x0], $0xffff;
	v17 =	vadd.f32 v17, v6  }
0x289: {  	[tilespmem:s22+$0x1B900] =	vst v47;
	s1 =	sor.u32 s1, s2;
	v10 =	vadd.f32 v10, v5  }
0x28a: {  	v49 =	vld [tilespmem:s3+$0x19900];
	s16 =	sor.u32 $0x380, s1;
	[tilespmem:s15+$0x1B900] =	vst v17  }
0x28b: {  	v48 =	vld [tilespmem:s16+$0x19900];
	s18 =	rddreg [dreg:$0xe];
	[tilespmem:s5+$0x1B900] =	vst v10  }
0x28c: {  	v11 =	vadd.f32 v11, v8;
	v50 =	vld [tilespmem:s18+$0x19900];
	s20 =	rddreg [dreg:$0x12]  }
0x28d: {  	v13 =	vadd.f32 v13, v7;
	v51 =	vld [tilespmem:s20+$0x19900]  }
0x28e: {  	[tilespmem:s19+$0x1B900] =	vst v11;
	v52 =	vld [tilespmem:s9+$0x19900]  }
0x28f: {  	v53 =	vld [tilespmem:s7+$0x19900];
	[tilespmem:s25+$0x1B900] =	vst v13  }
0x290: {  	v54 =	vld [tilespmem:s6+$0x19900]  }
0x291: {  	v12 =	vld.idx.msk [tilespmem:v12+s4+$0x0], $0xffff  }
0x292: {  	v16 =	vld.idx.msk [tilespmem:v49+s4+$0x0], $0xffff  }
0x293: {  	v15 =	vld.idx.msk [tilespmem:v48+s4+$0x0], $0xffff  }
0x294: {  	v9 =	vld.idx.msk [tilespmem:v50+s4+$0x0], $0xffff  }
0x295: {  	v0 =	vadd.f32 v14, v0;
	v10 =	vld.idx.msk [tilespmem:v51+s4+$0x0], $0xffff  }
0x296: {  	v1 =	vadd.f32 v12, v1;
	v11 =	vld.idx.msk [tilespmem:v52+s4+$0x0], $0xffff  }
0x297: {  	[tilespmem:s26+$0x1B900] =	vst v0;
	v57 =	vadd.f32 v16, v2;
	v56 =	vld.idx.msk [tilespmem:v53+s4+$0x0], $0xffff  }
0x298: {  	[tilespmem:s17+$0x1B900] =	vst v1;
	v58 =	vld.idx.msk [tilespmem:v54+s4+$0x0], $0xffff;
	v55 =	vadd.f32 v15, v6  }
0x299: {  	[tilespmem:s3+$0x1B900] =	vst v57;
	v59 =	vadd.f32 v9, v3  }
0x29a: {  	[tilespmem:s16+$0x1B900] =	vst v55;
	v60 =	vadd.f32 v10, v4  }
0x29b: {  	v61 =	vadd.f32 v11, v5;
	[tilespmem:s18+$0x1B900] =	vst v59  }
0x29c: {  	v62 =	vadd.f32 v56, v8;
	[tilespmem:s20+$0x1B900] =	vst v60  }
0x29d: {  	v63 =	vadd.f32 v58, v7;
	s0 =	sld [smem:$0x7F3];
	[tilespmem:s9+$0x1B900] =	vst v61  }
0x29e: {  	s1 =	sld [smem:$0x7F7];
	[tilespmem:s7+$0x1B900] =	vst v62  }
0x29f: {  	[tilespmem:s6+$0x1B900] =	vst v63  }
0x2a0: {  	s31 =	sld [smem:$0x7F4];
	s0 =	sshll.u32 s0, $0x12  }
0x2a1: {  	s23 =	simm.s32 $0x8000;
	s0 =	sor.u32 s1, s0  }
0x2a2: {  	s24 =	simm.s32 $0x1B900;
	s21 =	rddreg [dreg:$0x3];
	s0 =	sshrl.u32 s0, $0x3  }
0x2a3: {  	s22 =	simm.s32 $0x80;
	s2 =	sadd.s32 $0x1, s31;
	s0 =	sadd.s32 s21, s0  }
0x2a4: {  	[hbm4b:s0+s22] =	stream.strided.scatter [tilespmem:s24], [sflag:$0x4], $0x400, s23, s22, $0x38;
	[tilespmem:$0x1C900] =	vst v63  }
0x2a5: {  	s26 =	simm.s32 $0x1BD00;
	p0 =	sne.s32 s2, $0x40;
	s25 =	sadd.s32 $0x80, s0  }
0x2a6: {  	[hbm4b:s25+s22] =	stream.strided.scatter [tilespmem:s26], [sflag:$0x4], $0x400, s23, s22, $0x38;
	[tilespmem:$0x1C900] =	vst v63  }
.Ltmp5:
0x2a7: {  	_ = 	snop;
	(pc) =	sbr.rel @p0 .LBB2_2-.Ltmp5, $4  }
0x2a8: {  	s29 =	simm.s32 $0x1C100;
	s28 =	sadd.s32 $0x100, s0  }
0x2a9: {  	[hbm4b:s28+s22] =	stream.strided.scatter [tilespmem:s29], [sflag:$0x4], $0x400, s23, s22, $0x38;
	[tilespmem:$0x1C900] =	vst v63  }
0x2aa: {  	s30 =	simm.s32 $0x1C500;
	s0 =	sadd.s32 $0x180, s0  }
0x2ab: {  	[hbm4b:s0+s22] =	stream.strided.scatter [tilespmem:s30], [sflag:$0x4], $0x400, s23, s22, $0x38;
	[tilespmem:$0x1C900] =	vst v63  }
0x2ac: {  	s0 =	sld [smem:$0x7FB]  }
0x2ad: {  	s5 =	simm.s32 $0x0  }
0x2ae: {  	s1 =	simm.s32 $0x80;
	s2 =	simm.s32 $0x400;
	s26 =	sld [smem:$0x7FC]  }
0x2af: {  	[tilespmem:s5], [sflag:$0x5] =	stream.strided.gather [hbm4b:s0+s1], $0x18700, s2, s1, $0x38;
	[tilespmem:$0x1C900] =	vst v63  }
0x2b0: {  	s3 =	simm.s32 $0x18700;
	s28 =	simm.s32 $0x3  }
0x2b1: {  	[tilespmem:s3], [sflag:$0x5] =	stream.strided.gather [hbm4b:s26+s1], $0x200, s2, s1, $0x38;
	[tilespmem:$0x1C900] =	vst v63  }
0x2b2: {  	_ =	swait.ge [sflag:s28], $0x1000  }
0x2b3: {  	[sflag:s28] =	ssyncset.done $0x0  }
0x2b4: {  	s29 =	simm.s32 $0x4;
	[sflag:s28] =	ssyncadd.s32 $0xFFFFF000  }
0x2b5: {  	_ =	swait.ge [sflag:s29], $0x1000  }
0x2b6: {  	[sflag:s29] =	ssyncset.done $0x0  }
0x2b7: {  	[sflag:s29] =	ssyncadd.s32 $0xFFFFF000  }
0x2b8: {  	s30 =	simm.s32 $0x18900;
	s31 =	simm.s32 $0x5;
	s0 =	rddreg [dreg:$0x0]  }
0x2b9: {  	[tilespmem:s30], [sflag:$0x1] =	stream.linear.gather [hbm4b:s0+s5], $0x1000, $0x38;
	[tilespmem:$0x1C900] =	vst v63  }
0x2ba: {  	_ =	swait.ge [sflag:s31], $0x18700  }
0x2bb: {  	[sflag:s31] =	ssyncset.done $0x0  }
0x2bc: {  	[sflag:s31] =	ssyncadd.s32 $0xFFFE7900  }
0x2bd: {  	_ =	swait.ge [sflag:s31], $0x200  }
0x2be: {  	[sflag:s31] =	ssyncset.done $0x0  }
0x2bf: {  	s2 =	simm.s32 $0x0;
	[sflag:s31] =	ssyncadd.s32 $0xFFFFFE00  }
.LBB2_12:
0x2c0: {  	s0 =	sshllo.u32 s2, $0x1;
	s1 =	rddreg [dreg:$0x0]  }
0x2c1: {  	[smem:$0x7EE] =	sst s0;
	s0 =	sshll.u32 s0, $0x9  }
0x2c2: {  	s10 =	simm.s32 $0x19900;
	s11 =	simm.s32 $0x1;
	s0 =	sadd.s32 s1, s0  }
0x2c3: {  	[tilespmem:s10], [sflag:$0x2] =	stream.linear.gather [hbm4b:s0+s4], $0x1000, $0x38;
	[tilespmem:$0x1C900] =	vst v63  }
0x2c4: {  	_ =	swait.ge [sflag:s11], $0x1000  }
0x2c5: {  	p0 =	seq.s32 s2, $0x0;
	[sflag:s11] =	ssyncset.done $0x0  }
0x2c6: {  	s0 =	simm.s32 @!p0 $0x3;
	[smem:$0x7EF] =	sst s2;
	[sflag:s11] =	ssyncadd.s32 $0xFFFFF000  }
0x2c7: {  	s20 =	simm.s32 $0x0;
	_ =	swait.ge @!p0 [sflag:s0], $0x1000  }
0x2c8: {  	s12 =	sand.u32 $0x40, s20;
	s13 =	sand.u32 $0xC00, s20;
	[sflag:s0] =	ssyncset.done @!p0 $0x0  }
0x2c9: {  	s3 =	sor.u32 s12, s13;
	s6 =	sor.u32 $0x10, s12;
	[sflag:s0] =	ssyncadd.s32 @!p0 $0xFFFFF000  }
0x2ca: {  	s7 =	sor.u32 $0x20, s12;
	s14 =	sor.u32 s13, s6;
	v0 =	vld [tilespmem:s3+$0x18900]  }
0x2cb: {  	s8 =	sor.u32 $0x30, s12;
	s5 =	sor.u32 s13, s7;
	v1 =	vld [tilespmem:s14+$0x18900]  }
0x2cc: {  	s1 =	sor.u32 s13, s8;
	v2 =	vld [tilespmem:s5+$0x18900]  }
0x2cd: {  	s9 =	simm.s32 $0x18700;
	v3 =	vld [tilespmem:s1+$0x18900]  }
0x2ce: {  	v10 =	vld [tilespmem:s9+$0x0]  }
0x2cf: {  	v4 =	vld [tilespmem:s3+$0x18980]  }
0x2d0: {  	v6 =	vld [tilespmem:s3+$0x18A00]  }
0x2d1: {  	s16 =	sand.u32 $0x180, s20;
	v7 =	vld [tilespmem:s14+$0x18980]  }
0x2d2: {  	s9 =	sadd.s32 $0x18700, s16;
	v0 =	vld.idx.msk [tilespmem:v0+s4+$0x0], $0xffff  }
0x2d3: {  	v8 =	vld [tilespmem:s5+$0x18980];
	s6 =	sor.u32 s6, s9  }
0x2d4: {  	v9 =	vld [tilespmem:s6+$0x0]  }
0x2d5: {  	v5 =	vld.idx.msk [tilespmem:v1+s4+$0x0], $0xffff  }
0x2d6: {  	v2 =	vld.idx.msk [tilespmem:v2+s4+$0x0], $0xffff  }
0x2d7: {  	s17 =	sor.u32 s7, s9;
	v3 =	vld.idx.msk [tilespmem:v3+s4+$0x0], $0xffff;
	v1 =	vadd.f32 v0, v10  }
0x2d8: {  	s18 =	sor.u32 s8, s9;
	v0 =	vld [tilespmem:s17+$0x0]  }
0x2d9: {  	[tilespmem:s3+$0x1A900] =	vst v1;
	v1 =	vld [tilespmem:s18+$0x0]  }
0x2da: {  	v4 =	vld.idx.msk [tilespmem:v4+s4+$0x0], $0xffff  }
0x2db: {  	v11 =	vld [tilespmem:s1+$0x18980]  }
0x2dc: {  	v5 =	vadd.f32 v5, v9  }
0x2dd: {  	v12 =	vld [tilespmem:s14+$0x18A00];
	v2 =	vadd.f32 v2, v0  }
0x2de: {  	v13 =	vld [tilespmem:s5+$0x18A00];
	[tilespmem:s14+$0x1A900] =	vst v5;
	v3 =	vadd.f32 v3, v1  }
0x2df: {  	v5 =	vld.idx.msk [tilespmem:v7+s4+$0x0], $0xffff;
	[tilespmem:s5+$0x1A900] =	vst v2;
	v4 =	vadd.f32 v4, v10  }
0x2e0: {  	v2 =	vld [tilespmem:s1+$0x18A00];
	[tilespmem:s1+$0x1A900] =	vst v3  }
0x2e1: {  	v3 =	vld.idx.msk [tilespmem:v8+s4+$0x0], $0xffff;
	[tilespmem:s3+$0x1A980] =	vst v4  }
0x2e2: {  	v4 =	vld.idx.msk [tilespmem:v6+s4+$0x0], $0xffff  }
0x2e3: {  	v6 =	vld.idx.msk [tilespmem:v11+s4+$0x0], $0xffff;
	_ =	sdelay $0x1  }
0x2e4: {  	v7 =	vld [tilespmem:s14+$0x18A80];
	v5 =	vadd.f32 v5, v9  }
0x2e5: {  	v8 =	vld [tilespmem:s5+$0x18A80];
	v3 =	vadd.f32 v3, v0  }
0x2e6: {  	[tilespmem:s14+$0x1A980] =	vst v5;
	v5 =	vld [tilespmem:s1+$0x18A80];
	v4 =	vadd.f32 v4, v10  }
0x2e7: {  	s2 =	sor.u32 s13, s20;
	v11 =	vld.idx.msk [tilespmem:v12+s4+$0x0], $0xffff;
	v6 =	vadd.f32 v6, v1;
	[tilespmem:s5+$0x1A980] =	vst v3  }
0x2e8: {  	s2 =	sor.u32 $0x180, s2;
	v3 =	vld.idx.msk [tilespmem:v13+s4+$0x0], $0xffff;
	[tilespmem:s3+$0x1AA00] =	vst v4  }
0x2e9: {  	[tilespmem:s1+$0x1A980] =	vst v6;
	v4 =	vld [tilespmem:s2+$0x18900]  }
0x2ea: {  	v2 =	vld.idx.msk [tilespmem:v2+s4+$0x0], $0xffff;
	_ =	sdelay $0x1  }
0x2eb: {  	v6 =	vadd.f32 v11, v9  }
0x2ec: {  	v3 =	vadd.f32 v3, v0  }
0x2ed: {  	[tilespmem:s14+$0x1AA00] =	vst v6  }
0x2ee: {  	v6 =	vld.idx.msk [tilespmem:v7+s4+$0x0], $0xffff;
	v2 =	vadd.f32 v2, v1;
	[tilespmem:s5+$0x1AA00] =	vst v3  }
0x2ef: {  	v3 =	vld.idx.msk [tilespmem:v8+s4+$0x0], $0xffff  }
0x2f0: {  	[tilespmem:s1+$0x1AA00] =	vst v2;
	v4 =	vld.idx.msk [tilespmem:v4+s4+$0x0], $0xffff  }
0x2f1: {  	p1 =	por $0x0, $0x0;
	s3 =	simm.s32 $0x1;
	v2 =	vld.idx.msk [tilespmem:v5+s4+$0x0], $0xffff  }
0x2f2: {  	s3 =	simm.s32 @!p1 $0x0  }
0x2f3: {  	s3 =	sshll.u32 s3, $0x6;
	v5 =	vadd.f32 v6, v9  }
0x2f4: {  	s11 =	sadd.s32 $0x0, s3;
	v3 =	vadd.f32 v3, v0  }
0x2f5: {  	s9 =	sadd.s32 $0x10, s11;
	[tilespmem:s14+$0x1AA80] =	vst v5;
	v4 =	vadd.f32 v4, v10  }
0x2f6: {  	s10 =	sor.u32 $0x200, s9;
	v2 =	vadd.f32 v2, v1;
	[tilespmem:s5+$0x1AA80] =	vst v3  }
0x2f7: {  	s15 =	sor.u32 $0x200, s11;
	s0 =	sadd.s32 $0x20, s11;
	s3 =	sadd.s32 $0x30, s11;
	v5 =	vld [tilespmem:s10+$0x18900];
	[tilespmem:s2+$0x1A900] =	vst v4  }
0x2f8: {  	s14 =	simm.s32 $0x40;
	s2 =	sor.u32 $0x200, s0;
	[tilespmem:s1+$0x1AA80] =	vst v2;
	s1 =	simm.s32 $0x200;
	v4 =	vld [tilespmem:s15+$0x18900]  }
0x2f9: {  	s7 =	sor.u32 $0x200, s3;
	s19 =	sand.u32 $0x40, s14;
	v3 =	vld [tilespmem:s2+$0x18900];
	s12 =	sand.u32 $0xC00, s1  }
0x2fa: {  	s17 =	sor.u32 $0x20, s19;
	v2 =	vld [tilespmem:s7+$0x18900];
	s13 =	sor.u32 s19, s12  }
0x2fb: {  	s18 =	sor.u32 $0x30, s19;
	s8 =	sor.u32 s12, s17;
	v6 =	vld [tilespmem:s13+$0x18900]  }
0x2fc: {  	s5 =	sor.u32 s12, s18;
	v12 =	vld [tilespmem:s8+$0x18900]  }
0x2fd: {  	s16 =	sor.u32 $0x10, s19;
	s19 =	simm.s32 $0x18740;
	v13 =	vld [tilespmem:s5+$0x18900]  }
0x2fe: {  	s6 =	sor.u32 s12, s16;
	v11 =	vld [tilespmem:s19+$0x0]  }
0x2ff: {  	v16 =	vld [tilespmem:s6+$0x18980]  }
0x300: {  	v4 =	vld.idx.msk [tilespmem:v4+s4+$0x0], $0xffff  }
0x301: {  	v17 =	vld [tilespmem:s13+$0x18A00]  }
0x302: {  	v7 =	vld.idx.msk [tilespmem:v3+s4+$0x0], $0xffff  }
0x303: {  	v8 =	vld.idx.msk [tilespmem:v2+s4+$0x0], $0xffff  }
0x304: {  	v3 =	vld [tilespmem:s6+$0x18900]  }
0x305: {  	v2 =	vadd.f32 v4, v10;
	v4 =	vld.idx.msk [tilespmem:v6+s4+$0x0], $0xffff  }
0x306: {  	v6 =	vld [tilespmem:s13+$0x18980]  }
0x307: {  	v18 =	vld [tilespmem:s8+$0x18980]  }
0x308: {  	s21 =	sand.u32 $0x180, s14;
	v19 =	vld [tilespmem:s5+$0x18980]  }
0x309: {  	s22 =	sor.u32 $0x280, s11;
	s19 =	sadd.s32 $0x18700, s21;
	v12 =	vld.idx.msk [tilespmem:v12+s4+$0x0], $0xffff;
	[tilespmem:s15+$0x1A900] =	vst v2  }
0x30a: {  	s16 =	sor.u32 s16, s19;
	v14 =	vld [tilespmem:s22+$0x18900]  }
0x30b: {  	v2 =	vld [tilespmem:s16+$0x0];
	v4 =	vadd.f32 v4, v11  }
0x30c: {  	s23 =	sor.u32 s17, s19;
	v15 =	vld.idx.msk [tilespmem:v3+s4+$0x0], $0xffff  }
0x30d: {  	v3 =	vld [tilespmem:s23+$0x0];
	[tilespmem:s13+$0x1A900] =	vst v4  }
0x30e: {  	v6 =	vld.idx.msk [tilespmem:v6+s4+$0x0], $0xffff  }
0x30f: {  	v20 =	vld [tilespmem:s6+$0x18A00]  }
0x310: {  	s24 =	sor.u32 s18, s19;
	v13 =	vld.idx.msk [tilespmem:v13+s4+$0x0], $0xffff  }
0x311: {  	v4 =	vld [tilespmem:s24+$0x0];
	v15 =	vadd.f32 v15, v2  }
0x312: {  	v12 =	vadd.f32 v12, v3;
	v14 =	vld.idx.msk [tilespmem:v14+s4+$0x0], $0xffff  }
0x313: {  	v21 =	vld [tilespmem:s5+$0x18A80];
	[tilespmem:s6+$0x1A900] =	vst v15;
	v6 =	vadd.f32 v6, v11  }
0x314: {  	v15 =	vld [tilespmem:s8+$0x18A00];
	[tilespmem:s8+$0x1A900] =	vst v12  }
0x315: {  	v12 =	vld [tilespmem:s5+$0x18A00];
	[tilespmem:s13+$0x1A980] =	vst v6  }
0x316: {  	v6 =	vadd.f32 v13, v4;
	v13 =	vld.idx.msk [tilespmem:v17+s4+$0x0], $0xffff  }
0x317: {  	v16 =	vld.idx.msk [tilespmem:v16+s4+$0x0], $0xffff;
	v14 =	vadd.f32 v14, v10  }
0x318: {  	[tilespmem:s5+$0x1A900] =	vst v6;
	v6 =	vld.idx.msk [tilespmem:v18+s4+$0x0], $0xffff  }
0x319: {  	[tilespmem:s22+$0x1A900] =	vst v14;
	v14 =	vld.idx.msk [tilespmem:v19+s4+$0x0], $0xffff  }
0x31a: {  	s11 =	sor.u32 $0x300, s11;
	v5 =	vld.idx.msk [tilespmem:v5+s4+$0x0], $0xffff  }
0x31b: {  	v17 =	vld [tilespmem:s11+$0x18900];
	v13 =	vadd.f32 v13, v11  }
0x31c: {  	s12 =	sor.u32 s12, s14;
	v16 =	vadd.f32 v16, v2;
	v18 =	vld [tilespmem:s6+$0x18A80]  }
0x31d: {  	s12 =	sor.u32 $0x180, s12;
	v19 =	vld [tilespmem:s8+$0x18A80];
	v6 =	vadd.f32 v6, v3;
	[tilespmem:s13+$0x1AA00] =	vst v13  }
0x31e: {  	[tilespmem:s6+$0x1A980] =	vst v16;
	v14 =	vadd.f32 v14, v4;
	v13 =	vld [tilespmem:s12+$0x18900]  }
0x31f: {  	v5 =	vadd.f32 v5, v9;
	v16 =	vld.idx.msk [tilespmem:v20+s4+$0x0], $0xffff;
	[tilespmem:s8+$0x1A980] =	vst v6  }
0x320: {  	v6 =	vld.idx.msk [tilespmem:v15+s4+$0x0], $0xffff;
	[tilespmem:s5+$0x1A980] =	vst v14  }
0x321: {  	s25 =	sor.u32 $0x280, s9;
	[tilespmem:s10+$0x1A900] =	vst v5;
	v7 =	vadd.f32 v7, v0;
	v5 =	vld.idx.msk [tilespmem:v12+s4+$0x0], $0xffff  }
0x322: {  	v8 =	vadd.f32 v8, v1;
	v12 =	vld [tilespmem:s25+$0x18900]  }
0x323: {  	s26 =	sor.u32 $0x280, s0;
	[tilespmem:s2+$0x1A900] =	vst v7;
	v7 =	vld.idx.msk [tilespmem:v17+s4+$0x0], $0xffff  }
0x324: {  	s21 =	sor.u32 $0x280, s3;
	[tilespmem:s7+$0x1A900] =	vst v8;
	v8 =	vadd.f32 v16, v2;
	v14 =	vld [tilespmem:s26+$0x18900]  }
0x325: {  	v15 =	vld [tilespmem:s21+$0x18900];
	v6 =	vadd.f32 v6, v3  }
0x326: {  	[tilespmem:s6+$0x1AA00] =	vst v8;
	v5 =	vadd.f32 v5, v4;
	v8 =	vld.idx.msk [tilespmem:v13+s4+$0x0], $0xffff  }
0x327: {  	v13 =	vld.idx.msk [tilespmem:v18+s4+$0x0], $0xffff;
	[tilespmem:s8+$0x1AA00] =	vst v6  }
0x328: {  	v6 =	vadd.f32 v7, v10;
	v7 =	vld.idx.msk [tilespmem:v19+s4+$0x0], $0xffff;
	[tilespmem:s5+$0x1AA00] =	vst v5  }
0x329: {  	p1 =	por !p1, !p1;
	s7 =	simm.s32 $0x1;
	s22 =	sor.u32 s20, s20;
	v5 =	vld.idx.msk [tilespmem:v21+s4+$0x0], $0xffff  }
0x32a: {  	s7 =	simm.s32 @!p1 $0x0;
	s16 =	sor.u32 $0x380, s22;
	[tilespmem:s11+$0x1A900] =	vst v6;
	v6 =	vld.idx.msk [tilespmem:v12+s4+$0x0], $0xffff  }
0x32b: {  	s23 =	sshll.u32 s7, $0x6;
	v12 =	vld [tilespmem:s16+$0x18900];
	v8 =	vadd.f32 v8, v11  }
0x32c: {  	s20 =	sadd.s32 $0x200, s23;
	v14 =	vld.idx.msk [tilespmem:v14+s4+$0x0], $0xffff;
	v13 =	vadd.f32 v13, v2  }
0x32d: {  	s2 =	sadd.s32 $0x10, s20;
	v15 =	vld.idx.msk [tilespmem:v15+s4+$0x0], $0xffff;
	s11 =	sor.u32 $0x200, s20;
	v7 =	vadd.f32 v7, v3;
	[tilespmem:s12+$0x1A900] =	vst v8  }
0x32e: {  	s19 =	sor.u32 $0x200, s2;
	[tilespmem:s6+$0x1AA80] =	vst v13;
	s6 =	sadd.s32 $0x20, s20;
	v5 =	vadd.f32 v5, v4;
	v8 =	vld [tilespmem:s11+$0x18900]  }
0x32f: {  	s7 =	sadd.s32 $0x30, s20;
	v6 =	vadd.f32 v6, v9;
	s18 =	sor.u32 $0x200, s6;
	v16 =	vld [tilespmem:s19+$0x18900];
	[tilespmem:s8+$0x1AA80] =	vst v7  }
0x330: {  	s17 =	sor.u32 $0x200, s7;
	v7 =	vld [tilespmem:s18+$0x18900];
	[tilespmem:s5+$0x1AA80] =	vst v5  }
0x331: {  	s13 =	sor.u32 $0x300, s9;
	[tilespmem:s25+$0x1A900] =	vst v6;
	v5 =	vadd.f32 v14, v0;
	v6 =	vld [tilespmem:s17+$0x18900]  }
0x332: {  	v14 =	vadd.f32 v15, v1;
	v15 =	vld [tilespmem:s13+$0x18900]  }
0x333: {  	s8 =	sor.u32 $0x300, s0;
	v13 =	vld.idx.msk [tilespmem:v12+s4+$0x0], $0xffff;
	[tilespmem:s26+$0x1A900] =	vst v5  }
0x334: {  	s5 =	sor.u32 $0x300, s3;
	[tilespmem:s21+$0x1A900] =	vst v14;
	v12 =	vld [tilespmem:s8+$0x18900]  }
0x335: {  	v14 =	vld [tilespmem:s5+$0x18900]  }
0x336: {  	v5 =	vld.idx.msk [tilespmem:v8+s4+$0x0], $0xffff  }
0x337: {  	v16 =	vld.idx.msk [tilespmem:v16+s4+$0x0], $0xffff  }
0x338: {  	v17 =	vld.idx.msk [tilespmem:v7+s4+$0x0], $0xffff  }
0x339: {  	s23 =	simm.s32 $0x400;
	s22 =	simm.s32 $0x400;
	s26 =	simm.s32 $0x80;
	v18 =	vld.idx.msk [tilespmem:v6+s4+$0x0], $0xffff  }
0x33a: {  	s10 =	sand.u32 $0x40, s26;
	v15 =	vld.idx.msk [tilespmem:v15+s4+$0x0], $0xffff;
	[dreg:$0x8] =	wrdreg s23;
	s23 =	sand.u32 $0xC00, s22  }
0x33b: {  	s24 =	sand.u32 $0x180, s26;
	s25 =	sor.u32 $0x10, s10;
	s22 =	sor.u32 s10, s23  }
0x33c: {  	s12 =	sadd.s32 $0x18700, s24;
	s21 =	sor.u32 $0x20, s10;
	s15 =	sor.u32 s23, s25;
	v19 =	vld [tilespmem:s22+$0x18900]  }
0x33d: {  	s24 =	sor.u32 s25, s12;
	s25 =	sor.u32 $0x30, s10;
	s10 =	sor.u32 s23, s21;
	v48 =	vld [tilespmem:s15+$0x18900]  }
0x33e: {  	v22 =	vld [tilespmem:s10+$0x18900]  }
0x33f: {  	v24 =	vld [tilespmem:s22+$0x18980]  }
0x340: {  	v12 =	vld.idx.msk [tilespmem:v12+s4+$0x0], $0xffff  }
0x341: {  	v6 =	vadd.f32 v5, v11;
	v5 =	vld [tilespmem:s24+$0x0];
	s24 =	sor.u32 s21, s12  }
0x342: {  	s12 =	sor.u32 s25, s12;
	v8 =	vld [tilespmem:s24+$0x0]  }
0x343: {  	s24 =	sor.u32 $0x280, s20;
	v7 =	vld [tilespmem:s12+$0x0];
	[tilespmem:s11+$0x1A900] =	vst v6  }
0x344: {  	s12 =	simm.s32 $0x18780;
	v47 =	vld [tilespmem:s24+$0x18900]  }
0x345: {  	v6 =	vld [tilespmem:s12+$0x0]  }
0x346: {  	v19 =	vld.idx.msk [tilespmem:v19+s4+$0x0], $0xffff  }
0x347: {  	v14 =	vld.idx.msk [tilespmem:v14+s4+$0x0], $0xffff  }
0x348: {  	v25 =	vld [tilespmem:s22+$0x18A00];
	s11 =	sor.u32 s23, s25  }
0x349: {  	v23 =	vld [tilespmem:s11+$0x18900]  }
0x34a: {  	v26 =	vld [tilespmem:s10+$0x18980]  }
0x34b: {  	v21 =	vld.idx.msk [tilespmem:v48+s4+$0x0], $0xffff;
	v19 =	vadd.f32 v19, v6  }
0x34c: {  	v20 =	vld.idx.msk [tilespmem:v47+s4+$0x0], $0xffff  }
0x34d: {  	[tilespmem:s22+$0x1A900] =	vst v19;
	v19 =	vld [tilespmem:s15+$0x18980]  }
0x34e: {  	v27 =	vld [tilespmem:s11+$0x18980]  }
0x34f: {  	v24 =	vld.idx.msk [tilespmem:v24+s4+$0x0], $0xffff  }
0x350: {  	v22 =	vld.idx.msk [tilespmem:v22+s4+$0x0], $0xffff  }
0x351: {  	v23 =	vld.idx.msk [tilespmem:v23+s4+$0x0], $0xffff;
	v20 =	vadd.f32 v20, v11  }
0x352: {  	v28 =	vld [tilespmem:s15+$0x18A00];
	v21 =	vadd.f32 v21, v5  }
0x353: {  	v50 =	vld [tilespmem:s10+$0x18A00];
	s20 =	sor.u32 $0x300, s20;
	[tilespmem:s24+$0x1A900] =	vst v20  }
0x354: {  	[tilespmem:s15+$0x1A900] =	vst v21;
	v20 =	vld [tilespmem:s20+$0x18900];
	v49 =	vadd.f32 v24, v6  }
0x355: {  	v22 =	vadd.f32 v22, v8;
	v19 =	vld.idx.msk [tilespmem:v19+s4+$0x0], $0xffff  }
0x356: {  	v52 =	vld [tilespmem:s15+$0x18A80];
	v23 =	vadd.f32 v23, v7;
	[tilespmem:s22+$0x1A980] =	vst v49  }
0x357: {  	[tilespmem:s10+$0x1A900] =	vst v22;
	v25 =	vld.idx.msk [tilespmem:v25+s4+$0x0], $0xffff  }
0x358: {  	v22 =	vld.idx.msk [tilespmem:v26+s4+$0x0], $0xffff;
	[tilespmem:s11+$0x1A900] =	vst v23  }
0x359: {  	v16 =	vadd.f32 v16, v2;
	v23 =	vld.idx.msk [tilespmem:v27+s4+$0x0], $0xffff  }
0x35a: {  	v51 =	vld [tilespmem:s11+$0x18A00];
	v19 =	vadd.f32 v19, v5  }
0x35b: {  	v53 =	vld [tilespmem:s10+$0x18A80];
	[tilespmem:s19+$0x1A900] =	vst v16  }
0x35c: {  	s25 =	simm.s32 $0x80;
	v20 =	vld.idx.msk [tilespmem:v20+s4+$0x0], $0xffff;
	v25 =	vadd.f32 v25, v6;
	[tilespmem:s15+$0x1A980] =	vst v19  }
0x35d: {  	v22 =	vadd.f32 v22, v8;
	v19 =	vld [tilespmem:s11+$0x18A80];
	[dreg:$0xa] =	wrdreg s25  }
0x35e: {  	s26 =	sor.u32 s23, s26;
	s21 =	sor.u32 $0x280, s2;
	v23 =	vadd.f32 v23, v7;
	v16 =	vld.idx.msk [tilespmem:v28+s4+$0x0], $0xffff;
	[tilespmem:s22+$0x1AA00] =	vst v25  }
0x35f: {  	v17 =	vadd.f32 v17, v3;
	s22 =	sor.u32 $0x180, s26;
	v54 =	vld [tilespmem:s21+$0x18900];
	[tilespmem:s10+$0x1A980] =	vst v22  }
0x360: {  	v18 =	vadd.f32 v18, v4;
	[tilespmem:s11+$0x1A980] =	vst v23;
	v55 =	vld [tilespmem:s22+$0x18900]  }
0x361: {  	v15 =	vadd.f32 v15, v9;
	[tilespmem:s18+$0x1A900] =	vst v17;
	v57 =	vld.idx.msk [tilespmem:v50+s4+$0x0], $0xffff  }
0x362: {  	s23 =	sor.u32 $0x280, s6;
	v12 =	vadd.f32 v12, v0;
	[tilespmem:s17+$0x1A900] =	vst v18;
	v17 =	vld.idx.msk [tilespmem:v51+s4+$0x0], $0xffff  }
0x363: {  	v14 =	vadd.f32 v14, v1;
	s25 =	sor.u32 $0x280, s7;
	[tilespmem:s13+$0x1A900] =	vst v15;
	v18 =	vld [tilespmem:s23+$0x18900]  }
0x364: {  	s0 =	sor.u32 $0x380, s0;
	[tilespmem:s8+$0x1A900] =	vst v12;
	v20 =	vadd.f32 v20, v11;
	v15 =	vld [tilespmem:s25+$0x18900]  }
0x365: {  	s1 =	sor.u32 s1, s14;
	s3 =	sor.u32 $0x380, s3;
	[tilespmem:s5+$0x1A900] =	vst v14;
	v60 =	vld [tilespmem:s0+$0x18900]  }
0x366: {  	s19 =	sor.u32 $0x380, s1;
	v12 =	vld [tilespmem:s3+$0x18900];
	[tilespmem:s20+$0x1A900] =	vst v20;
	v16 =	vadd.f32 v16, v5  }
0x367: {  	s17 =	sor.u32 $0x380, s9;
	v56 =	vld [tilespmem:s19+$0x18900]  }
0x368: {  	[tilespmem:s15+$0x1AA00] =	vst v16;
	v16 =	vld [tilespmem:s17+$0x18900]  }
0x369: {  	v17 =	vadd.f32 v17, v7;
	v58 =	vld.idx.msk [tilespmem:v52+s4+$0x0], $0xffff  }
0x36a: {  	v23 =	vadd.f32 v57, v8;
	v20 =	vld.idx.msk [tilespmem:v55+s4+$0x0], $0xffff  }
0x36b: {  	v59 =	vld.idx.msk [tilespmem:v54+s4+$0x0], $0xffff;
	[tilespmem:s11+$0x1AA00] =	vst v17  }
0x36c: {  	[tilespmem:s10+$0x1AA00] =	vst v23;
	v19 =	vld.idx.msk [tilespmem:v19+s4+$0x0], $0xffff  }
0x36d: {  	p1 =	por !p1, !p1;
	s1 =	simm.s32 $0x1;
	v17 =	vld.idx.msk [tilespmem:v53+s4+$0x0], $0xffff  }
0x36e: {  	s1 =	simm.s32 @!p1 $0x0;
	v18 =	vld.idx.msk [tilespmem:v18+s4+$0x0], $0xffff  }
0x36f: {  	s1 =	sshll.u32 s1, $0x6;
	v15 =	vld.idx.msk [tilespmem:v15+s4+$0x0], $0xffff;
	v14 =	vadd.f32 v20, v6  }
0x370: {  	s1 =	sadd.s32 $0x400, s1;
	v22 =	vld.idx.msk [tilespmem:v56+s4+$0x0], $0xffff;
	v21 =	vadd.f32 v58, v5  }
0x371: {  	s13 =	sor.u32 $0x200, s1;
	s8 =	sadd.s32 $0x10, s1;
	v61 =	vld.idx.msk [tilespmem:v16+s4+$0x0], $0xffff;
	v16 =	vadd.f32 v19, v7;
	v19 =	vadd.f32 v59, v2;
	[tilespmem:s22+$0x1A900] =	vst v14  }
0x372: {  	s5 =	sor.u32 $0x200, s8;
	[tilespmem:s15+$0x1AA80] =	vst v21;
	v14 =	vadd.f32 v17, v8;
	v17 =	vld [tilespmem:s13+$0x18900]  }
0x373: {  	s14 =	sor.u32 $0x300, s2;
	s26 =	sadd.s32 $0x20, s1;
	v21 =	vld [tilespmem:s5+$0x18900];
	[tilespmem:s21+$0x1A900] =	vst v19  }
0x374: {  	s29 =	sadd.s32 $0x30, s1;
	s20 =	sor.u32 $0x200, s26;
	[tilespmem:s10+$0x1AA80] =	vst v14;
	v14 =	vadd.f32 v18, v3;
	v62 =	vld [tilespmem:s14+$0x18900]  }
0x375: {  	v15 =	vadd.f32 v15, v4;
	[tilespmem:s11+$0x1AA80] =	vst v16;
	s10 =	sor.u32 $0x200, s29;
	v18 =	vld [tilespmem:s20+$0x18900]  }
0x376: {  	s15 =	sor.u32 $0x300, s6;
	v19 =	vld [tilespmem:s10+$0x18900];
	[tilespmem:s23+$0x1A900] =	vst v14  }
0x377: {  	s18 =	sor.u32 $0x300, s7;
	[tilespmem:s25+$0x1A900] =	vst v15;
	v16 =	vld [tilespmem:s15+$0x18900]  }
0x378: {  	s30 =	simm.s32 $0x600;
	s31 =	simm.s32 $0xC0;
	s24 =	sor.u32 $0x380, s6;
	v15 =	vld [tilespmem:s18+$0x18900]  }
0x379: {  	s28 =	sor.u32 $0x280, s26;
	s25 =	sor.u32 $0x280, s8;
	v14 =	vld.idx.msk [tilespmem:v60+s4+$0x0], $0xffff;
	[dreg:$0xf] =	wrdreg s24  }
0x37a: {  	s6 =	sor.u32 $0x280, s29;
	s22 =	smov.u32 s15;
	v9 =	vadd.f32 v61, v9;
	v17 =	vld.idx.msk [tilespmem:v17+s4+$0x0], $0xffff;
	[dreg:$0x1d] =	wrdreg s25  }
0x37b: {  	v10 =	vadd.f32 v13, v10;
	s21 =	smov.u32 s14;
	s11 =	sor.u32 $0x380, s2;
	s14 =	sor.u32 $0x380, s8;
	v13 =	vld.idx.msk [tilespmem:v21+s4+$0x0], $0xffff  }
0x37c: {  	v63 =	vadd.f32 v22, v11;
	s23 =	smov.u32 s18;
	s18 =	sor.u32 $0x380, s7;
	s15 =	sor.u32 $0x300, s8;
	[tilespmem:s17+$0x1A900] =	vst v9;
	v9 =	vld.idx.msk [tilespmem:v62+s4+$0x0], $0xffff  }
0x37d: {  	s8 =	sor.u32 $0x300, s29;
	s24 =	sor.u32 $0x380, s29;
	s29 =	simm.s32 $0x8;
	[tilespmem:s16+$0x1A900] =	vst v10;
	v11 =	vld.idx.msk [tilespmem:v18+s4+$0x0], $0xffff  }
0x37e: {  	s25 =	sor.u32 $0x300, s26;
	s26 =	sor.u32 $0x380, s26;
	[tilespmem:s19+$0x1A900] =	vst v63;
	s19 =	smov.u32 s0;
	v10 =	vld.idx.msk [tilespmem:v19+s4+$0x0], $0xffff  }
.LBB2_13:
0x37f: {  	[dreg:$0x18] =	wrdreg s11;
	s2 =	sand.u32 $0x40, s31;
	s11 =	sand.u32 $0xC00, s30;
	v16 =	vld.idx.msk [tilespmem:v16+s4+$0x0], $0xffff;
	v14 =	vadd.f32 v14, v0  }
0x380: {  	[smem:$0x7ED] =	sst s6;
	s17 =	sor.u32 s2, s11;
	v0 =	vmov v3;
	v3 =	vmov v8;
	v8 =	vadd.f32 v17, v6;
	v15 =	vld.idx.msk [tilespmem:v15+s4+$0x0], $0xffff  }
0x381: {  	[dreg:$0x14] =	wrdreg s14;
	v17 =	vld [tilespmem:s17+$0x18900];
	v13 =	vadd.f32 v13, v5;
	[tilespmem:s19+$0x1A900] =	vst v14  }
0x382: {  	s16 =	sand.u32 $0x180, s31;
	s9 =	sor.u32 $0x10, s2;
	[tilespmem:s13+$0x1A900] =	vst v8;
	s13 =	sor.u32 $0x280, s1;
	v8 =	vadd.f32 v11, v3;
	v11 =	vld.idx.msk [tilespmem:v12+s4+$0x0], $0xffff  }
0x383: {  	s6 =	smov.u32 s12;
	s14 =	sor.u32 $0x20, s2;
	v10 =	vadd.f32 v10, v7;
	s19 =	sor.u32 s11, s9;
	[tilespmem:s5+$0x1A900] =	vst v13;
	v12 =	vld [tilespmem:s13+$0x18900]  }
0x384: {  	s0 =	sor.u32 $0x30, s2;
	s7 =	sor.u32 s11, s14;
	s5 =	rddreg [dreg:$0xf];
	v13 =	vld [tilespmem:s19+$0x18900];
	[tilespmem:s20+$0x1A900] =	vst v8;
	v8 =	vadd.f32 v9, v2  }
0x385: {  	s16 =	sadd.s32 $0x18700, s16;
	s2 =	sor.u32 s11, s0;
	[tilespmem:s10+$0x1A900] =	vst v10;
	s12 =	smov.u32 s5;
	v14 =	vld [tilespmem:s7+$0x18900]  }
0x386: {  	s5 =	sor.u32 s9, s16;
	[dreg:$0x1c] =	wrdreg s12;
	s12 =	smov.u32 s26;
	v10 =	vadd.f32 v16, v0;
	v16 =	vld [tilespmem:s2+$0x18900];
	[tilespmem:s21+$0x1A900] =	vst v8  }
0x387: {  	[dreg:$0xf] =	wrdreg s12;
	s12 =	sadd.s32 $0x40, s6;
	v9 =	vld [tilespmem:s5+$0x0]  }
0x388: {  	v8 =	vadd.f32 v15, v4;
	[tilespmem:s22+$0x1A900] =	vst v10;
	v10 =	vld [tilespmem:s12+$0x0]  }
0x389: {  	v18 =	vld [tilespmem:s19+$0x18A00]  }
0x38a: {  	[tilespmem:s23+$0x1A900] =	vst v8;
	v8 =	vadd.f32 v11, v1;
	v1 =	vmov v4;
	v4 =	vmov v7;
	v7 =	vld.idx.msk [tilespmem:v17+s4+$0x0], $0xffff  }
0x38b: {  	s9 =	sor.u32 s14, s16;
	v11 =	vld [tilespmem:s17+$0x18980]  }
0x38c: {  	[tilespmem:s3+$0x1A900] =	vst v8;
	v8 =	vld [tilespmem:s9+$0x0]  }
0x38d: {  	v12 =	vld.idx.msk [tilespmem:v12+s4+$0x0], $0xffff  }
0x38e: {  	v13 =	vld.idx.msk [tilespmem:v13+s4+$0x0], $0xffff  }
0x38f: {  	v14 =	vld.idx.msk [tilespmem:v14+s4+$0x0], $0xffff  }
0x390: {  	v15 =	vld.idx.msk [tilespmem:v16+s4+$0x0], $0xffff;
	v16 =	vadd.f32 v7, v10  }
0x391: {  	v17 =	vld [tilespmem:s17+$0x18A00]  }
0x392: {  	s0 =	sor.u32 s0, s16;
	[tilespmem:s17+$0x1A900] =	vst v16;
	v16 =	vld [tilespmem:s19+$0x18980]  }
0x393: {  	v7 =	vld [tilespmem:s0+$0x0];
	v12 =	vadd.f32 v12, v6  }
0x394: {  	v11 =	vld.idx.msk [tilespmem:v11+s4+$0x0], $0xffff;
	v13 =	vadd.f32 v13, v9  }
0x395: {  	[tilespmem:s13+$0x1A900] =	vst v12;
	s13 =	sor.u32 $0x300, s1;
	v12 =	vadd.f32 v14, v8;
	v14 =	vld [tilespmem:s7+$0x18980]  }
0x396: {  	[tilespmem:s19+$0x1A900] =	vst v13;
	v13 =	vld [tilespmem:s13+$0x18900]  }
0x397: {  	v19 =	vld [tilespmem:s19+$0x18A80]  }
0x398: {  	v15 =	vadd.f32 v15, v7;
	[tilespmem:s7+$0x1A900] =	vst v12;
	v12 =	vld [tilespmem:s2+$0x18980]  }
0x399: {  	v20 =	vld [tilespmem:s7+$0x18A80];
	v11 =	vadd.f32 v11, v10  }
0x39a: {  	[tilespmem:s2+$0x1A900] =	vst v15;
	v16 =	vld.idx.msk [tilespmem:v16+s4+$0x0], $0xffff  }
0x39b: {  	v15 =	vld [tilespmem:s7+$0x18A00];
	[tilespmem:s17+$0x1A980] =	vst v11  }
0x39c: {  	v17 =	vld.idx.msk [tilespmem:v17+s4+$0x0], $0xffff  }
0x39d: {  	v14 =	vld.idx.msk [tilespmem:v14+s4+$0x0], $0xffff  }
0x39e: {  	v13 =	vld.idx.msk [tilespmem:v13+s4+$0x0], $0xffff  }
0x39f: {  	v11 =	vld [tilespmem:s2+$0x18A00];
	v16 =	vadd.f32 v16, v9  }
0x3a0: {  	v12 =	vld.idx.msk [tilespmem:v12+s4+$0x0], $0xffff  }
0x3a1: {  	s20 =	rddreg [dreg:$0xa];
	v17 =	vadd.f32 v17, v10;
	[tilespmem:s19+$0x1A980] =	vst v16;
	v16 =	vld [tilespmem:s2+$0x18A80]  }
0x3a2: {  	s16 =	smov.u32 s15;
	s15 =	sor.u32 s11, s31;
	s21 =	rddreg [dreg:$0x1d];
	v18 =	vld.idx.msk [tilespmem:v18+s4+$0x0], $0xffff;
	v14 =	vadd.f32 v14, v8  }
0x3a3: {  	s1 =	sor.u32 $0x180, s15;
	[tilespmem:s17+$0x1AA00] =	vst v17;
	s17 =	rddreg [dreg:$0x8];
	v17 =	vld [tilespmem:s21+$0x18900];
	v13 =	vadd.f32 v13, v6  }
0x3a4: {  	s5 =	sor.u32 s17, s20;
	v21 =	vld [tilespmem:s1+$0x18900];
	[tilespmem:s7+$0x1A980] =	vst v14  }
0x3a5: {  	s22 =	smov.u32 s25;
	v12 =	vadd.f32 v12, v7;
	s25 =	sor.u32 $0x380, s5;
	[tilespmem:s13+$0x1A900] =	vst v13;
	v14 =	vld.idx.msk [tilespmem:v15+s4+$0x0], $0xffff  }
0x3a6: {  	s17 =	sld [smem:$0x7ED];
	v13 =	vld [tilespmem:s25+$0x18900]  }
0x3a7: {  	v15 =	vld [tilespmem:s28+$0x18900];
	[tilespmem:s2+$0x1A980] =	vst v12;
	v12 =	vadd.f32 v18, v9  }
0x3a8: {  	v11 =	vld.idx.msk [tilespmem:v11+s4+$0x0], $0xffff  }
0x3a9: {  	s11 =	rddreg [dreg:$0x18];
	v18 =	vld [tilespmem:s17+$0x18900];
	[tilespmem:s19+$0x1AA00] =	vst v12  }
0x3aa: {  	v22 =	vld [tilespmem:s11+$0x18900]  }
0x3ab: {  	v12 =	vld.idx.msk [tilespmem:v19+s4+$0x0], $0xffff;
	v14 =	vadd.f32 v14, v8  }
0x3ac: {  	v19 =	vld.idx.msk [tilespmem:v21+s4+$0x0], $0xffff  }
0x3ad: {  	[tilespmem:s7+$0x1AA00] =	vst v14;
	v14 =	vld.idx.msk [tilespmem:v17+s4+$0x0], $0xffff  }
0x3ae: {  	v11 =	vadd.f32 v11, v7;
	v13 =	vld.idx.msk [tilespmem:v13+s4+$0x0], $0xffff  }
0x3af: {  	v17 =	vld.idx.msk [tilespmem:v20+s4+$0x0], $0xffff  }
0x3b0: {  	v15 =	vld.idx.msk [tilespmem:v15+s4+$0x0], $0xffff;
	[tilespmem:s2+$0x1AA00] =	vst v11  }
0x3b1: {  	p1 =	por !p1, !p1;
	s5 =	simm.s32 $0x1;
	v11 =	vld.idx.msk [tilespmem:v16+s4+$0x0], $0xffff;
	v12 =	vadd.f32 v12, v9  }
0x3b2: {  	s3 =	smov.u32 s18;
	s5 =	simm.s32 @!p1 $0x0;
	v18 =	vld.idx.msk [tilespmem:v18+s4+$0x0], $0xffff;
	v16 =	vadd.f32 v19, v10  }
0x3b3: {  	s5 =	sshll.u32 s5, $0x6;
	[tilespmem:s19+$0x1AA80] =	vst v12;
	s19 =	rddreg [dreg:$0x1c];
	v12 =	vld [tilespmem:s3+$0x18900];
	v13 =	vadd.f32 v13, v6  }
0x3b4: {  	v19 =	vld [tilespmem:s19+$0x18900];
	[tilespmem:s1+$0x1A900] =	vst v16;
	s1 =	sadd.s32 s5, s30;
	v6 =	vmov v10;
	v10 =	vadd.f32 v14, v5  }
0x3b5: {  	s14 =	smov.u32 s8;
	s13 =	sor.u32 $0x200, s1;
	s8 =	sadd.s32 $0x10, s1;
	v14 =	vadd.f32 v17, v8;
	[tilespmem:s25+$0x1A900] =	vst v13;
	v13 =	vld.idx.msk [tilespmem:v22+s4+$0x0], $0xffff  }
0x3b6: {  	s26 =	sadd.s32 $0x20, s1;
	s5 =	sor.u32 $0x200, s8;
	[tilespmem:s21+$0x1A900] =	vst v10;
	v17 =	vld [tilespmem:s13+$0x18900]  }
0x3b7: {  	s20 =	sor.u32 $0x200, s26;
	v11 =	vadd.f32 v11, v7;
	[tilespmem:s7+$0x1AA80] =	vst v14;
	v10 =	vld [tilespmem:s5+$0x18900]  }
0x3b8: {  	s0 =	sadd.s32 $0x30, s1;
	v14 =	vadd.f32 v15, v3;
	v62 =	vld [tilespmem:s20+$0x18900]  }
0x3b9: {  	s29 =	sadd.s32 $0x4, s29;
	s10 =	sor.u32 $0x200, s0;
	[tilespmem:s2+$0x1AA80] =	vst v11;
	v11 =	vadd.f32 v18, v4;
	v63 =	vld [tilespmem:s16+$0x18900]  }
0x3ba: {  	p2 =	slt.u32 s29, $0x1C;
	s6 =	smov.u32 s31;
	v18 =	vld [tilespmem:s10+$0x18900];
	[tilespmem:s28+$0x1A900] =	vst v14  }
0x3bb: {  	s31 =	sadd.s32 $0x40, s31;
	[dreg:$0xa] =	wrdreg s6;
	s23 =	smov.u32 s30;
	[tilespmem:s17+$0x1A900] =	vst v11;
	v16 =	vld [tilespmem:s22+$0x18900]  }
0x3bc: {  	s18 =	smov.u32 s24;
	[dreg:$0x8] =	wrdreg s23;
	s30 =	sadd.s32 $0x200, s30;
	v15 =	vld [tilespmem:s14+$0x18900];
	v11 =	vadd.f32 v13, v2  }
0x3bd: {  	s15 =	sor.u32 $0x300, s8;
	s23 =	sor.u32 $0x280, s0;
	s9 =	sor.u32 $0x380, s8;
	v14 =	vld.idx.msk [tilespmem:v19+s4+$0x0], $0xffff  }
.Ltmp6:
0x3be: {  	s24 =	sor.u32 $0x380, s0;
	s21 =	sor.u32 $0x280, s8;
	[tilespmem:s11+$0x1A900] =	vst v11;
	v17 =	vld.idx.msk [tilespmem:v17+s4+$0x0], $0xffff;
	(pc) =	sbr.rel @p2 .LBB2_13-.Ltmp6, $4  }
0x3bf: {  	s7 =	sor.u32 $0x280, s26;
	s25 =	sor.u32 $0x300, s26;
	s26 =	sor.u32 $0x380, s26;
	v13 =	vld.idx.msk [tilespmem:v10+s4+$0x0], $0xffff  }
0x3c0: {  	s8 =	sor.u32 $0x300, s0;
	s6 =	smov.u32 s23;
	[dreg:$0x1d] =	wrdreg s21;
	v11 =	vld.idx.msk [tilespmem:v62+s4+$0x0], $0xffff  }
0x3c1: {  	s23 =	smov.u32 s14;
	s21 =	smov.u32 s16;
	s17 =	rddreg [dreg:$0x14];
	v2 =	vmov v5;
	v5 =	vmov v9;
	v9 =	vld.idx.msk [tilespmem:v63+s4+$0x0], $0xffff  }
0x3c2: {  	s28 =	smov.u32 s7;
	s14 =	smov.u32 s9;
	s11 =	smov.u32 s17;
	v10 =	vld.idx.msk [tilespmem:v18+s4+$0x0], $0xffff  }
0x3c3: {  	v17 =	vadd.f32 v17, v6  }
0x3c4: {  	v13 =	vadd.f32 v13, v5  }
0x3c5: {  	[tilespmem:s13+$0x1A900] =	vst v17;
	v11 =	vadd.f32 v11, v8  }
0x3c6: {  	s0 =	sor.u32 $0x280, s1;
	[tilespmem:s5+$0x1A900] =	vst v13  }
0x3c7: {  	v17 =	vld [tilespmem:s0+$0x18900];
	[tilespmem:s20+$0x1A900] =	vst v11  }
0x3c8: {  	s2 =	rddreg [dreg:$0x1d]  }
0x3c9: {  	v40 =	vld [tilespmem:s2+$0x18900];
	_ =	sdelay $0x1  }
0x3ca: {  	v10 =	vadd.f32 v10, v7  }
0x3cb: {  	v41 =	vld [tilespmem:s28+$0x18900]  }
0x3cc: {  	[tilespmem:s10+$0x1A900] =	vst v10  }
0x3cd: {  	v42 =	vld [tilespmem:s6+$0x18900]  }
0x3ce: {  	v17 =	vld.idx.msk [tilespmem:v17+s4+$0x0], $0xffff;
	_ =	sdelay $0x1  }
0x3cf: {  	v11 =	vld.idx.msk [tilespmem:v40+s4+$0x0], $0xffff;
	_ =	sdelay $0x2  }
0x3d0: {  	v10 =	vld.idx.msk [tilespmem:v41+s4+$0x0], $0xffff;
	v17 =	vadd.f32 v17, v6;
	_ =	sdelay $0x1  }
0x3d1: {  	s13 =	sor.u32 $0x300, s1;
	v13 =	vld.idx.msk [tilespmem:v42+s4+$0x0], $0xffff;
	[tilespmem:s0+$0x1A900] =	vst v17;
	v11 =	vadd.f32 v11, v5  }
0x3d2: {  	v17 =	vld [tilespmem:s13+$0x18900]  }
0x3d3: {  	[tilespmem:s2+$0x1A900] =	vst v11  }
0x3d4: {  	v10 =	vadd.f32 v10, v8;
	v44 =	vld [tilespmem:s15+$0x18900];
	_ =	sdelay $0x1  }
0x3d5: {  	v16 =	vld.idx.msk [tilespmem:v16+s4+$0x0], $0xffff;
	v43 =	vadd.f32 v13, v7;
	[tilespmem:s28+$0x1A900] =	vst v10  }
0x3d6: {  	v45 =	vld [tilespmem:s25+$0x18900]  }
0x3d7: {  	v15 =	vld.idx.msk [tilespmem:v15+s4+$0x0], $0xffff;
	[tilespmem:s6+$0x1A900] =	vst v43  }
0x3d8: {  	v46 =	vld [tilespmem:s8+$0x18900]  }
0x3d9: {  	v17 =	vld.idx.msk [tilespmem:v17+s4+$0x0], $0xffff  }
0x3da: {  	v9 =	vadd.f32 v9, v2  }
0x3db: {  	s16 =	rddreg [dreg:$0x8];
	v10 =	vld.idx.msk [tilespmem:v44+s4+$0x0], $0xffff  }
0x3dc: {  	v47 =	vadd.f32 v15, v4;
	s2 =	rddreg [dreg:$0xa];
	[tilespmem:s21+$0x1A900] =	vst v9  }
0x3dd: {  	v16 =	vadd.f32 v16, v3;
	v49 =	vld [tilespmem:s11+$0x18900]  }
0x3de: {  	[tilespmem:s23+$0x1A900] =	vst v47;
	v11 =	vld.idx.msk [tilespmem:v45+s4+$0x0], $0xffff;
	v17 =	vadd.f32 v17, v6  }
0x3df: {  	[tilespmem:s22+$0x1A900] =	vst v16;
	s1 =	sor.u32 s16, s2;
	v51 =	vld [tilespmem:s18+$0x18900]  }
0x3e0: {  	s17 =	sor.u32 $0x380, s1;
	v13 =	vld.idx.msk [tilespmem:v46+s4+$0x0], $0xffff;
	[tilespmem:s13+$0x1A900] =	vst v17;
	v10 =	vadd.f32 v10, v5  }
0x3e1: {  	v48 =	vld [tilespmem:s17+$0x18900];
	s20 =	rddreg [dreg:$0xf]  }
0x3e2: {  	v50 =	vld [tilespmem:s20+$0x18900];
	[tilespmem:s15+$0x1A900] =	vst v10  }
0x3e3: {  	v11 =	vadd.f32 v11, v8;
	v52 =	vld [tilespmem:s14+$0x18900]  }
0x3e4: {  	v12 =	vld.idx.msk [tilespmem:v12+s4+$0x0], $0xffff  }
0x3e5: {  	v16 =	vld.idx.msk [tilespmem:v49+s4+$0x0], $0xffff;
	v13 =	vadd.f32 v13, v7;
	[tilespmem:s25+$0x1A900] =	vst v11  }
0x3e6: {  	v53 =	vld [tilespmem:s26+$0x18900]  }
0x3e7: {  	v10 =	vld.idx.msk [tilespmem:v51+s4+$0x0], $0xffff;
	[tilespmem:s8+$0x1A900] =	vst v13  }
0x3e8: {  	v54 =	vld [tilespmem:s24+$0x18900]  }
0x3e9: {  	v15 =	vld.idx.msk [tilespmem:v48+s4+$0x0], $0xffff  }
0x3ea: {  	v0 =	vadd.f32 v14, v0;
	v9 =	vld.idx.msk [tilespmem:v50+s4+$0x0], $0xffff  }
0x3eb: {  	v1 =	vadd.f32 v12, v1;
	v11 =	vld.idx.msk [tilespmem:v52+s4+$0x0], $0xffff  }
0x3ec: {  	[tilespmem:s19+$0x1A900] =	vst v0;
	v57 =	vadd.f32 v16, v2  }
0x3ed: {  	[tilespmem:s3+$0x1A900] =	vst v1;
	v60 =	vadd.f32 v10, v4  }
0x3ee: {  	[tilespmem:s11+$0x1A900] =	vst v57;
	v55 =	vadd.f32 v15, v6  }
0x3ef: {  	[tilespmem:s18+$0x1A900] =	vst v60;
	v59 =	vadd.f32 v9, v3  }
0x3f0: {  	v56 =	vld.idx.msk [tilespmem:v53+s4+$0x0], $0xffff;
	[tilespmem:s17+$0x1A900] =	vst v55;
	v61 =	vadd.f32 v11, v5  }
0x3f1: {  	v58 =	vld.idx.msk [tilespmem:v54+s4+$0x0], $0xffff;
	[tilespmem:s20+$0x1A900] =	vst v59  }
0x3f2: {  	s7 =	sld [smem:$0x7EF];
	[tilespmem:s14+$0x1A900] =	vst v61  }
0x3f3: {  	s1 =	sld [smem:$0x7F9];
	_ =	sdelay $0x1  }
0x3f4: {  	v62 =	vadd.f32 v56, v8;
	s21 =	sshll.u32 s7, $0x13  }
0x3f5: {  	v63 =	vadd.f32 v58, v7;
	s0 =	sor.u32 s1, s21  }
0x3f6: {  	s22 =	rddreg [dreg:$0x3];
	s23 =	simm.s32 $0x80;
	[tilespmem:s26+$0x1A900] =	vst v62;
	s0 =	sshrl.u32 s0, $0x3  }
0x3f7: {  	s25 =	simm.s32 $0x1A900;
	[tilespmem:s24+$0x1A900] =	vst v63;
	s24 =	simm.s32 $0x8000;
	s0 =	sadd.s32 s22, s0  }
0x3f8: {  	[hbm4b:s0+s23] =	stream.strided.scatter [tilespmem:s25], [sflag:$0x3], $0x400, s24, s23, $0x38;
	[tilespmem:$0x1C900] =	vst v63  }
0x3f9: {  	s28 =	simm.s32 $0x1AD00;
	p1 =	sne.s32 s7, $0x3F;
	s26 =	sadd.s32 $0x80, s0  }
0x3fa: {  	[hbm4b:s26+s23] =	stream.strided.scatter [tilespmem:s28], [sflag:$0x3], $0x400, s24, s23, $0x38;
	[tilespmem:$0x1C900] =	vst v63  }
.Ltmp7:
0x3fb: {  	_ = 	snop;
	(pc) =	sbr.rel @p1 .LBB2_16-.Ltmp7, $4  }
0x3fc: {  	s30 =	simm.s32 $0x1B100;
	s29 =	sadd.s32 $0x100, s0  }
0x3fd: {  	[hbm4b:s29+s23] =	stream.strided.scatter [tilespmem:s30], [sflag:$0x3], $0x400, s24, s23, $0x38;
	[tilespmem:$0x1C900] =	vst v63  }
0x3fe: {  	s31 =	simm.s32 $0x1B500;
	s0 =	sadd.s32 $0x180, s0  }
0x3ff: {  	[hbm4b:s0+s23] =	stream.strided.scatter [tilespmem:s31], [sflag:$0x3], $0x400, s24, s23, $0x38;
	[tilespmem:$0x1C900] =	vst v63  }
.Ltmp8:
0x400: {  	(pc) =	sbr.rel .LBB2_17-.Ltmp8, $4  }
0x401: {  	s0 =	simm.s32 $0x2  }
0x402: {  	_ =	swait.ge [sflag:s0], $0x1000  }
0x403: {  	[sflag:s0] =	ssyncset.done $0x0  }
0x404: {  	[sflag:s0] =	ssyncadd.s32 $0xFFFFF000  }
.LBB2_16:
0x405: {  	s1 =	sld [smem:$0x7FA];
	_ =	sdelay $0x1  }
0x406: {  	s0 =	sshll.u32 s7, $0xA;
	s30 =	simm.s32 $0x18900  }
.Ltmp9:
0x407: {  	s31 =	simm.s32 $0x2;
	s0 =	sadd.s32 s0, s1;
	(pc) =	sbr.rel @p0 .LBB2_18-.Ltmp9, $4  }
0x408: {  	[tilespmem:s30], [sflag:$0x1] =	stream.linear.gather [hbm4b:s0+s4], $0x1000, $0x38;
	[tilespmem:$0x1C900] =	vst v63  }
0x409: {  	_ =	swait.ge [sflag:s31], $0x1000  }
0x40a: {  	[sflag:s31] =	ssyncset.done $0x0  }
0x40b: {  	[sflag:s31] =	ssyncadd.s32 $0xFFFFF000  }
.LBB2_17:
0x40c: {  	s0 =	simm.s32 $0x4  }
0x40d: {  	_ =	swait.ge [sflag:s0], $0x1000  }
0x40e: {  	[sflag:s0] =	ssyncset.done $0x0  }
0x40f: {  	[sflag:s0] =	ssyncadd.s32 $0xFFFFF000  }
.LBB2_18:
0x410: {  	s10 =	simm.s32 $0x0  }
0x411: {  	s2 =	sand.u32 $0x40, s10;
	s3 =	sand.u32 $0xC00, s10  }
0x412: {  	s6 =	sor.u32 s2, s3  }
0x413: {  	v0 =	vld [tilespmem:s6+$0x19900]  }
0x414: {  	s5 =	simm.s32 $0x18700;
	s7 =	sor.u32 $0x10, s2  }
0x415: {  	v10 =	vld [tilespmem:s5+$0x0];
	s8 =	sor.u32 $0x20, s2;
	s0 =	sor.u32 s3, s7  }
0x416: {  	s2 =	sor.u32 $0x30, s2;
	s1 =	sor.u32 s3, s8;
	v1 =	vld [tilespmem:s0+$0x19900]  }
0x417: {  	s22 =	sor.u32 s3, s2;
	v2 =	vld [tilespmem:s1+$0x19900]  }
0x418: {  	v4 =	vld [tilespmem:s22+$0x19900]  }
0x419: {  	s21 =	sand.u32 $0x180, s10;
	v3 =	vld [tilespmem:s6+$0x19980]  }
0x41a: {  	s9 =	sadd.s32 $0x18700, s21;
	v6 =	vld [tilespmem:s6+$0x19A00]  }
0x41b: {  	s7 =	sor.u32 s7, s9;
	v0 =	vld.idx.msk [tilespmem:v0+s4+$0x0], $0xffff  }
0x41c: {  	v9 =	vld [tilespmem:s7+$0x0]  }
0x41d: {  	v7 =	vld [tilespmem:s0+$0x19980]  }
0x41e: {  	v5 =	vld.idx.msk [tilespmem:v1+s4+$0x0], $0xffff  }
0x41f: {  	v2 =	vld.idx.msk [tilespmem:v2+s4+$0x0], $0xffff  }
0x420: {  	s23 =	sor.u32 s8, s9;
	v4 =	vld.idx.msk [tilespmem:v4+s4+$0x0], $0xffff;
	v1 =	vadd.f32 v0, v10  }
0x421: {  	s2 =	sor.u32 s2, s9;
	v0 =	vld [tilespmem:s23+$0x0]  }
0x422: {  	[tilespmem:s6+$0x1B900] =	vst v1;
	v1 =	vld [tilespmem:s2+$0x0]  }
0x423: {  	v3 =	vld.idx.msk [tilespmem:v3+s4+$0x0], $0xffff  }
0x424: {  	v11 =	vld [tilespmem:s22+$0x19980]  }
0x425: {  	v8 =	vld [tilespmem:s1+$0x19980];
	v5 =	vadd.f32 v5, v9  }
0x426: {  	v2 =	vadd.f32 v2, v0  }
0x427: {  	v12 =	vld [tilespmem:s0+$0x19A00];
	[tilespmem:s0+$0x1B900] =	vst v5;
	v4 =	vadd.f32 v4, v1  }
0x428: {  	v13 =	vld [tilespmem:s1+$0x19A00];
	[tilespmem:s1+$0x1B900] =	vst v2;
	v3 =	vadd.f32 v3, v10  }
0x429: {  	v2 =	vld.idx.msk [tilespmem:v7+s4+$0x0], $0xffff;
	[tilespmem:s22+$0x1B900] =	vst v4  }
0x42a: {  	v4 =	vld [tilespmem:s22+$0x19A00];
	[tilespmem:s6+$0x1B980] =	vst v3  }
0x42b: {  	v3 =	vld.idx.msk [tilespmem:v6+s4+$0x0], $0xffff  }
0x42c: {  	v6 =	vld.idx.msk [tilespmem:v11+s4+$0x0], $0xffff  }
0x42d: {  	v5 =	vld.idx.msk [tilespmem:v8+s4+$0x0], $0xffff;
	_ =	sdelay $0x1  }
0x42e: {  	v7 =	vld [tilespmem:s0+$0x19A80];
	v2 =	vadd.f32 v2, v9  }
0x42f: {  	v8 =	vld [tilespmem:s1+$0x19A80];
	v3 =	vadd.f32 v3, v10  }
0x430: {  	s24 =	sor.u32 s3, s10;
	v11 =	vld [tilespmem:s22+$0x19A80];
	[tilespmem:s0+$0x1B980] =	vst v2;
	v6 =	vadd.f32 v6, v1  }
0x431: {  	s2 =	sor.u32 $0x180, s24;
	[tilespmem:s6+$0x1BA00] =	vst v3;
	v3 =	vadd.f32 v5, v0;
	v5 =	vld.idx.msk [tilespmem:v12+s4+$0x0], $0xffff  }
0x432: {  	[tilespmem:s22+$0x1B980] =	vst v6;
	v2 =	vld [tilespmem:s2+$0x19900]  }
0x433: {  	v4 =	vld.idx.msk [tilespmem:v4+s4+$0x0], $0xffff;
	[tilespmem:s1+$0x1B980] =	vst v3  }
0x434: {  	v3 =	vld.idx.msk [tilespmem:v13+s4+$0x0], $0xffff;
	_ =	sdelay $0x1  }
0x435: {  	v5 =	vadd.f32 v5, v9;
	_ =	sdelay $0x1  }
0x436: {  	v4 =	vadd.f32 v4, v1;
	[tilespmem:s0+$0x1BA00] =	vst v5  }
0x437: {  	v3 =	vadd.f32 v3, v0;
	v5 =	vld.idx.msk [tilespmem:v7+s4+$0x0], $0xffff  }
0x438: {  	[tilespmem:s22+$0x1BA00] =	vst v4;
	v2 =	vld.idx.msk [tilespmem:v2+s4+$0x0], $0xffff  }
0x439: {  	v4 =	vld.idx.msk [tilespmem:v11+s4+$0x0], $0xffff;
	[tilespmem:s1+$0x1BA00] =	vst v3  }
0x43a: {  	v3 =	vld.idx.msk [tilespmem:v8+s4+$0x0], $0xffff  }
0x43b: {  	p0 =	por $0x0, $0x0;
	s3 =	simm.s32 $0x1  }
0x43c: {  	s3 =	simm.s32 @!p0 $0x0;
	v5 =	vadd.f32 v5, v9  }
0x43d: {  	s3 =	sshll.u32 s3, $0x6;
	v2 =	vadd.f32 v2, v10  }
0x43e: {  	s20 =	simm.s32 $0x18740;
	s12 =	sadd.s32 $0x0, s3;
	v4 =	vadd.f32 v4, v1;
	[tilespmem:s0+$0x1BA80] =	vst v5  }
0x43f: {  	s16 =	sor.u32 $0x200, s12;
	s9 =	sadd.s32 $0x10, s12;
	v11 =	vld [tilespmem:s20+$0x0];
	[tilespmem:s2+$0x1B900] =	vst v2;
	v2 =	vadd.f32 v3, v0  }
0x440: {  	s14 =	simm.s32 $0x40;
	s3 =	sadd.s32 $0x30, s12;
	s11 =	sor.u32 $0x200, s9;
	[tilespmem:s22+$0x1BA80] =	vst v4;
	v3 =	vld [tilespmem:s16+$0x19900]  }
0x441: {  	s7 =	sor.u32 $0x200, s3;
	s0 =	sadd.s32 $0x20, s12;
	v5 =	vld [tilespmem:s11+$0x19900];
	[tilespmem:s1+$0x1BA80] =	vst v2;
	s1 =	simm.s32 $0x200  }
0x442: {  	s25 =	sand.u32 $0x40, s14;
	s2 =	sor.u32 $0x200, s0;
	v4 =	vld [tilespmem:s7+$0x19900];
	s15 =	sand.u32 $0xC00, s1  }
0x443: {  	s17 =	sor.u32 $0x10, s25;
	v2 =	vld [tilespmem:s2+$0x19900];
	s13 =	sor.u32 s25, s15  }
0x444: {  	s18 =	sor.u32 $0x20, s25;
	s6 =	sor.u32 s15, s17;
	v6 =	vld [tilespmem:s13+$0x19900]  }
0x445: {  	s19 =	sor.u32 $0x30, s25;
	s8 =	sor.u32 s15, s18;
	v8 =	vld [tilespmem:s6+$0x19900]  }
0x446: {  	s5 =	sor.u32 s15, s19;
	v12 =	vld [tilespmem:s8+$0x19900]  }
0x447: {  	v13 =	vld [tilespmem:s5+$0x19900]  }
0x448: {  	v3 =	vld.idx.msk [tilespmem:v3+s4+$0x0], $0xffff  }
0x449: {  	v16 =	vld [tilespmem:s13+$0x19A00]  }
0x44a: {  	v17 =	vld [tilespmem:s6+$0x19980]  }
0x44b: {  	v18 =	vld [tilespmem:s8+$0x19980]  }
0x44c: {  	v7 =	vld.idx.msk [tilespmem:v2+s4+$0x0], $0xffff  }
0x44d: {  	v2 =	vadd.f32 v3, v10;
	v3 =	vld.idx.msk [tilespmem:v6+s4+$0x0], $0xffff  }
0x44e: {  	v6 =	vld [tilespmem:s13+$0x19980]  }
0x44f: {  	v19 =	vld [tilespmem:s5+$0x19980]  }
0x450: {  	v14 =	vld.idx.msk [tilespmem:v4+s4+$0x0], $0xffff  }
0x451: {  	s21 =	sor.u32 $0x280, s12;
	v8 =	vld.idx.msk [tilespmem:v8+s4+$0x0], $0xffff;
	[tilespmem:s16+$0x1B900] =	vst v2  }
0x452: {  	s26 =	sand.u32 $0x180, s14;
	v15 =	vld [tilespmem:s21+$0x19900]  }
0x453: {  	s20 =	sadd.s32 $0x18700, s26;
	v12 =	vld.idx.msk [tilespmem:v12+s4+$0x0], $0xffff;
	v4 =	vadd.f32 v3, v11  }
0x454: {  	s17 =	sor.u32 s17, s20;
	v13 =	vld.idx.msk [tilespmem:v13+s4+$0x0], $0xffff  }
0x455: {  	v2 =	vld [tilespmem:s17+$0x0];
	[tilespmem:s13+$0x1B900] =	vst v4  }
0x456: {  	s22 =	sor.u32 s18, s20;
	v6 =	vld.idx.msk [tilespmem:v6+s4+$0x0], $0xffff  }
0x457: {  	s23 =	sor.u32 s19, s20;
	v3 =	vld [tilespmem:s22+$0x0]  }
0x458: {  	v4 =	vld [tilespmem:s23+$0x0]  }
0x459: {  	v20 =	vld [tilespmem:s6+$0x19A00]  }
0x45a: {  	v8 =	vadd.f32 v8, v2;
	v15 =	vld.idx.msk [tilespmem:v15+s4+$0x0], $0xffff  }
0x45b: {  	v21 =	vld [tilespmem:s8+$0x19A00];
	v6 =	vadd.f32 v6, v11  }
0x45c: {  	v5 =	vld.idx.msk [tilespmem:v5+s4+$0x0], $0xffff;
	[tilespmem:s6+$0x1B900] =	vst v8  }
0x45d: {  	[tilespmem:s13+$0x1B980] =	vst v6;
	v6 =	vadd.f32 v12, v3;
	v12 =	vadd.f32 v13, v4;
	v13 =	vld.idx.msk [tilespmem:v17+s4+$0x0], $0xffff  }
0x45e: {  	v8 =	vld.idx.msk [tilespmem:v16+s4+$0x0], $0xffff  }
0x45f: {  	v15 =	vadd.f32 v15, v10;
	[tilespmem:s8+$0x1B900] =	vst v6;
	v6 =	vld [tilespmem:s5+$0x19A00]  }
0x460: {  	[tilespmem:s5+$0x1B900] =	vst v12;
	v12 =	vld.idx.msk [tilespmem:v18+s4+$0x0], $0xffff  }
0x461: {  	[tilespmem:s21+$0x1B900] =	vst v15;
	v15 =	vld.idx.msk [tilespmem:v19+s4+$0x0], $0xffff  }
0x462: {  	s12 =	sor.u32 $0x300, s12;
	v17 =	vld [tilespmem:s6+$0x19A80];
	v13 =	vadd.f32 v13, v2  }
0x463: {  	v16 =	vld [tilespmem:s12+$0x19900];
	v8 =	vadd.f32 v8, v11  }
0x464: {  	v18 =	vld [tilespmem:s8+$0x19A80];
	[tilespmem:s6+$0x1B980] =	vst v13  }
0x465: {  	s15 =	sor.u32 s15, s14;
	v13 =	vld [tilespmem:s5+$0x19A80];
	[tilespmem:s13+$0x1BA00] =	vst v8;
	v8 =	vadd.f32 v12, v3  }
0x466: {  	s24 =	sor.u32 $0x180, s15;
	v15 =	vadd.f32 v15, v4;
	v19 =	vld.idx.msk [tilespmem:v20+s4+$0x0], $0xffff  }
0x467: {  	v5 =	vadd.f32 v5, v9;
	v12 =	vld [tilespmem:s24+$0x19900];
	[tilespmem:s8+$0x1B980] =	vst v8  }
0x468: {  	[tilespmem:s5+$0x1B980] =	vst v15;
	v8 =	vld.idx.msk [tilespmem:v21+s4+$0x0], $0xffff  }
0x469: {  	s25 =	sor.u32 $0x280, s9;
	[tilespmem:s11+$0x1B900] =	vst v5;
	v7 =	vadd.f32 v7, v0;
	v5 =	vld.idx.msk [tilespmem:v6+s4+$0x0], $0xffff  }
0x46a: {  	v6 =	vld [tilespmem:s25+$0x19900]  }
0x46b: {  	s26 =	sor.u32 $0x280, s0;
	[tilespmem:s2+$0x1B900] =	vst v7;
	v15 =	vld.idx.msk [tilespmem:v16+s4+$0x0], $0xffff;
	v16 =	vadd.f32 v19, v2  }
0x46c: {  	v7 =	vadd.f32 v14, v1;
	v14 =	vld [tilespmem:s26+$0x19900]  }
0x46d: {  	[tilespmem:s6+$0x1BA00] =	vst v16  }
0x46e: {  	v8 =	vadd.f32 v8, v3;
	v16 =	vld.idx.msk [tilespmem:v17+s4+$0x0], $0xffff  }
0x46f: {  	[tilespmem:s7+$0x1B900] =	vst v7;
	s21 =	sor.u32 $0x280, s3;
	v5 =	vadd.f32 v5, v4;
	v7 =	vld.idx.msk [tilespmem:v12+s4+$0x0], $0xffff  }
0x470: {  	p0 =	por !p0, !p0;
	s2 =	simm.s32 $0x1;
	v12 =	vld [tilespmem:s21+$0x19900];
	[tilespmem:s8+$0x1BA00] =	vst v8  }
0x471: {  	s2 =	simm.s32 @!p0 $0x0;
	[tilespmem:s5+$0x1BA00] =	vst v5;
	v8 =	vld.idx.msk [tilespmem:v18+s4+$0x0], $0xffff  }
0x472: {  	s2 =	sshll.u32 s2, $0x6;
	v5 =	vadd.f32 v15, v10;
	v13 =	vld.idx.msk [tilespmem:v13+s4+$0x0], $0xffff  }
0x473: {  	s22 =	sor.u32 s10, s10;
	s20 =	sadd.s32 $0x200, s2;
	v6 =	vld.idx.msk [tilespmem:v6+s4+$0x0], $0xffff;
	v15 =	vadd.f32 v16, v2  }
0x474: {  	s16 =	sor.u32 $0x380, s22;
	s2 =	sadd.s32 $0x10, s20;
	[tilespmem:s12+$0x1B900] =	vst v5;
	v5 =	vld.idx.msk [tilespmem:v14+s4+$0x0], $0xffff;
	v7 =	vadd.f32 v7, v11  }
0x475: {  	s19 =	sor.u32 $0x200, s2;
	v14 =	vld [tilespmem:s16+$0x19900];
	[tilespmem:s6+$0x1BA80] =	vst v15  }
0x476: {  	s10 =	sor.u32 $0x200, s20;
	[tilespmem:s24+$0x1B900] =	vst v7;
	v7 =	vadd.f32 v8, v3;
	v15 =	vld [tilespmem:s19+$0x19900]  }
0x477: {  	s6 =	sadd.s32 $0x20, s20;
	v13 =	vadd.f32 v13, v4;
	v8 =	vld [tilespmem:s10+$0x19900]  }
0x478: {  	s7 =	sadd.s32 $0x30, s20;
	v6 =	vadd.f32 v6, v9;
	s18 =	sor.u32 $0x200, s6;
	v12 =	vld.idx.msk [tilespmem:v12+s4+$0x0], $0xffff;
	[tilespmem:s8+$0x1BA80] =	vst v7  }
0x479: {  	s17 =	sor.u32 $0x200, s7;
	v5 =	vadd.f32 v5, v0;
	[tilespmem:s5+$0x1BA80] =	vst v13;
	v7 =	vld [tilespmem:s18+$0x19900]  }
0x47a: {  	s13 =	sor.u32 $0x300, s9;
	[tilespmem:s25+$0x1B900] =	vst v6;
	v6 =	vld [tilespmem:s17+$0x19900]  }
0x47b: {  	s5 =	sor.u32 $0x300, s0;
	[tilespmem:s26+$0x1B900] =	vst v5;
	v5 =	vld [tilespmem:s13+$0x19900]  }
0x47c: {  	v16 =	vld [tilespmem:s5+$0x19900]  }
0x47d: {  	v13 =	vld.idx.msk [tilespmem:v14+s4+$0x0], $0xffff;
	v12 =	vadd.f32 v12, v1  }
0x47e: {  	v14 =	vld.idx.msk [tilespmem:v15+s4+$0x0], $0xffff  }
0x47f: {  	s8 =	sor.u32 $0x300, s3;
	[tilespmem:s21+$0x1B900] =	vst v12;
	v8 =	vld.idx.msk [tilespmem:v8+s4+$0x0], $0xffff  }
0x480: {  	v12 =	vld [tilespmem:s8+$0x19900]  }
0x481: {  	v15 =	vld.idx.msk [tilespmem:v7+s4+$0x0], $0xffff  }
0x482: {  	s28 =	simm.s32 $0x80;
	s23 =	simm.s32 $0x400;
	s24 =	simm.s32 $0x400;
	v17 =	vld.idx.msk [tilespmem:v6+s4+$0x0], $0xffff  }
0x483: {  	s11 =	sand.u32 $0x40, s28;
	s22 =	sand.u32 $0xC00, s23;
	v18 =	vld.idx.msk [tilespmem:v5+s4+$0x0], $0xffff;
	[dreg:$0x6] =	wrdreg s24  }
0x484: {  	s23 =	sor.u32 s11, s22;
	v16 =	vld.idx.msk [tilespmem:v16+s4+$0x0], $0xffff  }
0x485: {  	s25 =	sand.u32 $0x180, s28;
	v7 =	vld [tilespmem:s23+$0x19900]  }
0x486: {  	s12 =	sor.u32 $0x20, s11;
	s24 =	sadd.s32 $0x18700, s25;
	v23 =	vld [tilespmem:s23+$0x19980]  }
0x487: {  	s26 =	sor.u32 $0x10, s11;
	s25 =	sor.u32 s12, s24;
	v25 =	vld [tilespmem:s23+$0x19A00];
	v5 =	vadd.f32 v8, v11  }
0x488: {  	s15 =	sor.u32 s26, s24;
	v8 =	vld [tilespmem:s25+$0x0]  }
0x489: {  	s21 =	sor.u32 $0x280, s20;
	[tilespmem:s10+$0x1B900] =	vst v5;
	v5 =	vld [tilespmem:s15+$0x0]  }
0x48a: {  	s10 =	sor.u32 s22, s26;
	v19 =	vld [tilespmem:s21+$0x19900]  }
0x48b: {  	s15 =	sor.u32 s22, s12;
	v44 =	vld [tilespmem:s10+$0x19900]  }
0x48c: {  	s12 =	simm.s32 $0x18780;
	v45 =	vld [tilespmem:s15+$0x19900]  }
0x48d: {  	v6 =	vld [tilespmem:s12+$0x0]  }
0x48e: {  	s26 =	sor.u32 $0x30, s11;
	v12 =	vld.idx.msk [tilespmem:v12+s4+$0x0], $0xffff  }
0x48f: {  	s11 =	sor.u32 s22, s26;
	v46 =	vld [tilespmem:s10+$0x19980]  }
0x490: {  	v22 =	vld [tilespmem:s11+$0x19900]  }
0x491: {  	v26 =	vld [tilespmem:s15+$0x19980]  }
0x492: {  	v7 =	vld.idx.msk [tilespmem:v7+s4+$0x0], $0xffff  }
0x493: {  	v27 =	vld [tilespmem:s11+$0x19980]  }
0x494: {  	v19 =	vld.idx.msk [tilespmem:v19+s4+$0x0], $0xffff  }
0x495: {  	v20 =	vld.idx.msk [tilespmem:v44+s4+$0x0], $0xffff  }
0x496: {  	s24 =	sor.u32 s26, s24;
	v21 =	vld.idx.msk [tilespmem:v45+s4+$0x0], $0xffff  }
0x497: {  	v24 =	vadd.f32 v7, v6;
	v7 =	vld [tilespmem:s24+$0x0]  }
0x498: {  	v22 =	vld.idx.msk [tilespmem:v22+s4+$0x0], $0xffff  }
0x499: {  	v28 =	vld [tilespmem:s10+$0x19A00];
	v19 =	vadd.f32 v19, v11  }
0x49a: {  	v48 =	vld [tilespmem:s15+$0x19A00];
	[tilespmem:s23+$0x1B900] =	vst v24;
	v20 =	vadd.f32 v20, v5  }
0x49b: {  	s20 =	sor.u32 $0x300, s20;
	v23 =	vld.idx.msk [tilespmem:v23+s4+$0x0], $0xffff;
	[tilespmem:s21+$0x1B900] =	vst v19  }
0x49c: {  	v21 =	vadd.f32 v21, v8;
	[tilespmem:s10+$0x1B900] =	vst v20;
	v19 =	vld [tilespmem:s20+$0x19900]  }
0x49d: {  	v22 =	vadd.f32 v22, v7;
	v24 =	vld.idx.msk [tilespmem:v46+s4+$0x0], $0xffff  }
0x49e: {  	v50 =	vld [tilespmem:s10+$0x19A80];
	[tilespmem:s15+$0x1B900] =	vst v21  }
0x49f: {  	[tilespmem:s11+$0x1B900] =	vst v22;
	v21 =	vld.idx.msk [tilespmem:v26+s4+$0x0], $0xffff  }
0x4a0: {  	v47 =	vadd.f32 v23, v6;
	v22 =	vld.idx.msk [tilespmem:v27+s4+$0x0], $0xffff  }
0x4a1: {  	v14 =	vadd.f32 v14, v2;
	v51 =	vld [tilespmem:s15+$0x19A80]  }
0x4a2: {  	v49 =	vld [tilespmem:s11+$0x19A00];
	[tilespmem:s23+$0x1B980] =	vst v47;
	v24 =	vadd.f32 v24, v5  }
0x4a3: {  	[tilespmem:s19+$0x1B900] =	vst v14;
	v25 =	vld.idx.msk [tilespmem:v25+s4+$0x0], $0xffff  }
0x4a4: {  	s25 =	simm.s32 $0x80;
	v21 =	vadd.f32 v21, v8;
	[tilespmem:s10+$0x1B980] =	vst v24;
	v19 =	vld.idx.msk [tilespmem:v19+s4+$0x0], $0xffff  }
0x4a5: {  	v52 =	vld [tilespmem:s11+$0x19A80];
	v22 =	vadd.f32 v22, v7;
	[dreg:$0xc] =	wrdreg s25  }
0x4a6: {  	v15 =	vadd.f32 v15, v3;
	[tilespmem:s15+$0x1B980] =	vst v21  }
0x4a7: {  	v12 =	vadd.f32 v12, v1;
	s21 =	sor.u32 $0x280, s2;
	v14 =	vld.idx.msk [tilespmem:v28+s4+$0x0], $0xffff;
	[tilespmem:s11+$0x1B980] =	vst v22  }
0x4a8: {  	v25 =	vadd.f32 v25, v6;
	v53 =	vld [tilespmem:s21+$0x19900];
	[tilespmem:s18+$0x1B900] =	vst v15  }
0x4a9: {  	s26 =	sor.u32 s22, s28;
	[tilespmem:s8+$0x1B900] =	vst v12;
	v55 =	vld.idx.msk [tilespmem:v48+s4+$0x0], $0xffff;
	v19 =	vadd.f32 v19, v11  }
0x4aa: {  	s22 =	sor.u32 $0x180, s26;
	v15 =	vadd.f32 v18, v9;
	[tilespmem:s23+$0x1BA00] =	vst v25;
	v18 =	vld.idx.msk [tilespmem:v49+s4+$0x0], $0xffff  }
0x4ab: {  	s3 =	sor.u32 $0x380, s3;
	v17 =	vadd.f32 v17, v4;
	[tilespmem:s20+$0x1B900] =	vst v19;
	v19 =	vld [tilespmem:s22+$0x19900]  }
0x4ac: {  	s23 =	sor.u32 $0x280, s6;
	v12 =	vld [tilespmem:s3+$0x19900]  }
0x4ad: {  	s1 =	sor.u32 s1, s14;
	s25 =	sor.u32 $0x280, s7;
	[tilespmem:s17+$0x1B900] =	vst v17;
	v17 =	vld [tilespmem:s23+$0x19900]  }
0x4ae: {  	s19 =	sor.u32 $0x380, s1;
	[tilespmem:s13+$0x1B900] =	vst v15;
	v15 =	vld [tilespmem:s25+$0x19900];
	v14 =	vadd.f32 v14, v5  }
0x4af: {  	s17 =	sor.u32 $0x380, s9;
	v54 =	vld [tilespmem:s19+$0x19900]  }
0x4b0: {  	[tilespmem:s10+$0x1BA00] =	vst v14;
	v14 =	vld [tilespmem:s17+$0x19900]  }
0x4b1: {  	v22 =	vadd.f32 v55, v8;
	v56 =	vld.idx.msk [tilespmem:v50+s4+$0x0], $0xffff  }
0x4b2: {  	v18 =	vadd.f32 v18, v7;
	v57 =	vld.idx.msk [tilespmem:v53+s4+$0x0], $0xffff  }
0x4b3: {  	p0 =	por !p0, !p0;
	s1 =	simm.s32 $0x1;
	[tilespmem:s15+$0x1BA00] =	vst v22;
	v19 =	vld.idx.msk [tilespmem:v19+s4+$0x0], $0xffff  }
0x4b4: {  	s1 =	simm.s32 @!p0 $0x0;
	[tilespmem:s11+$0x1BA00] =	vst v18;
	v18 =	vld.idx.msk [tilespmem:v51+s4+$0x0], $0xffff  }
0x4b5: {  	v16 =	vadd.f32 v16, v0;
	s1 =	sshll.u32 s1, $0x6;
	v58 =	vld.idx.msk [tilespmem:v52+s4+$0x0], $0xffff  }
0x4b6: {  	s1 =	sadd.s32 $0x400, s1;
	v17 =	vld.idx.msk [tilespmem:v17+s4+$0x0], $0xffff;
	v20 =	vadd.f32 v56, v5  }
0x4b7: {  	s26 =	sadd.s32 $0x10, s1;
	[tilespmem:s5+$0x1B900] =	vst v16;
	v15 =	vld.idx.msk [tilespmem:v15+s4+$0x0], $0xffff  }
0x4b8: {  	s5 =	sor.u32 $0x200, s26;
	v21 =	vld.idx.msk [tilespmem:v54+s4+$0x0], $0xffff;
	[tilespmem:s10+$0x1BA80] =	vst v20;
	v16 =	vadd.f32 v19, v6  }
0x4b9: {  	s0 =	sor.u32 $0x380, s0;
	v60 =	vld [tilespmem:s5+$0x19900]  }
0x4ba: {  	s13 =	sor.u32 $0x200, s1;
	v22 =	vadd.f32 v57, v2;
	v19 =	vld [tilespmem:s0+$0x19900];
	[tilespmem:s22+$0x1B900] =	vst v16  }
0x4bb: {  	v16 =	vadd.f32 v18, v8;
	v59 =	vld [tilespmem:s13+$0x19900]  }
0x4bc: {  	s14 =	sor.u32 $0x300, s2;
	s30 =	sadd.s32 $0x20, s1;
	[tilespmem:s21+$0x1B900] =	vst v22;
	v18 =	vld.idx.msk [tilespmem:v14+s4+$0x0], $0xffff;
	v14 =	vadd.f32 v58, v7  }
0x4bd: {  	s31 =	sadd.s32 $0x30, s1;
	s20 =	sor.u32 $0x200, s30;
	v63 =	vld [tilespmem:s14+$0x19900];
	[tilespmem:s15+$0x1BA80] =	vst v16;
	v16 =	vadd.f32 v17, v3  }
0x4be: {  	s10 =	sor.u32 $0x200, s31;
	[tilespmem:s11+$0x1BA80] =	vst v14;
	v14 =	vadd.f32 v15, v4;
	v61 =	vld [tilespmem:s20+$0x19900]  }
0x4bf: {  	s15 =	sor.u32 $0x300, s6;
	v62 =	vld [tilespmem:s10+$0x19900];
	[tilespmem:s23+$0x1B900] =	vst v16  }
0x4c0: {  	s18 =	sor.u32 $0x300, s7;
	[tilespmem:s25+$0x1B900] =	vst v14;
	v16 =	vld [tilespmem:s15+$0x19900]  }
0x4c1: {  	s29 =	simm.s32 $0x8;
	s28 =	sor.u32 $0x280, s30;
	s24 =	sor.u32 $0x380, s6;
	v15 =	vld [tilespmem:s18+$0x19900]  }
0x4c2: {  	s9 =	sor.u32 $0x380, s2;
	s25 =	sor.u32 $0x280, s26;
	v14 =	vld.idx.msk [tilespmem:v19+s4+$0x0], $0xffff;
	[dreg:$0x10] =	wrdreg s24  }
0x4c3: {  	s8 =	sor.u32 $0x300, s26;
	s21 =	smov.u32 s14;
	v9 =	vadd.f32 v18, v9;
	v17 =	vld.idx.msk [tilespmem:v59+s4+$0x0], $0xffff;
	[dreg:$0x1f] =	wrdreg s25  }
0x4c4: {  	v10 =	vadd.f32 v13, v10;
	s6 =	sor.u32 $0x380, s26;
	s22 =	smov.u32 s15;
	s23 =	smov.u32 s18;
	v13 =	vld.idx.msk [tilespmem:v60+s4+$0x0], $0xffff  }
0x4c5: {  	s26 =	sor.u32 $0x380, s30;
	s18 =	sor.u32 $0x380, s7;
	s7 =	sor.u32 $0x280, s31;
	v19 =	vadd.f32 v21, v11;
	[tilespmem:s17+$0x1B900] =	vst v9;
	v9 =	vld.idx.msk [tilespmem:v63+s4+$0x0], $0xffff  }
0x4c6: {  	s15 =	sor.u32 $0x300, s31;
	s24 =	sor.u32 $0x380, s31;
	s31 =	simm.s32 $0xC0;
	[tilespmem:s16+$0x1B900] =	vst v10;
	v11 =	vld.idx.msk [tilespmem:v61+s4+$0x0], $0xffff  }
0x4c7: {  	s25 =	sor.u32 $0x300, s30;
	s30 =	simm.s32 $0x600;
	[tilespmem:s19+$0x1B900] =	vst v19;
	s19 =	smov.u32 s0;
	v10 =	vld.idx.msk [tilespmem:v62+s4+$0x0], $0xffff  }
.LBB2_19:
0x4c8: {  	[smem:$0x7EC] =	sst s9;
	s2 =	sand.u32 $0x40, s31;
	s11 =	sand.u32 $0xC00, s30;
	v16 =	vld.idx.msk [tilespmem:v16+s4+$0x0], $0xffff;
	v14 =	vadd.f32 v14, v0  }
0x4c9: {  	[smem:$0x7EB] =	sst s7;
	s17 =	sor.u32 s2, s11;
	v0 =	vmov v3;
	v3 =	vmov v8;
	v8 =	vadd.f32 v17, v6;
	v15 =	vld.idx.msk [tilespmem:v15+s4+$0x0], $0xffff  }
0x4ca: {  	[dreg:$0x16] =	wrdreg s6;
	v17 =	vld [tilespmem:s17+$0x19900];
	v13 =	vadd.f32 v13, v5;
	[tilespmem:s19+$0x1B900] =	vst v14  }
0x4cb: {  	s16 =	sand.u32 $0x180, s31;
	s9 =	sor.u32 $0x10, s2;
	[tilespmem:s13+$0x1B900] =	vst v8;
	s13 =	sor.u32 $0x280, s1;
	v8 =	vadd.f32 v11, v3;
	v11 =	vld.idx.msk [tilespmem:v12+s4+$0x0], $0xffff  }
0x4cc: {  	s7 =	smov.u32 s12;
	s14 =	sor.u32 $0x20, s2;
	v10 =	vadd.f32 v10, v7;
	s19 =	sor.u32 s11, s9;
	[tilespmem:s5+$0x1B900] =	vst v13;
	v12 =	vld [tilespmem:s13+$0x19900]  }
0x4cd: {  	s0 =	sor.u32 $0x30, s2;
	s6 =	sor.u32 s11, s14;
	s5 =	rddreg [dreg:$0x10];
	v13 =	vld [tilespmem:s19+$0x19900];
	[tilespmem:s20+$0x1B900] =	vst v8;
	v8 =	vadd.f32 v9, v2  }
0x4ce: {  	s16 =	sadd.s32 $0x18700, s16;
	s2 =	sor.u32 s11, s0;
	[tilespmem:s10+$0x1B900] =	vst v10;
	s12 =	smov.u32 s5;
	v14 =	vld [tilespmem:s6+$0x19900]  }
0x4cf: {  	[dreg:$0x1e] =	wrdreg s12;
	s12 =	sor.u32 s9, s16;
	v10 =	vadd.f32 v16, v0;
	v16 =	vld [tilespmem:s2+$0x19900];
	[tilespmem:s21+$0x1B900] =	vst v8  }
0x4d0: {  	v9 =	vld [tilespmem:s12+$0x0]  }
0x4d1: {  	v8 =	vadd.f32 v15, v4;
	s12 =	sadd.s32 $0x40, s7;
	v18 =	vld [tilespmem:s19+$0x19A00]  }
0x4d2: {  	[tilespmem:s22+$0x1B900] =	vst v10;
	v10 =	vld [tilespmem:s12+$0x0]  }
0x4d3: {  	[tilespmem:s23+$0x1B900] =	vst v8;
	v8 =	vadd.f32 v11, v1;
	v1 =	vmov v4;
	v4 =	vmov v7;
	v7 =	vld.idx.msk [tilespmem:v17+s4+$0x0], $0xffff  }
0x4d4: {  	s9 =	sor.u32 s14, s16;
	v11 =	vld [tilespmem:s17+$0x19980]  }
0x4d5: {  	[tilespmem:s3+$0x1B900] =	vst v8;
	v8 =	vld [tilespmem:s9+$0x0]  }
0x4d6: {  	v12 =	vld.idx.msk [tilespmem:v12+s4+$0x0], $0xffff  }
0x4d7: {  	v13 =	vld.idx.msk [tilespmem:v13+s4+$0x0], $0xffff  }
0x4d8: {  	v14 =	vld.idx.msk [tilespmem:v14+s4+$0x0], $0xffff  }
0x4d9: {  	v15 =	vld.idx.msk [tilespmem:v16+s4+$0x0], $0xffff;
	v16 =	vadd.f32 v7, v10  }
0x4da: {  	v17 =	vld [tilespmem:s17+$0x19A00]  }
0x4db: {  	s0 =	sor.u32 s0, s16;
	[tilespmem:s17+$0x1B900] =	vst v16;
	v16 =	vld [tilespmem:s19+$0x19980]  }
0x4dc: {  	v7 =	vld [tilespmem:s0+$0x0];
	v12 =	vadd.f32 v12, v6  }
0x4dd: {  	v11 =	vld.idx.msk [tilespmem:v11+s4+$0x0], $0xffff;
	v13 =	vadd.f32 v13, v9  }
0x4de: {  	s22 =	sor.u32 $0x300, s1;
	[tilespmem:s13+$0x1B900] =	vst v12;
	v12 =	vadd.f32 v14, v8;
	v14 =	vld [tilespmem:s6+$0x19980]  }
0x4df: {  	[tilespmem:s19+$0x1B900] =	vst v13;
	v13 =	vld [tilespmem:s22+$0x19900]  }
0x4e0: {  	v19 =	vld [tilespmem:s19+$0x19A80]  }
0x4e1: {  	v15 =	vadd.f32 v15, v7;
	[tilespmem:s6+$0x1B900] =	vst v12;
	v12 =	vld [tilespmem:s2+$0x19980]  }
0x4e2: {  	v20 =	vld [tilespmem:s6+$0x19A80];
	v11 =	vadd.f32 v11, v10  }
0x4e3: {  	[tilespmem:s2+$0x1B900] =	vst v15;
	v16 =	vld.idx.msk [tilespmem:v16+s4+$0x0], $0xffff  }
0x4e4: {  	v15 =	vld [tilespmem:s6+$0x19A00];
	[tilespmem:s17+$0x1B980] =	vst v11  }
0x4e5: {  	v17 =	vld.idx.msk [tilespmem:v17+s4+$0x0], $0xffff  }
0x4e6: {  	v14 =	vld.idx.msk [tilespmem:v14+s4+$0x0], $0xffff  }
0x4e7: {  	v13 =	vld.idx.msk [tilespmem:v13+s4+$0x0], $0xffff  }
0x4e8: {  	v11 =	vld [tilespmem:s2+$0x19A00];
	v16 =	vadd.f32 v16, v9  }
0x4e9: {  	v12 =	vld.idx.msk [tilespmem:v12+s4+$0x0], $0xffff  }
0x4ea: {  	s20 =	smov.u32 s26;
	s26 =	rddreg [dreg:$0x1f];
	s23 =	sor.u32 s11, s31;
	v17 =	vadd.f32 v17, v10;
	[tilespmem:s19+$0x1B980] =	vst v16;
	v16 =	vld [tilespmem:s2+$0x19A80]  }
0x4eb: {  	s21 =	smov.u32 s25;
	s25 =	rddreg [dreg:$0xc];
	s1 =	sor.u32 $0x180, s23;
	v18 =	vld.idx.msk [tilespmem:v18+s4+$0x0], $0xffff;
	v14 =	vadd.f32 v14, v8  }
0x4ec: {  	s3 =	smov.u32 s18;
	s18 =	smov.u32 s24;
	s24 =	rddreg [dreg:$0x6];
	[tilespmem:s17+$0x1BA00] =	vst v17;
	v17 =	vld [tilespmem:s26+$0x19900];
	v13 =	vadd.f32 v13, v6  }
0x4ed: {  	s5 =	sor.u32 s24, s25;
	v21 =	vld [tilespmem:s1+$0x19900];
	[tilespmem:s6+$0x1B980] =	vst v14  }
0x4ee: {  	s9 =	sor.u32 $0x380, s5;
	v12 =	vadd.f32 v12, v7;
	[tilespmem:s22+$0x1B900] =	vst v13;
	v14 =	vld.idx.msk [tilespmem:v15+s4+$0x0], $0xffff  }
0x4ef: {  	s22 =	sld [smem:$0x7EB];
	v13 =	vld [tilespmem:s9+$0x19900]  }
0x4f0: {  	s17 =	sld [smem:$0x7EC];
	v15 =	vld [tilespmem:s28+$0x19900];
	[tilespmem:s2+$0x1B980] =	vst v12;
	v12 =	vadd.f32 v18, v9  }
0x4f1: {  	v11 =	vld.idx.msk [tilespmem:v11+s4+$0x0], $0xffff  }
0x4f2: {  	v18 =	vld [tilespmem:s22+$0x19900];
	[tilespmem:s19+$0x1BA00] =	vst v12  }
0x4f3: {  	v22 =	vld [tilespmem:s17+$0x19900]  }
0x4f4: {  	v12 =	vld.idx.msk [tilespmem:v19+s4+$0x0], $0xffff;
	v14 =	vadd.f32 v14, v8  }
0x4f5: {  	v19 =	vld.idx.msk [tilespmem:v21+s4+$0x0], $0xffff  }
0x4f6: {  	[tilespmem:s6+$0x1BA00] =	vst v14;
	v14 =	vld.idx.msk [tilespmem:v17+s4+$0x0], $0xffff  }
0x4f7: {  	v11 =	vadd.f32 v11, v7;
	v13 =	vld.idx.msk [tilespmem:v13+s4+$0x0], $0xffff  }
0x4f8: {  	v17 =	vld.idx.msk [tilespmem:v20+s4+$0x0], $0xffff  }
0x4f9: {  	v15 =	vld.idx.msk [tilespmem:v15+s4+$0x0], $0xffff;
	[tilespmem:s2+$0x1BA00] =	vst v11  }
0x4fa: {  	p0 =	por !p0, !p0;
	s5 =	simm.s32 $0x1;
	v11 =	vld.idx.msk [tilespmem:v16+s4+$0x0], $0xffff;
	v12 =	vadd.f32 v12, v9  }
0x4fb: {  	s5 =	simm.s32 @!p0 $0x0;
	v16 =	vadd.f32 v19, v10;
	v18 =	vld.idx.msk [tilespmem:v18+s4+$0x0], $0xffff  }
0x4fc: {  	s5 =	sshll.u32 s5, $0x6;
	[tilespmem:s19+$0x1BA80] =	vst v12;
	s19 =	rddreg [dreg:$0x1e];
	v12 =	vld [tilespmem:s3+$0x19900];
	v13 =	vadd.f32 v13, v6  }
0x4fd: {  	s10 =	smov.u32 s31;
	v19 =	vld [tilespmem:s19+$0x19900];
	[tilespmem:s1+$0x1B900] =	vst v16;
	s1 =	sadd.s32 s5, s30;
	v6 =	vmov v10;
	v10 =	vadd.f32 v14, v5  }
0x4fe: {  	s14 =	smov.u32 s15;
	s13 =	sor.u32 $0x200, s1;
	s11 =	sadd.s32 $0x10, s1;
	v14 =	vadd.f32 v17, v8;
	[tilespmem:s9+$0x1B900] =	vst v13;
	v13 =	vld.idx.msk [tilespmem:v22+s4+$0x0], $0xffff  }
0x4ff: {  	[dreg:$0x10] =	wrdreg s20;
	s15 =	sadd.s32 $0x20, s1;
	s5 =	sor.u32 $0x200, s11;
	[tilespmem:s26+$0x1B900] =	vst v10;
	v17 =	vld [tilespmem:s13+$0x19900]  }
0x500: {  	s16 =	smov.u32 s8;
	[dreg:$0xc] =	wrdreg s10;
	s20 =	sor.u32 $0x200, s15;
	v11 =	vadd.f32 v11, v7;
	[tilespmem:s6+$0x1BA80] =	vst v14;
	v10 =	vld [tilespmem:s5+$0x19900]  }
0x501: {  	[dreg:$0x17] =	wrdreg s21;
	s0 =	sadd.s32 $0x30, s1;
	s21 =	sor.u32 $0x280, s11;
	v14 =	vadd.f32 v15, v3;
	v62 =	vld [tilespmem:s20+$0x19900]  }
0x502: {  	s10 =	sor.u32 $0x200, s0;
	[dreg:$0x1f] =	wrdreg s21;
	[tilespmem:s2+$0x1BA80] =	vst v11;
	v11 =	vadd.f32 v18, v4;
	v63 =	vld [tilespmem:s16+$0x19900]  }
0x503: {  	s21 =	smov.u32 s16;
	s16 =	rddreg [dreg:$0x17];
	v18 =	vld [tilespmem:s10+$0x19900];
	[tilespmem:s28+$0x1B900] =	vst v14  }
0x504: {  	s29 =	sadd.s32 $0x4, s29;
	[tilespmem:s22+$0x1B900] =	vst v11;
	v16 =	vld [tilespmem:s16+$0x19900]  }
0x505: {  	p1 =	slt.u32 s29, $0x1C;
	s8 =	smov.u32 s30;
	s31 =	sadd.s32 $0x40, s31;
	v15 =	vld [tilespmem:s14+$0x19900];
	v11 =	vadd.f32 v13, v2  }
0x506: {  	[dreg:$0x6] =	wrdreg s8;
	s30 =	sadd.s32 $0x200, s30;
	s8 =	sor.u32 $0x300, s11;
	v14 =	vld.idx.msk [tilespmem:v19+s4+$0x0], $0xffff  }
.Ltmp10:
0x507: {  	s25 =	sor.u32 $0x300, s15;
	s23 =	sor.u32 $0x280, s0;
	[tilespmem:s17+$0x1B900] =	vst v11;
	v17 =	vld.idx.msk [tilespmem:v17+s4+$0x0], $0xffff;
	(pc) =	sbr.rel @p1 .LBB2_19-.Ltmp10, $4  }
0x508: {  	s11 =	sor.u32 $0x380, s11;
	s24 =	sor.u32 $0x380, s0;
	s6 =	sor.u32 $0x280, s15;
	v13 =	vld.idx.msk [tilespmem:v10+s4+$0x0], $0xffff  }
0x509: {  	s26 =	sor.u32 $0x380, s15;
	s15 =	sor.u32 $0x300, s0;
	s7 =	smov.u32 s23;
	v11 =	vld.idx.msk [tilespmem:v62+s4+$0x0], $0xffff  }
0x50a: {  	s23 =	smov.u32 s14;
	s28 =	smov.u32 s6;
	v2 =	vmov v5;
	v5 =	vmov v9;
	s17 =	rddreg [dreg:$0x16];
	v9 =	vld.idx.msk [tilespmem:v63+s4+$0x0], $0xffff  }
0x50b: {  	s6 =	smov.u32 s11;
	s22 =	smov.u32 s16;
	s9 =	smov.u32 s17;
	v10 =	vld.idx.msk [tilespmem:v18+s4+$0x0], $0xffff  }
0x50c: {  	v17 =	vadd.f32 v17, v6  }
0x50d: {  	v13 =	vadd.f32 v13, v5  }
0x50e: {  	[tilespmem:s13+$0x1B900] =	vst v17;
	v11 =	vadd.f32 v11, v8  }
0x50f: {  	s0 =	sor.u32 $0x280, s1;
	[tilespmem:s5+$0x1B900] =	vst v13  }
0x510: {  	v17 =	vld [tilespmem:s0+$0x19900];
	[tilespmem:s20+$0x1B900] =	vst v11  }
0x511: {  	v10 =	vadd.f32 v10, v7;
	s2 =	rddreg [dreg:$0x1f]  }
0x512: {  	v40 =	vld [tilespmem:s2+$0x19900]  }
0x513: {  	v41 =	vld [tilespmem:s28+$0x19900];
	[tilespmem:s10+$0x1B900] =	vst v10  }
0x514: {  	v42 =	vld [tilespmem:s7+$0x19900];
	_ =	sdelay $0x3  }
0x515: {  	v17 =	vld.idx.msk [tilespmem:v17+s4+$0x0], $0xffff;
	_ =	sdelay $0x1  }
0x516: {  	v11 =	vld.idx.msk [tilespmem:v40+s4+$0x0], $0xffff  }
0x517: {  	v10 =	vld.idx.msk [tilespmem:v41+s4+$0x0], $0xffff  }
0x518: {  	v13 =	vld.idx.msk [tilespmem:v42+s4+$0x0], $0xffff  }
0x519: {  	v17 =	vadd.f32 v17, v6;
	_ =	sdelay $0x1  }
0x51a: {  	s14 =	sor.u32 $0x300, s1;
	[tilespmem:s0+$0x1B900] =	vst v17;
	v11 =	vadd.f32 v11, v5  }
0x51b: {  	v10 =	vadd.f32 v10, v8;
	v17 =	vld [tilespmem:s14+$0x19900]  }
0x51c: {  	v43 =	vadd.f32 v13, v7;
	[tilespmem:s2+$0x1B900] =	vst v11  }
0x51d: {  	[tilespmem:s28+$0x1B900] =	vst v10;
	v44 =	vld [tilespmem:s8+$0x19900]  }
0x51e: {  	v45 =	vld [tilespmem:s25+$0x19900];
	[tilespmem:s7+$0x1B900] =	vst v43  }
0x51f: {  	v46 =	vld [tilespmem:s15+$0x19900];
	_ =	sdelay $0x1  }
0x520: {  	v16 =	vld.idx.msk [tilespmem:v16+s4+$0x0], $0xffff  }
0x521: {  	v15 =	vld.idx.msk [tilespmem:v15+s4+$0x0], $0xffff  }
0x522: {  	v17 =	vld.idx.msk [tilespmem:v17+s4+$0x0], $0xffff;
	_ =	sdelay $0x1  }
0x523: {  	v9 =	vadd.f32 v9, v2;
	v10 =	vld.idx.msk [tilespmem:v44+s4+$0x0], $0xffff  }
0x524: {  	v16 =	vadd.f32 v16, v3;
	s16 =	rddreg [dreg:$0x6];
	v11 =	vld.idx.msk [tilespmem:v45+s4+$0x0], $0xffff  }
0x525: {  	v47 =	vadd.f32 v15, v4;
	s2 =	rddreg [dreg:$0xc];
	[tilespmem:s21+$0x1B900] =	vst v9;
	v13 =	vld.idx.msk [tilespmem:v46+s4+$0x0], $0xffff  }
0x526: {  	[tilespmem:s22+$0x1B900] =	vst v16;
	v17 =	vadd.f32 v17, v6  }
0x527: {  	[tilespmem:s23+$0x1B900] =	vst v47;
	s1 =	sor.u32 s16, s2;
	v49 =	vld [tilespmem:s9+$0x19900]  }
0x528: {  	v51 =	vld [tilespmem:s18+$0x19900];
	s17 =	sor.u32 $0x380, s1;
	[tilespmem:s14+$0x1B900] =	vst v17;
	v10 =	vadd.f32 v10, v5  }
0x529: {  	v11 =	vadd.f32 v11, v8;
	v48 =	vld [tilespmem:s17+$0x19900];
	s20 =	rddreg [dreg:$0x10]  }
0x52a: {  	v50 =	vld [tilespmem:s20+$0x19900];
	v13 =	vadd.f32 v13, v7;
	[tilespmem:s8+$0x1B900] =	vst v10  }
0x52b: {  	[tilespmem:s25+$0x1B900] =	vst v11;
	v52 =	vld [tilespmem:s6+$0x19900]  }
0x52c: {  	v53 =	vld [tilespmem:s26+$0x19900];
	[tilespmem:s15+$0x1B900] =	vst v13  }
0x52d: {  	v54 =	vld [tilespmem:s24+$0x19900]  }
0x52e: {  	v12 =	vld.idx.msk [tilespmem:v12+s4+$0x0], $0xffff  }
0x52f: {  	v16 =	vld.idx.msk [tilespmem:v49+s4+$0x0], $0xffff  }
0x530: {  	v10 =	vld.idx.msk [tilespmem:v51+s4+$0x0], $0xffff  }
0x531: {  	v15 =	vld.idx.msk [tilespmem:v48+s4+$0x0], $0xffff  }
0x532: {  	v0 =	vadd.f32 v14, v0;
	v9 =	vld.idx.msk [tilespmem:v50+s4+$0x0], $0xffff  }
0x533: {  	v1 =	vadd.f32 v12, v1;
	v11 =	vld.idx.msk [tilespmem:v52+s4+$0x0], $0xffff  }
0x534: {  	[tilespmem:s19+$0x1B900] =	vst v0;
	v57 =	vadd.f32 v16, v2;
	v56 =	vld.idx.msk [tilespmem:v53+s4+$0x0], $0xffff  }
0x535: {  	[tilespmem:s3+$0x1B900] =	vst v1;
	v60 =	vadd.f32 v10, v4;
	v58 =	vld.idx.msk [tilespmem:v54+s4+$0x0], $0xffff  }
0x536: {  	[tilespmem:s9+$0x1B900] =	vst v57;
	v55 =	vadd.f32 v15, v6  }
0x537: {  	[tilespmem:s18+$0x1B900] =	vst v60;
	v59 =	vadd.f32 v9, v3  }
0x538: {  	[tilespmem:s17+$0x1B900] =	vst v55;
	v61 =	vadd.f32 v11, v5  }
0x539: {  	v62 =	vadd.f32 v56, v8;
	[tilespmem:s20+$0x1B900] =	vst v59  }
0x53a: {  	s0 =	sld [smem:$0x7EE];
	v63 =	vadd.f32 v58, v7;
	[tilespmem:s6+$0x1B900] =	vst v61  }
0x53b: {  	s1 =	sld [smem:$0x7F9];
	[tilespmem:s26+$0x1B900] =	vst v62  }
0x53c: {  	[tilespmem:s24+$0x1B900] =	vst v63  }
0x53d: {  	s0 =	sshll.u32 s0, $0x12;
	s31 =	sld [smem:$0x7EF]  }
0x53e: {  	s21 =	rddreg [dreg:$0x3];
	s0 =	sor.u32 s1, s0  }
0x53f: {  	s22 =	simm.s32 $0x80;
	s23 =	simm.s32 $0x8000;
	s0 =	sshrl.u32 s0, $0x3  }
0x540: {  	s24 =	simm.s32 $0x1B900;
	s2 =	sadd.s32 $0x1, s31;
	s0 =	sadd.s32 s21, s0  }
0x541: {  	[hbm4b:s0+s22] =	stream.strided.scatter [tilespmem:s24], [sflag:$0x4], $0x400, s23, s22, $0x38;
	[tilespmem:$0x1C900] =	vst v63  }
0x542: {  	s26 =	simm.s32 $0x1BD00;
	p0 =	sne.s32 s2, $0x40;
	s25 =	sadd.s32 $0x80, s0  }
0x543: {  	[hbm4b:s25+s22] =	stream.strided.scatter [tilespmem:s26], [sflag:$0x4], $0x400, s23, s22, $0x38;
	[tilespmem:$0x1C900] =	vst v63  }
.Ltmp11:
0x544: {  	_ = 	snop;
	(pc) =	sbr.rel @p0 .LBB2_12-.Ltmp11, $4  }
0x545: {  	s29 =	simm.s32 $0x1C100;
	s28 =	sadd.s32 $0x100, s0  }
0x546: {  	[hbm4b:s28+s22] =	stream.strided.scatter [tilespmem:s29], [sflag:$0x4], $0x400, s23, s22, $0x38;
	[tilespmem:$0x1C900] =	vst v63  }
0x547: {  	s30 =	simm.s32 $0x1C500;
	s0 =	sadd.s32 $0x180, s0  }
0x548: {  	[hbm4b:s0+s22] =	stream.strided.scatter [tilespmem:s30], [sflag:$0x4], $0x400, s23, s22, $0x38;
	[tilespmem:$0x1C900] =	vst v63  }
0x549: {  	s0 =	simm.s32 $0x3  }
0x54a: {  	_ =	swait.ge [sflag:s0], $0x1000  }
0x54b: {  	[sflag:s0] =	ssyncset.done $0x0  }
0x54c: {  	s1 =	simm.s32 $0x4;
	[sflag:s0] =	ssyncadd.s32 $0xFFFFF000  }
0x54d: {  	_ =	swait.ge [sflag:s1], $0x1000  }
0x54e: {  	s2 =	sld [smem:$0x7F5]  }
0x54f: {  	s31 =	sld [smem:$0x7FD];
	_ =	sdelay $0x1  }
0x550: {  	s2 =	sadd.s32 $0x1, s2  }
0x551: {  	p0 =	sne.s32 s2, s31  }
.Ltmp12:
0x552: {  	_ = 	snop;
	(pc) =	sbr.rel @p0 .LBB2_1-.Ltmp12, $3  }
0x553: {  	_ =	sdelay $0x1  }
0x554: {  	[sflag:s1] =	ssyncset.done $0x0  }
0x555: {  	[sflag:s1] =	ssyncadd.s32 $0xFFFFF000  }
0x556: {  	_ =	sfence.sel $0x180000  }
0x557: {  	[bflag:$0x0] =	sbarrier.arrive $0xFFFF  }
0x558: {  	_ =	strace $0x90000047  }
0x559: {  	s0 =	stileid.u32;
	[bflag:$0x2] =	sbarrier.arrive $0xFFFF  }
0x55a: {  	p0 =	sne.s32 s0, $0x0;
	s0 =	rddreg [dreg:$0x4]  }
0x55b: {  	s0 =	sadd.s32 @!p0 $0x100000, s0  }
0x55c: {  	[sflag:s0] =	ssyncadd.tile.s32 @!p0 $0x1;
	_ =	shalt  }
.Lfunc_end2:
_tile_overlayer_lowered:
.L_overlay_start_2:
0x55d: {  	(tag) =	ssettag $0x2  }
0x55e: {  	s0 =	rddreg [dreg:$0x0];
	s2 =	stileid.u32  }
0x55f: {  	s1 =	rddreg [dreg:$0x1];
	p0 =	sne.s32 s2, $0x0  }
0x560: {  	s3 =	rddreg [dreg:$0x2];
	[bflag:$0x3] =	sbarrier.arrive $0xFFFF;
	s2 =	simm.s32 @!p0 $0x1C06  }
0x561: {  	[timem:s3], [sflag:s2] =	dma.local @!p0 [hbm:s0], s1  }
0x562: {  	s0 =	simm.s32 @!p0 $0x6  }
0x563: {  	_ =	swait.ge @!p0 [sflag:s0], s1  }
0x564: {  	s1 =	ssub.s32 @!p0 $0x0, s1;
	[sflag:s0] =	ssyncset.done @!p0 $0x0  }
0x565: {  	[sflag:s0] =	ssyncadd.s32 @!p0 s1  }
0x566: {  	[bflag:$0x3] =	sbarrier.arrive $0xFFFF  }
0x567: {  	_ =	shalt  }

</sc_bundles>
